<compile_context>
chip_gen: v7x
topology: tpu7x:2x2x1
jax: 0.10.2.dev20260603
libtpu: 0.0.44.dev20260713+nightly
codegen_flags: <defaults>
</compile_context>

<pallas_src>
import functools

import jax
import jax.numpy as jnp
from jax import lax
from jax.experimental import pallas as pl
from jax.experimental.pallas import tpu as pltpu
from jax.experimental.pallas import tpu_sc as plsc

_N = 50000
_C = 10000
_D = 768
_LANES = 16
_NCH = _D // _LANES
_NW = 32
_PER_W = 1568
_B = 32
_NBLK = _PER_W // _B
_STRIDE = _LANES + 1

_EPS_PLAIN_SQ = 0.4 * 0.4
_EPS_MOD_SQ = 0.6 * 0.6


def _sc_body(x_hbm, mem_hbm, pid_hbm, out_hbm,
             idx_v, x_v, r_v, o_v, td_v, tx_v, tm_v, sem):
    w = lax.axis_index("s") * 2 + lax.axis_index("c")
    lane = lax.iota(jnp.int32, _LANES)

    def blk(i, carry):
        base = jnp.minimum(w * _PER_W + i * _B, _N - _B)
        pltpu.sync_copy(pid_hbm.at[pl.ds(base, _B)], idx_v)
        g = pltpu.async_copy(mem_hbm.at[idx_v], r_v, sem)
        f = pltpu.async_copy(x_hbm.at[pl.ds(base, _B)], x_v, sem)
        g.wait()
        f.wait()

        for grp in range(_B // _LANES):
            def row(j16, c2):
                j = grp * _LANES + j16
                accd = jnp.zeros((_LANES,), jnp.float32)
                accx = jnp.zeros((_LANES,), jnp.float32)
                accm = jnp.zeros((_LANES,), jnp.float32)
                for k in range(_NCH):
                    xk = x_v[j, pl.ds(k * _LANES, _LANES)]
                    rk = r_v[j, pl.ds(k * _LANES, _LANES)]
                    accd = accd + xk * rk
                    accx = accx + xk * xk
                    accm = accm + rk * rk
                sidx = _STRIDE * lane + j16
                plsc.store_scatter(td_v, [sidx], accd)
                plsc.store_scatter(tx_v, [sidx], accx)
                plsc.store_scatter(tm_v, [sidx], accm)
                return c2

            lax.fori_loop(0, _LANES, row, 0, unroll=2)

            d = jnp.zeros((_LANES,), jnp.float32)
            xs = jnp.zeros((_LANES,), jnp.float32)
            ms = jnp.zeros((_LANES,), jnp.float32)
            for l in range(_LANES):
                gidx = lane + (_STRIDE * l)
                d = d + plsc.load_gather(td_v, [gidx])
                xs = xs + plsc.load_gather(tx_v, [gidx])
                ms = ms + plsc.load_gather(tm_v, [gidx])

            pos = d > 0.0
            d2 = d * d
            xm = xs * ms
            is_mod = jnp.logical_and(pos, d2 >= _EPS_MOD_SQ * xm)
            is_pla = jnp.logical_and(pos, d2 >= _EPS_PLAIN_SQ * xm)
            cls = 2 - is_pla.astype(jnp.int32) - is_mod.astype(jnp.int32)
            o_v[pl.ds(grp * _LANES, _LANES)] = cls

        pltpu.sync_copy(o_v, out_hbm.at[pl.ds(base, _B)])
        return carry

    lax.fori_loop(0, _NBLK, blk, 0)


@jax.jit
def _run(x, mem, pid):
    mesh = plsc.VectorSubcoreMesh(core_axis_name="c", subcore_axis_name="s")
    k = functools.partial(
        pl.kernel,
        mesh=mesh,
        compiler_params=pltpu.CompilerParams(needs_layout_passes=False),
        out_type=jax.ShapeDtypeStruct((_N,), jnp.int32),
        scratch_types=[
            pltpu.VMEM((_B,), jnp.int32),
            pltpu.VMEM((_B, _D), jnp.float32),
            pltpu.VMEM((_B, _D), jnp.float32),
            pltpu.VMEM((_B,), jnp.int32),
            pltpu.VMEM((_STRIDE * _LANES,), jnp.float32),
            pltpu.VMEM((_STRIDE * _LANES,), jnp.float32),
            pltpu.VMEM((_STRIDE * _LANES,), jnp.float32),
            pltpu.SemaphoreType.DMA,
        ],
    )(_sc_body)
    return k(x, mem, pid)


def kernel(instance_feats, memory, pid2idx):
    return _run(instance_feats, memory, pid2idx.astype(jnp.int32))

# --- scband reference (transcript-rebuilt; emitter-appended) ---
"""Pipeline reference for scband-tbgm-30640296690296 (READ-ONLY COPY).

The authoritative reference and input builder live on the scoring server;
editing this copy changes nothing except your own understanding.
"""

import jax, jax.numpy as jnp
import numpy as np

N = 50000
C = 10000
D = 768
EPS_PLAIN = 0.4
EPS_MODERATE = 0.6


def _l2norm(x, power=2):
    # Normalize module: norm = x.pow(p).sum(1,keepdim).pow(1/p); x / (norm + 1e-12)
    norm = jnp.power(jnp.sum(jnp.power(x, power), axis=1, keepdims=True), 1.0 / power)
    return x / (norm + 1e-12)


def setup_inputs(seed: int = 0) -> dict:
    key = jax.random.key(seed)
    k1, k2, k3 = jax.random.split(key, 3)
    instance_feats = jax.random.normal(k1, (N, D), dtype=jnp.float32)
    memory = jax.random.normal(k2, (C, D), dtype=jnp.float32)
    pid2idx = jax.random.randint(k3, (N,), 0, C)
    return {"instance_feats": instance_feats, "memory": memory, "pid2idx": pid2idx}


def reference(instance_feats, memory, pid2idx):
    # pid2idx[i] is the memory-bank (cluster-center) row for instance i.
    # The original loop over pid_list matches each instance i with pid2idx[pid_list[i]],
    # since pids are unique keys -> vectorized as a row gather.
    a = _l2norm(instance_feats)
    m = _l2norm(memory)
    mem_rows = jnp.take(m, pid2idx, axis=0)  # [N, D] gather
    # F.cosine_similarity with eps=1e-8
    num = jnp.sum(a * mem_rows, axis=1)
    an = jnp.maximum(jnp.sqrt(jnp.sum(a * a, axis=1)), 1e-8)
    mn = jnp.maximum(jnp.sqrt(jnp.sum(mem_rows * mem_rows, axis=1)), 1e-8)
    sim = num / (an * mn)
    # s >= eps_moderate -> 0 (plain); eps_plain <= s < eps_moderate -> 1 (moderate); else 2 (intricate)
    course_mask = jnp.where(sim >= EPS_MODERATE, 0, jnp.where(sim >= EPS_PLAIN, 1, 2)).astype(jnp.int32)
    return course_mask

if __name__ == "__main__":
    import jax
    _d = setup_inputs()
    print(jax.jit(kernel)(*tuple(_d.values())))

</pallas_src>

<mosaic_0001>
#map = affine_map<(d0, d1) -> (0, 0)>
#map1 = affine_map<(d0, d1) -> (0)>
module attributes {stable_mosaic.version = 14 : i64} {
  func.func @_sc_body(%arg0: i32, %arg1: i32, %arg2: memref<50000x768xf32, #tpu.memory_space<hbm>>, %arg3: memref<10000x768xf32, #tpu.memory_space<hbm>>, %arg4: memref<50000xi32, #tpu.memory_space<hbm>>, %arg5: memref<50000xi32, #tpu.memory_space<hbm>>, %arg6: memref<32xi32, #tpu.memory_space<vmem>>, %arg7: memref<32x768xf32, #tpu.memory_space<vmem>>, %arg8: memref<32x768xf32, #tpu.memory_space<vmem>>, %arg9: memref<32xi32, #tpu.memory_space<vmem>>, %arg10: memref<272xf32, #tpu.memory_space<vmem>>, %arg11: memref<272xf32, #tpu.memory_space<vmem>>, %arg12: memref<272xf32, #tpu.memory_space<vmem>>, %arg13: memref<!tpu.dma_semaphore, #tpu.memory_space<semaphore_mem>>) attributes {dimension_semantics = [#tpu.dimension_semantics<core_parallel>, #tpu.dimension_semantics<subcore_parallel>], iteration_bounds = array<i64: 2, 16>, scalar_prefetch = 0 : i64, scratch_operands = 8 : i64, tpu.core_type = #tpu.core_type<sc_vector_subcore>, window_params = [{transform_indices = #map}, {transform_indices = #map}, {transform_indices = #map1}, {transform_indices = #map1}]} {
    %mul3A = arith.constant 2 : i32
    %mul3A_0 = arith.muli %arg1, %mul3A : i32
    %add3A = arith.addi %mul3A_0, %arg0 : i32
    %iota3A = tpu.iota {dimensions = array<i32: 0>} : vector<16xi32>
    %scan3A = arith.constant 0 : i32
    %scan3A_1 = arith.constant 0 : i32
    %scan3A_2 = arith.constant 49 : i32
    %scan3A_3 = arith.addi %scan3A_1, %scan3A_2 : i32
    %scan3A_4 = arith.constant 1 : i32
    scf.for %scan3A_6 = %scan3A_1 to %scan3A_3 step %scan3A_4  : i32 {
      %mul3A_7 = arith.constant 1568 : i32
      %mul3A_8 = arith.muli %add3A, %mul3A_7 : i32
      %mul3A_9 = arith.constant 32 : i32
      %mul3A_10 = arith.muli %scan3A_6, %mul3A_9 : i32
      %add3A_11 = arith.addi %mul3A_8, %mul3A_10 : i32
      %min3A = arith.constant 49968 : i32
      %min3A_12 = arith.minsi %add3A_11, %min3A : i32
      "tpu.region"() ({
        %run_scoped3A = tpu.sem_alloc : memref<!tpu.dma_semaphore, #tpu.memory_space<semaphore_mem>>
        %dma_start3A_375 = tpu.memref_slice %arg4[%min3A_12] : memref<50000xi32, #tpu.memory_space<hbm>> -> memref<32xi32, #tpu.memory_space<hbm>>
        %dma_start3A_376 = tpu.memref_slice %arg4[%min3A_12] : memref<50000xi32, #tpu.memory_space<hbm>> -> memref<32xi32, #tpu.memory_space<hbm>>
        tpu.enqueue_dma source(%dma_start3A_376 : memref<32xi32, #tpu.memory_space<hbm>>) target(%arg6 : memref<32xi32, #tpu.memory_space<vmem>>) target_semaphore(%run_scoped3A : memref<!tpu.dma_semaphore, #tpu.memory_space<semaphore_mem>>)
        %dma_wait3A_377 = tpu.memref_slice %arg4[%min3A_12] : memref<50000xi32, #tpu.memory_space<hbm>> -> memref<32xi32, #tpu.memory_space<hbm>>
        %dma_wait3A_378 = tpu.memref_slice %arg4[%min3A_12] : memref<50000xi32, #tpu.memory_space<hbm>> -> memref<32xi32, #tpu.memory_space<hbm>>
        tpu.wait_dma2 semaphore(%run_scoped3A : memref<!tpu.dma_semaphore, #tpu.memory_space<semaphore_mem>>) src(%dma_wait3A_378 : memref<32xi32, #tpu.memory_space<hbm>>) dst(%arg6 : memref<32xi32, #tpu.memory_space<vmem>>)
        tpu.yield
      }) : () -> ()
      %dma_start3A = arith.constant 0 : i32
      %dma_start3A_13 = arith.constant 0 : i32
      %dma_start3A_14 = tpu.memref_slice %arg3[%dma_start3A, %dma_start3A_13] : memref<10000x768xf32, #tpu.memory_space<hbm>> -> memref<10000x768xf32, #tpu.memory_space<hbm>>
      tpu.enqueue_indirect_dma source(%dma_start3A_14 : memref<10000x768xf32, #tpu.memory_space<hbm>>) target(%arg8 : memref<32x768xf32, #tpu.memory_space<vmem>>) offsets(%arg6 : memref<32xi32, #tpu.memory_space<vmem>>) semaphore(%arg13 : memref<!tpu.dma_semaphore, #tpu.memory_space<semaphore_mem>>)
      %dma_start3A_15 = arith.constant 0 : i32
      %dma_start3A_16 = tpu.memref_slice %arg2[%min3A_12, %dma_start3A_15] : memref<50000x768xf32, #tpu.memory_space<hbm>> -> memref<32x768xf32, #tpu.memory_space<hbm>>
      %dma_start3A_17 = arith.constant 0 : i32
      %dma_start3A_18 = tpu.memref_slice %arg2[%min3A_12, %dma_start3A_17] : memref<50000x768xf32, #tpu.memory_space<hbm>> -> memref<32x768xf32, #tpu.memory_space<hbm>>
      tpu.enqueue_dma source(%dma_start3A_18 : memref<32x768xf32, #tpu.memory_space<hbm>>) target(%arg7 : memref<32x768xf32, #tpu.memory_space<vmem>>) target_semaphore(%arg13 : memref<!tpu.dma_semaphore, #tpu.memory_space<semaphore_mem>>)
      %dma_wait3A = arith.constant 0 : i32
      %dma_wait3A_19 = arith.constant 0 : i32
      %dma_wait3A_20 = tpu.memref_slice %arg3[%dma_wait3A, %dma_wait3A_19] : memref<10000x768xf32, #tpu.memory_space<hbm>> -> memref<10000x768xf32, #tpu.memory_space<hbm>>
      tpu.wait_indirect_dma semaphore(%arg13 : memref<!tpu.dma_semaphore, #tpu.memory_space<semaphore_mem>>) src(%dma_wait3A_20 : memref<10000x768xf32, #tpu.memory_space<hbm>>) dst(%arg8 : memref<32x768xf32, #tpu.memory_space<vmem>>)
      %dma_wait3A_21 = arith.constant 0 : i32
      %dma_wait3A_22 = tpu.memref_slice %arg2[%min3A_12, %dma_wait3A_21] : memref<50000x768xf32, #tpu.memory_space<hbm>> -> memref<32x768xf32, #tpu.memory_space<hbm>>
      %dma_wait3A_23 = arith.constant 0 : i32
      %dma_wait3A_24 = tpu.memref_slice %arg2[%min3A_12, %dma_wait3A_23] : memref<50000x768xf32, #tpu.memory_space<hbm>> -> memref<32x768xf32, #tpu.memory_space<hbm>>
      tpu.wait_dma2 semaphore(%arg13 : memref<!tpu.dma_semaphore, #tpu.memory_space<semaphore_mem>>) src(%dma_wait3A_24 : memref<32x768xf32, #tpu.memory_space<hbm>>) dst(%arg7 : memref<32x768xf32, #tpu.memory_space<vmem>>)
      %scan3A_25 = arith.constant 0 : i32
      %scan3A_26 = arith.constant 0 : i32
      %scan3A_27 = arith.constant 16 : i32
      %scan3A_28 = arith.addi %scan3A_26, %scan3A_27 : i32
      %scan3A_29 = arith.constant 2 : i32
      scf.for %scan3A_375 = %scan3A_26 to %scan3A_28 step %scan3A_29  : i32 {
        %add3A_376 = arith.constant 0 : i32
        %add3A_377 = arith.addi %add3A_376, %scan3A_375 : i32
        %broadcast_in_dim3A_378 = arith.constant 0.000000e+00 : f32
        %broadcast_in_dim3A_379 = vector.broadcast %broadcast_in_dim3A_378 : f32 to vector<16xf32>
        %broadcast_in_dim3A_380 = arith.constant 0.000000e+00 : f32
        %broadcast_in_dim3A_381 = vector.broadcast %broadcast_in_dim3A_380 : f32 to vector<16xf32>
        %broadcast_in_dim3A_382 = arith.constant 0.000000e+00 : f32
        %broadcast_in_dim3A_383 = vector.broadcast %broadcast_in_dim3A_382 : f32 to vector<16xf32>
        %get3A = arith.index_cast %add3A_377 : i32 to index
        %get3A_384 = arith.constant 0 : index
        %get3A_385 = tpu.vector_load %arg7[%get3A, %get3A_384] {strides = array<i32>} : memref<32x768xf32, #tpu.memory_space<vmem>>, vector<16xf32>,
        %get3A_386 = arith.index_cast %add3A_377 : i32 to index
        %get3A_387 = arith.constant 0 : index
        %get3A_388 = tpu.vector_load %arg8[%get3A_386, %get3A_387] {strides = array<i32>} : memref<32x768xf32, #tpu.memory_space<vmem>>, vector<16xf32>,
        %mul3A_389 = arith.mulf %get3A_385, %get3A_388 : vector<16xf32>
        %add3A_390 = arith.addf %broadcast_in_dim3A_379, %mul3A_389 : vector<16xf32>
        %mul3A_391 = arith.mulf %get3A_385, %get3A_385 : vector<16xf32>
        %add3A_392 = arith.addf %broadcast_in_dim3A_381, %mul3A_391 : vector<16xf32>
        %mul3A_393 = arith.mulf %get3A_388, %get3A_388 : vector<16xf32>
        %add3A_394 = arith.addf %broadcast_in_dim3A_383, %mul3A_393 : vector<16xf32>
        %get3A_395 = arith.index_cast %add3A_377 : i32 to index
        %get3A_396 = arith.constant 16 : index
        %get3A_397 = tpu.vector_load %arg7[%get3A_395, %get3A_396] {strides = array<i32>} : memref<32x768xf32, #tpu.memory_space<vmem>>, vector<16xf32>,
        %get3A_398 = arith.index_cast %add3A_377 : i32 to index
        %get3A_399 = arith.constant 16 : index
        %get3A_400 = tpu.vector_load %arg8[%get3A_398, %get3A_399] {strides = array<i32>} : memref<32x768xf32, #tpu.memory_space<vmem>>, vector<16xf32>,
        %mul3A_401 = arith.mulf %get3A_397, %get3A_400 : vector<16xf32>
        %add3A_402 = arith.addf %add3A_390, %mul3A_401 : vector<16xf32>
        %mul3A_403 = arith.mulf %get3A_397, %get3A_397 : vector<16xf32>
        %add3A_404 = arith.addf %add3A_392, %mul3A_403 : vector<16xf32>
        %mul3A_405 = arith.mulf %get3A_400, %get3A_400 : vector<16xf32>
        %add3A_406 = arith.addf %add3A_394, %mul3A_405 : vector<16xf32>
        %get3A_407 = arith.index_cast %add3A_377 : i32 to index
        %get3A_408 = arith.constant 32 : index
        %get3A_409 = tpu.vector_load %arg7[%get3A_407, %get3A_408] {strides = array<i32>} : memref<32x768xf32, #tpu.memory_space<vmem>>, vector<16xf32>,
        %get3A_410 = arith.index_cast %add3A_377 : i32 to index
        %get3A_411 = arith.constant 32 : index
        %get3A_412 = tpu.vector_load %arg8[%get3A_410, %get3A_411] {strides = array<i32>} : memref<32x768xf32, #tpu.memory_space<vmem>>, vector<16xf32>,
        %mul3A_413 = arith.mulf %get3A_409, %get3A_412 : vector<16xf32>
        %add3A_414 = arith.addf %add3A_402, %mul3A_413 : vector<16xf32>
        %mul3A_415 = arith.mulf %get3A_409, %get3A_409 : vector<16xf32>
        %add3A_416 = arith.addf %add3A_404, %mul3A_415 : vector<16xf32>
        %mul3A_417 = arith.mulf %get3A_412, %get3A_412 : vector<16xf32>
        %add3A_418 = arith.addf %add3A_406, %mul3A_417 : vector<16xf32>
        %get3A_419 = arith.index_cast %add3A_377 : i32 to index
        %get3A_420 = arith.constant 48 : index
        %get3A_421 = tpu.vector_load %arg7[%get3A_419, %get3A_420] {strides = array<i32>} : memref<32x768xf32, #tpu.memory_space<vmem>>, vector<16xf32>,
        %get3A_422 = arith.index_cast %add3A_377 : i32 to index
        %get3A_423 = arith.constant 48 : index
        %get3A_424 = tpu.vector_load %arg8[%get3A_422, %get3A_423] {strides = array<i32>} : memref<32x768xf32, #tpu.memory_space<vmem>>, vector<16xf32>,
        %mul3A_425 = arith.mulf %get3A_421, %get3A_424 : vector<16xf32>
        %add3A_426 = arith.addf %add3A_414, %mul3A_425 : vector<16xf32>
        %mul3A_427 = arith.mulf %get3A_421, %get3A_421 : vector<16xf32>
        %add3A_428 = arith.addf %add3A_416, %mul3A_427 : vector<16xf32>
        %mul3A_429 = arith.mulf %get3A_424, %get3A_424 : vector<16xf32>
        %add3A_430 = arith.addf %add3A_418, %mul3A_429 : vector<16xf32>
        %get3A_431 = arith.index_cast %add3A_377 : i32 to index
        %get3A_432 = arith.constant 64 : index
        %get3A_433 = tpu.vector_load %arg7[%get3A_431, %get3A_432] {strides = array<i32>} : memref<32x768xf32, #tpu.memory_space<vmem>>, vector<16xf32>,
        %get3A_434 = arith.index_cast %add3A_377 : i32 to index
        %get3A_435 = arith.constant 64 : index
        %get3A_436 = tpu.vector_load %arg8[%get3A_434, %get3A_435] {strides = array<i32>} : memref<32x768xf32, #tpu.memory_space<vmem>>, vector<16xf32>,
        %mul3A_437 = arith.mulf %get3A_433, %get3A_436 : vector<16xf32>
        %add3A_438 = arith.addf %add3A_426, %mul3A_437 : vector<16xf32>
        %mul3A_439 = arith.mulf %get3A_433, %get3A_433 : vector<16xf32>
        %add3A_440 = arith.addf %add3A_428, %mul3A_439 : vector<16xf32>
        %mul3A_441 = arith.mulf %get3A_436, %get3A_436 : vector<16xf32>
        %add3A_442 = arith.addf %add3A_430, %mul3A_441 : vector<16xf32>
        %get3A_443 = arith.index_cast %add3A_377 : i32 to index
        %get3A_444 = arith.constant 80 : index
        %get3A_445 = tpu.vector_load %arg7[%get3A_443, %get3A_444] {strides = array<i32>} : memref<32x768xf32, #tpu.memory_space<vmem>>, vector<16xf32>,
        %get3A_446 = arith.index_cast %add3A_377 : i32 to index
        %get3A_447 = arith.constant 80 : index
        %get3A_448 = tpu.vector_load %arg8[%get3A_446, %get3A_447] {strides = array<i32>} : memref<32x768xf32, #tpu.memory_space<vmem>>, vector<16xf32>,
        %mul3A_449 = arith.mulf %get3A_445, %get3A_448 : vector<16xf32>
        %add3A_450 = arith.addf %add3A_438, %mul3A_449 : vector<16xf32>
        %mul3A_451 = arith.mulf %get3A_445, %get3A_445 : vector<16xf32>
        %add3A_452 = arith.addf %add3A_440, %mul3A_451 : vector<16xf32>
        %mul3A_453 = arith.mulf %get3A_448, %get3A_448 : vector<16xf32>
        %add3A_454 = arith.addf %add3A_442, %mul3A_453 : vector<16xf32>
        %get3A_455 = arith.index_cast %add3A_377 : i32 to index
        %get3A_456 = arith.constant 96 : index
        %get3A_457 = tpu.vector_load %arg7[%get3A_455, %get3A_456] {strides = array<i32>} : memref<32x768xf32, #tpu.memory_space<vmem>>, vector<16xf32>,
        %get3A_458 = arith.index_cast %add3A_377 : i32 to index
        %get3A_459 = arith.constant 96 : index
        %get3A_460 = tpu.vector_load %arg8[%get3A_458, %get3A_459] {strides = array<i32>} : memref<32x768xf32, #tpu.memory_space<vmem>>, vector<16xf32>,
        %mul3A_461 = arith.mulf %get3A_457, %get3A_460 : vector<16xf32>
        %add3A_462 = arith.addf %add3A_450, %mul3A_461 : vector<16xf32>
        %mul3A_463 = arith.mulf %get3A_457, %get3A_457 : vector<16xf32>
        %add3A_464 = arith.addf %add3A_452, %mul3A_463 : vector<16xf32>
        %mul3A_465 = arith.mulf %get3A_460, %get3A_460 : vector<16xf32>
        %add3A_466 = arith.addf %add3A_454, %mul3A_465 : vector<16xf32>
        %get3A_467 = arith.index_cast %add3A_377 : i32 to index
        %get3A_468 = arith.constant 112 : index
        %get3A_469 = tpu.vector_load %arg7[%get3A_467, %get3A_468] {strides = array<i32>} : memref<32x768xf32, #tpu.memory_space<vmem>>, vector<16xf32>,
        %get3A_470 = arith.index_cast %add3A_377 : i32 to index
        %get3A_471 = arith.constant 112 : index
        %get3A_472 = tpu.vector_load %arg8[%get3A_470, %get3A_471] {strides = array<i32>} : memref<32x768xf32, #tpu.memory_space<vmem>>, vector<16xf32>,
        %mul3A_473 = arith.mulf %get3A_469, %get3A_472 : vector<16xf32>
        %add3A_474 = arith.addf %add3A_462, %mul3A_473 : vector<16xf32>
        %mul3A_475 = arith.mulf %get3A_469, %get3A_469 : vector<16xf32>
        %add3A_476 = arith.addf %add3A_464, %mul3A_475 : vector<16xf32>
        %mul3A_477 = arith.mulf %get3A_472, %get3A_472 : vector<16xf32>
        %add3A_478 = arith.addf %add3A_466, %mul3A_477 : vector<16xf32>
        %get3A_479 = arith.index_cast %add3A_377 : i32 to index
        %get3A_480 = arith.constant 128 : index
        %get3A_481 = tpu.vector_load %arg7[%get3A_479, %get3A_480] {strides = array<i32>} : memref<32x768xf32, #tpu.memory_space<vmem>>, vector<16xf32>,
        %get3A_482 = arith.index_cast %add3A_377 : i32 to index
        %get3A_483 = arith.constant 128 : index
        %get3A_484 = tpu.vector_load %arg8[%get3A_482, %get3A_483] {strides = array<i32>} : memref<32x768xf32, #tpu.memory_space<vmem>>, vector<16xf32>,
        %mul3A_485 = arith.mulf %get3A_481, %get3A_484 : vector<16xf32>
        %add3A_486 = arith.addf %add3A_474, %mul3A_485 : vector<16xf32>
        %mul3A_487 = arith.mulf %get3A_481, %get3A_481 : vector<16xf32>
        %add3A_488 = arith.addf %add3A_476, %mul3A_487 : vector<16xf32>
        %mul3A_489 = arith.mulf %get3A_484, %get3A_484 : vector<16xf32>
        %add3A_490 = arith.addf %add3A_478, %mul3A_489 : vector<16xf32>
        %get3A_491 = arith.index_cast %add3A_377 : i32 to index
        %get3A_492 = arith.constant 144 : index
        %get3A_493 = tpu.vector_load %arg7[%get3A_491, %get3A_492] {strides = array<i32>} : memref<32x768xf32, #tpu.memory_space<vmem>>, vector<16xf32>,
        %get3A_494 = arith.index_cast %add3A_377 : i32 to index
        %get3A_495 = arith.constant 144 : index
        %get3A_496 = tpu.vector_load %arg8[%get3A_494, %get3A_495] {strides = array<i32>} : memref<32x768xf32, #tpu.memory_space<vmem>>, vector<16xf32>,
        %mul3A_497 = arith.mulf %get3A_493, %get3A_496 : vector<16xf32>
        %add3A_498 = arith.addf %add3A_486, %mul3A_497 : vector<16xf32>
        %mul3A_499 = arith.mulf %get3A_493, %get3A_493 : vector<16xf32>
        %add3A_500 = arith.addf %add3A_488, %mul3A_499 : vector<16xf32>
        %mul3A_501 = arith.mulf %get3A_496, %get3A_496 : vector<16xf32>
        %add3A_502 = arith.addf %add3A_490, %mul3A_501 : vector<16xf32>
        %get3A_503 = arith.index_cast %add3A_377 : i32 to index
        %get3A_504 = arith.constant 160 : index
        %get3A_505 = tpu.vector_load %arg7[%get3A_503, %get3A_504] {strides = array<i32>} : memref<32x768xf32, #tpu.memory_space<vmem>>, vector<16xf32>,
        %get3A_506 = arith.index_cast %add3A_377 : i32 to index
        %get3A_507 = arith.constant 160 : index
        %get3A_508 = tpu.vector_load %arg8[%get3A_506, %get3A_507] {strides = array<i32>} : memref<32x768xf32, #tpu.memory_space<vmem>>, vector<16xf32>,
        %mul3A_509 = arith.mulf %get3A_505, %get3A_508 : vector<16xf32>
        %add3A_510 = arith.addf %add3A_498, %mul3A_509 : vector<16xf32>
        %mul3A_511 = arith.mulf %get3A_505, %get3A_505 : vector<16xf32>
        %add3A_512 = arith.addf %add3A_500, %mul3A_511 : vector<16xf32>
        %mul3A_513 = arith.mulf %get3A_508, %get3A_508 : vector<16xf32>
        %add3A_514 = arith.addf %add3A_502, %mul3A_513 : vector<16xf32>
        %get3A_515 = arith.index_cast %add3A_377 : i32 to index
        %get3A_516 = arith.constant 176 : index
        %get3A_517 = tpu.vector_load %arg7[%get3A_515, %get3A_516] {strides = array<i32>} : memref<32x768xf32, #tpu.memory_space<vmem>>, vector<16xf32>,
        %get3A_518 = arith.index_cast %add3A_377 : i32 to index
        %get3A_519 = arith.constant 176 : index
        %get3A_520 = tpu.vector_load %arg8[%get3A_518, %get3A_519] {strides = array<i32>} : memref<32x768xf32, #tpu.memory_space<vmem>>, vector<16xf32>,
        %mul3A_521 = arith.mulf %get3A_517, %get3A_520 : vector<16xf32>
        %add3A_522 = arith.addf %add3A_510, %mul3A_521 : vector<16xf32>
        %mul3A_523 = arith.mulf %get3A_517, %get3A_517 : vector<16xf32>
        %add3A_524 = arith.addf %add3A_512, %mul3A_523 : vector<16xf32>
        %mul3A_525 = arith.mulf %get3A_520, %get3A_520 : vector<16xf32>
        %add3A_526 = arith.addf %add3A_514, %mul3A_525 : vector<16xf32>
        %get3A_527 = arith.index_cast %add3A_377 : i32 to index
        %get3A_528 = arith.constant 192 : index
        %get3A_529 = tpu.vector_load %arg7[%get3A_527, %get3A_528] {strides = array<i32>} : memref<32x768xf32, #tpu.memory_space<vmem>>, vector<16xf32>,
        %get3A_530 = arith.index_cast %add3A_377 : i32 to index
        %get3A_531 = arith.constant 192 : index
        %get3A_532 = tpu.vector_load %arg8[%get3A_530, %get3A_531] {strides = array<i32>} : memref<32x768xf32, #tpu.memory_space<vmem>>, vector<16xf32>,
        %mul3A_533 = arith.mulf %get3A_529, %get3A_532 : vector<16xf32>
        %add3A_534 = arith.addf %add3A_522, %mul3A_533 : vector<16xf32>
        %mul3A_535 = arith.mulf %get3A_529, %get3A_529 : vector<16xf32>
        %add3A_536 = arith.addf %add3A_524, %mul3A_535 : vector<16xf32>
        %mul3A_537 = arith.mulf %get3A_532, %get3A_532 : vector<16xf32>
        %add3A_538 = arith.addf %add3A_526, %mul3A_537 : vector<16xf32>
        %get3A_539 = arith.index_cast %add3A_377 : i32 to index
        %get3A_540 = arith.constant 208 : index
        %get3A_541 = tpu.vector_load %arg7[%get3A_539, %get3A_540] {strides = array<i32>} : memref<32x768xf32, #tpu.memory_space<vmem>>, vector<16xf32>,
        %get3A_542 = arith.index_cast %add3A_377 : i32 to index
        %get3A_543 = arith.constant 208 : index
        %get3A_544 = tpu.vector_load %arg8[%get3A_542, %get3A_543] {strides = array<i32>} : memref<32x768xf32, #tpu.memory_space<vmem>>, vector<16xf32>,
        %mul3A_545 = arith.mulf %get3A_541, %get3A_544 : vector<16xf32>
        %add3A_546 = arith.addf %add3A_534, %mul3A_545 : vector<16xf32>
        %mul3A_547 = arith.mulf %get3A_541, %get3A_541 : vector<16xf32>
        %add3A_548 = arith.addf %add3A_536, %mul3A_547 : vector<16xf32>
        %mul3A_549 = arith.mulf %get3A_544, %get3A_544 : vector<16xf32>
        %add3A_550 = arith.addf %add3A_538, %mul3A_549 : vector<16xf32>
        %get3A_551 = arith.index_cast %add3A_377 : i32 to index
        %get3A_552 = arith.constant 224 : index
        %get3A_553 = tpu.vector_load %arg7[%get3A_551, %get3A_552] {strides = array<i32>} : memref<32x768xf32, #tpu.memory_space<vmem>>, vector<16xf32>,
        %get3A_554 = arith.index_cast %add3A_377 : i32 to index
        %get3A_555 = arith.constant 224 : index
        %get3A_556 = tpu.vector_load %arg8[%get3A_554, %get3A_555] {strides = array<i32>} : memref<32x768xf32, #tpu.memory_space<vmem>>, vector<16xf32>,
        %mul3A_557 = arith.mulf %get3A_553, %get3A_556 : vector<16xf32>
        %add3A_558 = arith.addf %add3A_546, %mul3A_557 : vector<16xf32>
        %mul3A_559 = arith.mulf %get3A_553, %get3A_553 : vector<16xf32>
        %add3A_560 = arith.addf %add3A_548, %mul3A_559 : vector<16xf32>
        %mul3A_561 = arith.mulf %get3A_556, %get3A_556 : vector<16xf32>
        %add3A_562 = arith.addf %add3A_550, %mul3A_561 : vector<16xf32>
        %get3A_563 = arith.index_cast %add3A_377 : i32 to index
        %get3A_564 = arith.constant 240 : index
        %get3A_565 = tpu.vector_load %arg7[%get3A_563, %get3A_564] {strides = array<i32>} : memref<32x768xf32, #tpu.memory_space<vmem>>, vector<16xf32>,
        %get3A_566 = arith.index_cast %add3A_377 : i32 to index
        %get3A_567 = arith.constant 240 : index
        %get3A_568 = tpu.vector_load %arg8[%get3A_566, %get3A_567] {strides = array<i32>} : memref<32x768xf32, #tpu.memory_space<vmem>>, vector<16xf32>,
        %mul3A_569 = arith.mulf %get3A_565, %get3A_568 : vector<16xf32>
        %add3A_570 = arith.addf %add3A_558, %mul3A_569 : vector<16xf32>
        %mul3A_571 = arith.mulf %get3A_565, %get3A_565 : vector<16xf32>
        %add3A_572 = arith.addf %add3A_560, %mul3A_571 : vector<16xf32>
        %mul3A_573 = arith.mulf %get3A_568, %get3A_568 : vector<16xf32>
        %add3A_574 = arith.addf %add3A_562, %mul3A_573 : vector<16xf32>
        %get3A_575 = arith.index_cast %add3A_377 : i32 to index
        %get3A_576 = arith.constant 256 : index
        %get3A_577 = tpu.vector_load %arg7[%get3A_575, %get3A_576] {strides = array<i32>} : memref<32x768xf32, #tpu.memory_space<vmem>>, vector<16xf32>,
        %get3A_578 = arith.index_cast %add3A_377 : i32 to index
        %get3A_579 = arith.constant 256 : index
        %get3A_580 = tpu.vector_load %arg8[%get3A_578, %get3A_579] {strides = array<i32>} : memref<32x768xf32, #tpu.memory_space<vmem>>, vector<16xf32>,
        %mul3A_581 = arith.mulf %get3A_577, %get3A_580 : vector<16xf32>
        %add3A_582 = arith.addf %add3A_570, %mul3A_581 : vector<16xf32>
        %mul3A_583 = arith.mulf %get3A_577, %get3A_577 : vector<16xf32>
        %add3A_584 = arith.addf %add3A_572, %mul3A_583 : vector<16xf32>
        %mul3A_585 = arith.mulf %get3A_580, %get3A_580 : vector<16xf32>
        %add3A_586 = arith.addf %add3A_574, %mul3A_585 : vector<16xf32>
        %get3A_587 = arith.index_cast %add3A_377 : i32 to index
        %get3A_588 = arith.constant 272 : index
        %get3A_589 = tpu.vector_load %arg7[%get3A_587, %get3A_588] {strides = array<i32>} : memref<32x768xf32, #tpu.memory_space<vmem>>, vector<16xf32>,
        %get3A_590 = arith.index_cast %add3A_377 : i32 to index
        %get3A_591 = arith.constant 272 : index
        %get3A_592 = tpu.vector_load %arg8[%get3A_590, %get3A_591] {strides = array<i32>} : memref<32x768xf32, #tpu.memory_space<vmem>>, vector<16xf32>,
        %mul3A_593 = arith.mulf %get3A_589, %get3A_592 : vector<16xf32>
        %add3A_594 = arith.addf %add3A_582, %mul3A_593 : vector<16xf32>
        %mul3A_595 = arith.mulf %get3A_589, %get3A_589 : vector<16xf32>
        %add3A_596 = arith.addf %add3A_584, %mul3A_595 : vector<16xf32>
        %mul3A_597 = arith.mulf %get3A_592, %get3A_592 : vector<16xf32>
        %add3A_598 = arith.addf %add3A_586, %mul3A_597 : vector<16xf32>
        %get3A_599 = arith.index_cast %add3A_377 : i32 to index
        %get3A_600 = arith.constant 288 : index
        %get3A_601 = tpu.vector_load %arg7[%get3A_599, %get3A_600] {strides = array<i32>} : memref<32x768xf32, #tpu.memory_space<vmem>>, vector<16xf32>,
        %get3A_602 = arith.index_cast %add3A_377 : i32 to index
        %get3A_603 = arith.constant 288 : index
        %get3A_604 = tpu.vector_load %arg8[%get3A_602, %get3A_603] {strides = array<i32>} : memref<32x768xf32, #tpu.memory_space<vmem>>, vector<16xf32>,
        %mul3A_605 = arith.mulf %get3A_601, %get3A_604 : vector<16xf32>
        %add3A_606 = arith.addf %add3A_594, %mul3A_605 : vector<16xf32>
        %mul3A_607 = arith.mulf %get3A_601, %get3A_601 : vector<16xf32>
        %add3A_608 = arith.addf %add3A_596, %mul3A_607 : vector<16xf32>
        %mul3A_609 = arith.mulf %get3A_604, %get3A_604 : vector<16xf32>
        %add3A_610 = arith.addf %add3A_598, %mul3A_609 : vector<16xf32>
        %get3A_611 = arith.index_cast %add3A_377 : i32 to index
        %get3A_612 = arith.constant 304 : index
        %get3A_613 = tpu.vector_load %arg7[%get3A_611, %get3A_612] {strides = array<i32>} : memref<32x768xf32, #tpu.memory_space<vmem>>, vector<16xf32>,
        %get3A_614 = arith.index_cast %add3A_377 : i32 to index
        %get3A_615 = arith.constant 304 : index
        %get3A_616 = tpu.vector_load %arg8[%get3A_614, %get3A_615] {strides = array<i32>} : memref<32x768xf32, #tpu.memory_space<vmem>>, vector<16xf32>,
        %mul3A_617 = arith.mulf %get3A_613, %get3A_616 : vector<16xf32>
        %add3A_618 = arith.addf %add3A_606, %mul3A_617 : vector<16xf32>
        %mul3A_619 = arith.mulf %get3A_613, %get3A_613 : vector<16xf32>
        %add3A_620 = arith.addf %add3A_608, %mul3A_619 : vector<16xf32>
        %mul3A_621 = arith.mulf %get3A_616, %get3A_616 : vector<16xf32>
        %add3A_622 = arith.addf %add3A_610, %mul3A_621 : vector<16xf32>
        %get3A_623 = arith.index_cast %add3A_377 : i32 to index
        %get3A_624 = arith.constant 320 : index
        %get3A_625 = tpu.vector_load %arg7[%get3A_623, %get3A_624] {strides = array<i32>} : memref<32x768xf32, #tpu.memory_space<vmem>>, vector<16xf32>,
        %get3A_626 = arith.index_cast %add3A_377 : i32 to index
        %get3A_627 = arith.constant 320 : index
        %get3A_628 = tpu.vector_load %arg8[%get3A_626, %get3A_627] {strides = array<i32>} : memref<32x768xf32, #tpu.memory_space<vmem>>, vector<16xf32>,
        %mul3A_629 = arith.mulf %get3A_625, %get3A_628 : vector<16xf32>
        %add3A_630 = arith.addf %add3A_618, %mul3A_629 : vector<16xf32>
        %mul3A_631 = arith.mulf %get3A_625, %get3A_625 : vector<16xf32>
        %add3A_632 = arith.addf %add3A_620, %mul3A_631 : vector<16xf32>
        %mul3A_633 = arith.mulf %get3A_628, %get3A_628 : vector<16xf32>
        %add3A_634 = arith.addf %add3A_622, %mul3A_633 : vector<16xf32>
        %get3A_635 = arith.index_cast %add3A_377 : i32 to index
        %get3A_636 = arith.constant 336 : index
        %get3A_637 = tpu.vector_load %arg7[%get3A_635, %get3A_636] {strides = array<i32>} : memref<32x768xf32, #tpu.memory_space<vmem>>, vector<16xf32>,
        %get3A_638 = arith.index_cast %add3A_377 : i32 to index
        %get3A_639 = arith.constant 336 : index
        %get3A_640 = tpu.vector_load %arg8[%get3A_638, %get3A_639] {strides = array<i32>} : memref<32x768xf32, #tpu.memory_space<vmem>>, vector<16xf32>,
        %mul3A_641 = arith.mulf %get3A_637, %get3A_640 : vector<16xf32>
        %add3A_642 = arith.addf %add3A_630, %mul3A_641 : vector<16xf32>
        %mul3A_643 = arith.mulf %get3A_637, %get3A_637 : vector<16xf32>
        %add3A_644 = arith.addf %add3A_632, %mul3A_643 : vector<16xf32>
        %mul3A_645 = arith.mulf %get3A_640, %get3A_640 : vector<16xf32>
        %add3A_646 = arith.addf %add3A_634, %mul3A_645 : vector<16xf32>
        %get3A_647 = arith.index_cast %add3A_377 : i32 to index
        %get3A_648 = arith.constant 352 : index
        %get3A_649 = tpu.vector_load %arg7[%get3A_647, %get3A_648] {strides = array<i32>} : memref<32x768xf32, #tpu.memory_space<vmem>>, vector<16xf32>,
        %get3A_650 = arith.index_cast %add3A_377 : i32 to index
        %get3A_651 = arith.constant 352 : index
        %get3A_652 = tpu.vector_load %arg8[%get3A_650, %get3A_651] {strides = array<i32>} : memref<32x768xf32, #tpu.memory_space<vmem>>, vector<16xf32>,
        %mul3A_653 = arith.mulf %get3A_649, %get3A_652 : vector<16xf32>
        %add3A_654 = arith.addf %add3A_642, %mul3A_653 : vector<16xf32>
        %mul3A_655 = arith.mulf %get3A_649, %get3A_649 : vector<16xf32>
        %add3A_656 = arith.addf %add3A_644, %mul3A_655 : vector<16xf32>
        %mul3A_657 = arith.mulf %get3A_652, %get3A_652 : vector<16xf32>
        %add3A_658 = arith.addf %add3A_646, %mul3A_657 : vector<16xf32>
        %get3A_659 = arith.index_cast %add3A_377 : i32 to index
        %get3A_660 = arith.constant 368 : index
        %get3A_661 = tpu.vector_load %arg7[%get3A_659, %get3A_660] {strides = array<i32>} : memref<32x768xf32, #tpu.memory_space<vmem>>, vector<16xf32>,
        %get3A_662 = arith.index_cast %add3A_377 : i32 to index
        %get3A_663 = arith.constant 368 : index
        %get3A_664 = tpu.vector_load %arg8[%get3A_662, %get3A_663] {strides = array<i32>} : memref<32x768xf32, #tpu.memory_space<vmem>>, vector<16xf32>,
        %mul3A_665 = arith.mulf %get3A_661, %get3A_664 : vector<16xf32>
        %add3A_666 = arith.addf %add3A_654, %mul3A_665 : vector<16xf32>
        %mul3A_667 = arith.mulf %get3A_661, %get3A_661 : vector<16xf32>
        %add3A_668 = arith.addf %add3A_656, %mul3A_667 : vector<16xf32>
        %mul3A_669 = arith.mulf %get3A_664, %get3A_664 : vector<16xf32>
        %add3A_670 = arith.addf %add3A_658, %mul3A_669 : vector<16xf32>
        %get3A_671 = arith.index_cast %add3A_377 : i32 to index
        %get3A_672 = arith.constant 384 : index
        %get3A_673 = tpu.vector_load %arg7[%get3A_671, %get3A_672] {strides = array<i32>} : memref<32x768xf32, #tpu.memory_space<vmem>>, vector<16xf32>,
        %get3A_674 = arith.index_cast %add3A_377 : i32 to index
        %get3A_675 = arith.constant 384 : index
        %get3A_676 = tpu.vector_load %arg8[%get3A_674, %get3A_675] {strides = array<i32>} : memref<32x768xf32, #tpu.memory_space<vmem>>, vector<16xf32>,
        %mul3A_677 = arith.mulf %get3A_673, %get3A_676 : vector<16xf32>
        %add3A_678 = arith.addf %add3A_666, %mul3A_677 : vector<16xf32>
        %mul3A_679 = arith.mulf %get3A_673, %get3A_673 : vector<16xf32>
        %add3A_680 = arith.addf %add3A_668, %mul3A_679 : vector<16xf32>
        %mul3A_681 = arith.mulf %get3A_676, %get3A_676 : vector<16xf32>
        %add3A_682 = arith.addf %add3A_670, %mul3A_681 : vector<16xf32>
        %get3A_683 = arith.index_cast %add3A_377 : i32 to index
        %get3A_684 = arith.constant 400 : index
        %get3A_685 = tpu.vector_load %arg7[%get3A_683, %get3A_684] {strides = array<i32>} : memref<32x768xf32, #tpu.memory_space<vmem>>, vector<16xf32>,
        %get3A_686 = arith.index_cast %add3A_377 : i32 to index
        %get3A_687 = arith.constant 400 : index
        %get3A_688 = tpu.vector_load %arg8[%get3A_686, %get3A_687] {strides = array<i32>} : memref<32x768xf32, #tpu.memory_space<vmem>>, vector<16xf32>,
        %mul3A_689 = arith.mulf %get3A_685, %get3A_688 : vector<16xf32>
        %add3A_690 = arith.addf %add3A_678, %mul3A_689 : vector<16xf32>
        %mul3A_691 = arith.mulf %get3A_685, %get3A_685 : vector<16xf32>
        %add3A_692 = arith.addf %add3A_680, %mul3A_691 : vector<16xf32>
        %mul3A_693 = arith.mulf %get3A_688, %get3A_688 : vector<16xf32>
        %add3A_694 = arith.addf %add3A_682, %mul3A_693 : vector<16xf32>
        %get3A_695 = arith.index_cast %add3A_377 : i32 to index
        %get3A_696 = arith.constant 416 : index
        %get3A_697 = tpu.vector_load %arg7[%get3A_695, %get3A_696] {strides = array<i32>} : memref<32x768xf32, #tpu.memory_space<vmem>>, vector<16xf32>,
        %get3A_698 = arith.index_cast %add3A_377 : i32 to index
        %get3A_699 = arith.constant 416 : index
        %get3A_700 = tpu.vector_load %arg8[%get3A_698, %get3A_699] {strides = array<i32>} : memref<32x768xf32, #tpu.memory_space<vmem>>, vector<16xf32>,
        %mul3A_701 = arith.mulf %get3A_697, %get3A_700 : vector<16xf32>
        %add3A_702 = arith.addf %add3A_690, %mul3A_701 : vector<16xf32>
        %mul3A_703 = arith.mulf %get3A_697, %get3A_697 : vector<16xf32>
        %add3A_704 = arith.addf %add3A_692, %mul3A_703 : vector<16xf32>
        %mul3A_705 = arith.mulf %get3A_700, %get3A_700 : vector<16xf32>
        %add3A_706 = arith.addf %add3A_694, %mul3A_705 : vector<16xf32>
        %get3A_707 = arith.index_cast %add3A_377 : i32 to index
        %get3A_708 = arith.constant 432 : index
        %get3A_709 = tpu.vector_load %arg7[%get3A_707, %get3A_708] {strides = array<i32>} : memref<32x768xf32, #tpu.memory_space<vmem>>, vector<16xf32>,
        %get3A_710 = arith.index_cast %add3A_377 : i32 to index
        %get3A_711 = arith.constant 432 : index
        %get3A_712 = tpu.vector_load %arg8[%get3A_710, %get3A_711] {strides = array<i32>} : memref<32x768xf32, #tpu.memory_space<vmem>>, vector<16xf32>,
        %mul3A_713 = arith.mulf %get3A_709, %get3A_712 : vector<16xf32>
        %add3A_714 = arith.addf %add3A_702, %mul3A_713 : vector<16xf32>
        %mul3A_715 = arith.mulf %get3A_709, %get3A_709 : vector<16xf32>
        %add3A_716 = arith.addf %add3A_704, %mul3A_715 : vector<16xf32>
        %mul3A_717 = arith.mulf %get3A_712, %get3A_712 : vector<16xf32>
        %add3A_718 = arith.addf %add3A_706, %mul3A_717 : vector<16xf32>
        %get3A_719 = arith.index_cast %add3A_377 : i32 to index
        %get3A_720 = arith.constant 448 : index
        %get3A_721 = tpu.vector_load %arg7[%get3A_719, %get3A_720] {strides = array<i32>} : memref<32x768xf32, #tpu.memory_space<vmem>>, vector<16xf32>,
        %get3A_722 = arith.index_cast %add3A_377 : i32 to index
        %get3A_723 = arith.constant 448 : index
        %get3A_724 = tpu.vector_load %arg8[%get3A_722, %get3A_723] {strides = array<i32>} : memref<32x768xf32, #tpu.memory_space<vmem>>, vector<16xf32>,
        %mul3A_725 = arith.mulf %get3A_721, %get3A_724 : vector<16xf32>
        %add3A_726 = arith.addf %add3A_714, %mul3A_725 : vector<16xf32>
        %mul3A_727 = arith.mulf %get3A_721, %get3A_721 : vector<16xf32>
        %add3A_728 = arith.addf %add3A_716, %mul3A_727 : vector<16xf32>
        %mul3A_729 = arith.mulf %get3A_724, %get3A_724 : vector<16xf32>
        %add3A_730 = arith.addf %add3A_718, %mul3A_729 : vector<16xf32>
        %get3A_731 = arith.index_cast %add3A_377 : i32 to index
        %get3A_732 = arith.constant 464 : index
        %get3A_733 = tpu.vector_load %arg7[%get3A_731, %get3A_732] {strides = array<i32>} : memref<32x768xf32, #tpu.memory_space<vmem>>, vector<16xf32>,
        %get3A_734 = arith.index_cast %add3A_377 : i32 to index
        %get3A_735 = arith.constant 464 : index
        %get3A_736 = tpu.vector_load %arg8[%get3A_734, %get3A_735] {strides = array<i32>} : memref<32x768xf32, #tpu.memory_space<vmem>>, vector<16xf32>,
        %mul3A_737 = arith.mulf %get3A_733, %get3A_736 : vector<16xf32>
        %add3A_738 = arith.addf %add3A_726, %mul3A_737 : vector<16xf32>
        %mul3A_739 = arith.mulf %get3A_733, %get3A_733 : vector<16xf32>
        %add3A_740 = arith.addf %add3A_728, %mul3A_739 : vector<16xf32>
        %mul3A_741 = arith.mulf %get3A_736, %get3A_736 : vector<16xf32>
        %add3A_742 = arith.addf %add3A_730, %mul3A_741 : vector<16xf32>
        %get3A_743 = arith.index_cast %add3A_377 : i32 to index
        %get3A_744 = arith.constant 480 : index
        %get3A_745 = tpu.vector_load %arg7[%get3A_743, %get3A_744] {strides = array<i32>} : memref<32x768xf32, #tpu.memory_space<vmem>>, vector<16xf32>,
        %get3A_746 = arith.index_cast %add3A_377 : i32 to index
        %get3A_747 = arith.constant 480 : index
        %get3A_748 = tpu.vector_load %arg8[%get3A_746, %get3A_747] {strides = array<i32>} : memref<32x768xf32, #tpu.memory_space<vmem>>, vector<16xf32>,
        %mul3A_749 = arith.mulf %get3A_745, %get3A_748 : vector<16xf32>
        %add3A_750 = arith.addf %add3A_738, %mul3A_749 : vector<16xf32>
        %mul3A_751 = arith.mulf %get3A_745, %get3A_745 : vector<16xf32>
        %add3A_752 = arith.addf %add3A_740, %mul3A_751 : vector<16xf32>
        %mul3A_753 = arith.mulf %get3A_748, %get3A_748 : vector<16xf32>
        %add3A_754 = arith.addf %add3A_742, %mul3A_753 : vector<16xf32>
        %get3A_755 = arith.index_cast %add3A_377 : i32 to index
        %get3A_756 = arith.constant 496 : index
        %get3A_757 = tpu.vector_load %arg7[%get3A_755, %get3A_756] {strides = array<i32>} : memref<32x768xf32, #tpu.memory_space<vmem>>, vector<16xf32>,
        %get3A_758 = arith.index_cast %add3A_377 : i32 to index
        %get3A_759 = arith.constant 496 : index
        %get3A_760 = tpu.vector_load %arg8[%get3A_758, %get3A_759] {strides = array<i32>} : memref<32x768xf32, #tpu.memory_space<vmem>>, vector<16xf32>,
        %mul3A_761 = arith.mulf %get3A_757, %get3A_760 : vector<16xf32>
        %add3A_762 = arith.addf %add3A_750, %mul3A_761 : vector<16xf32>
        %mul3A_763 = arith.mulf %get3A_757, %get3A_757 : vector<16xf32>
        %add3A_764 = arith.addf %add3A_752, %mul3A_763 : vector<16xf32>
        %mul3A_765 = arith.mulf %get3A_760, %get3A_760 : vector<16xf32>
        %add3A_766 = arith.addf %add3A_754, %mul3A_765 : vector<16xf32>
        %get3A_767 = arith.index_cast %add3A_377 : i32 to index
        %get3A_768 = arith.constant 512 : index
        %get3A_769 = tpu.vector_load %arg7[%get3A_767, %get3A_768] {strides = array<i32>} : memref<32x768xf32, #tpu.memory_space<vmem>>, vector<16xf32>,
        %get3A_770 = arith.index_cast %add3A_377 : i32 to index
        %get3A_771 = arith.constant 512 : index
        %get3A_772 = tpu.vector_load %arg8[%get3A_770, %get3A_771] {strides = array<i32>} : memref<32x768xf32, #tpu.memory_space<vmem>>, vector<16xf32>,
        %mul3A_773 = arith.mulf %get3A_769, %get3A_772 : vector<16xf32>
        %add3A_774 = arith.addf %add3A_762, %mul3A_773 : vector<16xf32>
        %mul3A_775 = arith.mulf %get3A_769, %get3A_769 : vector<16xf32>
        %add3A_776 = arith.addf %add3A_764, %mul3A_775 : vector<16xf32>
        %mul3A_777 = arith.mulf %get3A_772, %get3A_772 : vector<16xf32>
        %add3A_778 = arith.addf %add3A_766, %mul3A_777 : vector<16xf32>
        %get3A_779 = arith.index_cast %add3A_377 : i32 to index
        %get3A_780 = arith.constant 528 : index
        %get3A_781 = tpu.vector_load %arg7[%get3A_779, %get3A_780] {strides = array<i32>} : memref<32x768xf32, #tpu.memory_space<vmem>>, vector<16xf32>,
        %get3A_782 = arith.index_cast %add3A_377 : i32 to index
        %get3A_783 = arith.constant 528 : index
        %get3A_784 = tpu.vector_load %arg8[%get3A_782, %get3A_783] {strides = array<i32>} : memref<32x768xf32, #tpu.memory_space<vmem>>, vector<16xf32>,
        %mul3A_785 = arith.mulf %get3A_781, %get3A_784 : vector<16xf32>
        %add3A_786 = arith.addf %add3A_774, %mul3A_785 : vector<16xf32>
        %mul3A_787 = arith.mulf %get3A_781, %get3A_781 : vector<16xf32>
        %add3A_788 = arith.addf %add3A_776, %mul3A_787 : vector<16xf32>
        %mul3A_789 = arith.mulf %get3A_784, %get3A_784 : vector<16xf32>
        %add3A_790 = arith.addf %add3A_778, %mul3A_789 : vector<16xf32>
        %get3A_791 = arith.index_cast %add3A_377 : i32 to index
        %get3A_792 = arith.constant 544 : index
        %get3A_793 = tpu.vector_load %arg7[%get3A_791, %get3A_792] {strides = array<i32>} : memref<32x768xf32, #tpu.memory_space<vmem>>, vector<16xf32>,
        %get3A_794 = arith.index_cast %add3A_377 : i32 to index
        %get3A_795 = arith.constant 544 : index
        %get3A_796 = tpu.vector_load %arg8[%get3A_794, %get3A_795] {strides = array<i32>} : memref<32x768xf32, #tpu.memory_space<vmem>>, vector<16xf32>,
        %mul3A_797 = arith.mulf %get3A_793, %get3A_796 : vector<16xf32>
        %add3A_798 = arith.addf %add3A_786, %mul3A_797 : vector<16xf32>
        %mul3A_799 = arith.mulf %get3A_793, %get3A_793 : vector<16xf32>
        %add3A_800 = arith.addf %add3A_788, %mul3A_799 : vector<16xf32>
        %mul3A_801 = arith.mulf %get3A_796, %get3A_796 : vector<16xf32>
        %add3A_802 = arith.addf %add3A_790, %mul3A_801 : vector<16xf32>
        %get3A_803 = arith.index_cast %add3A_377 : i32 to index
        %get3A_804 = arith.constant 560 : index
        %get3A_805 = tpu.vector_load %arg7[%get3A_803, %get3A_804] {strides = array<i32>} : memref<32x768xf32, #tpu.memory_space<vmem>>, vector<16xf32>,
        %get3A_806 = arith.index_cast %add3A_377 : i32 to index
        %get3A_807 = arith.constant 560 : index
        %get3A_808 = tpu.vector_load %arg8[%get3A_806, %get3A_807] {strides = array<i32>} : memref<32x768xf32, #tpu.memory_space<vmem>>, vector<16xf32>,
        %mul3A_809 = arith.mulf %get3A_805, %get3A_808 : vector<16xf32>
        %add3A_810 = arith.addf %add3A_798, %mul3A_809 : vector<16xf32>
        %mul3A_811 = arith.mulf %get3A_805, %get3A_805 : vector<16xf32>
        %add3A_812 = arith.addf %add3A_800, %mul3A_811 : vector<16xf32>
        %mul3A_813 = arith.mulf %get3A_808, %get3A_808 : vector<16xf32>
        %add3A_814 = arith.addf %add3A_802, %mul3A_813 : vector<16xf32>
        %get3A_815 = arith.index_cast %add3A_377 : i32 to index
        %get3A_816 = arith.constant 576 : index
        %get3A_817 = tpu.vector_load %arg7[%get3A_815, %get3A_816] {strides = array<i32>} : memref<32x768xf32, #tpu.memory_space<vmem>>, vector<16xf32>,
        %get3A_818 = arith.index_cast %add3A_377 : i32 to index
        %get3A_819 = arith.constant 576 : index
        %get3A_820 = tpu.vector_load %arg8[%get3A_818, %get3A_819] {strides = array<i32>} : memref<32x768xf32, #tpu.memory_space<vmem>>, vector<16xf32>,
        %mul3A_821 = arith.mulf %get3A_817, %get3A_820 : vector<16xf32>
        %add3A_822 = arith.addf %add3A_810, %mul3A_821 : vector<16xf32>
        %mul3A_823 = arith.mulf %get3A_817, %get3A_817 : vector<16xf32>
        %add3A_824 = arith.addf %add3A_812, %mul3A_823 : vector<16xf32>
        %mul3A_825 = arith.mulf %get3A_820, %get3A_820 : vector<16xf32>
        %add3A_826 = arith.addf %add3A_814, %mul3A_825 : vector<16xf32>
        %get3A_827 = arith.index_cast %add3A_377 : i32 to index
        %get3A_828 = arith.constant 592 : index
        %get3A_829 = tpu.vector_load %arg7[%get3A_827, %get3A_828] {strides = array<i32>} : memref<32x768xf32, #tpu.memory_space<vmem>>, vector<16xf32>,
        %get3A_830 = arith.index_cast %add3A_377 : i32 to index
        %get3A_831 = arith.constant 592 : index
        %get3A_832 = tpu.vector_load %arg8[%get3A_830, %get3A_831] {strides = array<i32>} : memref<32x768xf32, #tpu.memory_space<vmem>>, vector<16xf32>,
        %mul3A_833 = arith.mulf %get3A_829, %get3A_832 : vector<16xf32>
        %add3A_834 = arith.addf %add3A_822, %mul3A_833 : vector<16xf32>
        %mul3A_835 = arith.mulf %get3A_829, %get3A_829 : vector<16xf32>
        %add3A_836 = arith.addf %add3A_824, %mul3A_835 : vector<16xf32>
        %mul3A_837 = arith.mulf %get3A_832, %get3A_832 : vector<16xf32>
        %add3A_838 = arith.addf %add3A_826, %mul3A_837 : vector<16xf32>
        %get3A_839 = arith.index_cast %add3A_377 : i32 to index
        %get3A_840 = arith.constant 608 : index
        %get3A_841 = tpu.vector_load %arg7[%get3A_839, %get3A_840] {strides = array<i32>} : memref<32x768xf32, #tpu.memory_space<vmem>>, vector<16xf32>,
        %get3A_842 = arith.index_cast %add3A_377 : i32 to index
        %get3A_843 = arith.constant 608 : index
        %get3A_844 = tpu.vector_load %arg8[%get3A_842, %get3A_843] {strides = array<i32>} : memref<32x768xf32, #tpu.memory_space<vmem>>, vector<16xf32>,
        %mul3A_845 = arith.mulf %get3A_841, %get3A_844 : vector<16xf32>
        %add3A_846 = arith.addf %add3A_834, %mul3A_845 : vector<16xf32>
        %mul3A_847 = arith.mulf %get3A_841, %get3A_841 : vector<16xf32>
        %add3A_848 = arith.addf %add3A_836, %mul3A_847 : vector<16xf32>
        %mul3A_849 = arith.mulf %get3A_844, %get3A_844 : vector<16xf32>
        %add3A_850 = arith.addf %add3A_838, %mul3A_849 : vector<16xf32>
        %get3A_851 = arith.index_cast %add3A_377 : i32 to index
        %get3A_852 = arith.constant 624 : index
        %get3A_853 = tpu.vector_load %arg7[%get3A_851, %get3A_852] {strides = array<i32>} : memref<32x768xf32, #tpu.memory_space<vmem>>, vector<16xf32>,
        %get3A_854 = arith.index_cast %add3A_377 : i32 to index
        %get3A_855 = arith.constant 624 : index
        %get3A_856 = tpu.vector_load %arg8[%get3A_854, %get3A_855] {strides = array<i32>} : memref<32x768xf32, #tpu.memory_space<vmem>>, vector<16xf32>,
        %mul3A_857 = arith.mulf %get3A_853, %get3A_856 : vector<16xf32>
        %add3A_858 = arith.addf %add3A_846, %mul3A_857 : vector<16xf32>
        %mul3A_859 = arith.mulf %get3A_853, %get3A_853 : vector<16xf32>
        %add3A_860 = arith.addf %add3A_848, %mul3A_859 : vector<16xf32>
        %mul3A_861 = arith.mulf %get3A_856, %get3A_856 : vector<16xf32>
        %add3A_862 = arith.addf %add3A_850, %mul3A_861 : vector<16xf32>
        %get3A_863 = arith.index_cast %add3A_377 : i32 to index
        %get3A_864 = arith.constant 640 : index
        %get3A_865 = tpu.vector_load %arg7[%get3A_863, %get3A_864] {strides = array<i32>} : memref<32x768xf32, #tpu.memory_space<vmem>>, vector<16xf32>,
        %get3A_866 = arith.index_cast %add3A_377 : i32 to index
        %get3A_867 = arith.constant 640 : index
        %get3A_868 = tpu.vector_load %arg8[%get3A_866, %get3A_867] {strides = array<i32>} : memref<32x768xf32, #tpu.memory_space<vmem>>, vector<16xf32>,
        %mul3A_869 = arith.mulf %get3A_865, %get3A_868 : vector<16xf32>
        %add3A_870 = arith.addf %add3A_858, %mul3A_869 : vector<16xf32>
        %mul3A_871 = arith.mulf %get3A_865, %get3A_865 : vector<16xf32>
        %add3A_872 = arith.addf %add3A_860, %mul3A_871 : vector<16xf32>
        %mul3A_873 = arith.mulf %get3A_868, %get3A_868 : vector<16xf32>
        %add3A_874 = arith.addf %add3A_862, %mul3A_873 : vector<16xf32>
        %get3A_875 = arith.index_cast %add3A_377 : i32 to index
        %get3A_876 = arith.constant 656 : index
        %get3A_877 = tpu.vector_load %arg7[%get3A_875, %get3A_876] {strides = array<i32>} : memref<32x768xf32, #tpu.memory_space<vmem>>, vector<16xf32>,
        %get3A_878 = arith.index_cast %add3A_377 : i32 to index
        %get3A_879 = arith.constant 656 : index
        %get3A_880 = tpu.vector_load %arg8[%get3A_878, %get3A_879] {strides = array<i32>} : memref<32x768xf32, #tpu.memory_space<vmem>>, vector<16xf32>,
        %mul3A_881 = arith.mulf %get3A_877, %get3A_880 : vector<16xf32>
        %add3A_882 = arith.addf %add3A_870, %mul3A_881 : vector<16xf32>
        %mul3A_883 = arith.mulf %get3A_877, %get3A_877 : vector<16xf32>
        %add3A_884 = arith.addf %add3A_872, %mul3A_883 : vector<16xf32>
        %mul3A_885 = arith.mulf %get3A_880, %get3A_880 : vector<16xf32>
        %add3A_886 = arith.addf %add3A_874, %mul3A_885 : vector<16xf32>
        %get3A_887 = arith.index_cast %add3A_377 : i32 to index
        %get3A_888 = arith.constant 672 : index
        %get3A_889 = tpu.vector_load %arg7[%get3A_887, %get3A_888] {strides = array<i32>} : memref<32x768xf32, #tpu.memory_space<vmem>>, vector<16xf32>,
        %get3A_890 = arith.index_cast %add3A_377 : i32 to index
        %get3A_891 = arith.constant 672 : index
        %get3A_892 = tpu.vector_load %arg8[%get3A_890, %get3A_891] {strides = array<i32>} : memref<32x768xf32, #tpu.memory_space<vmem>>, vector<16xf32>,
        %mul3A_893 = arith.mulf %get3A_889, %get3A_892 : vector<16xf32>
        %add3A_894 = arith.addf %add3A_882, %mul3A_893 : vector<16xf32>
        %mul3A_895 = arith.mulf %get3A_889, %get3A_889 : vector<16xf32>
        %add3A_896 = arith.addf %add3A_884, %mul3A_895 : vector<16xf32>
        %mul3A_897 = arith.mulf %get3A_892, %get3A_892 : vector<16xf32>
        %add3A_898 = arith.addf %add3A_886, %mul3A_897 : vector<16xf32>
        %get3A_899 = arith.index_cast %add3A_377 : i32 to index
        %get3A_900 = arith.constant 688 : index
        %get3A_901 = tpu.vector_load %arg7[%get3A_899, %get3A_900] {strides = array<i32>} : memref<32x768xf32, #tpu.memory_space<vmem>>, vector<16xf32>,
        %get3A_902 = arith.index_cast %add3A_377 : i32 to index
        %get3A_903 = arith.constant 688 : index
        %get3A_904 = tpu.vector_load %arg8[%get3A_902, %get3A_903] {strides = array<i32>} : memref<32x768xf32, #tpu.memory_space<vmem>>, vector<16xf32>,
        %mul3A_905 = arith.mulf %get3A_901, %get3A_904 : vector<16xf32>
        %add3A_906 = arith.addf %add3A_894, %mul3A_905 : vector<16xf32>
        %mul3A_907 = arith.mulf %get3A_901, %get3A_901 : vector<16xf32>
        %add3A_908 = arith.addf %add3A_896, %mul3A_907 : vector<16xf32>
        %mul3A_909 = arith.mulf %get3A_904, %get3A_904 : vector<16xf32>
        %add3A_910 = arith.addf %add3A_898, %mul3A_909 : vector<16xf32>
        %get3A_911 = arith.index_cast %add3A_377 : i32 to index
        %get3A_912 = arith.constant 704 : index
        %get3A_913 = tpu.vector_load %arg7[%get3A_911, %get3A_912] {strides = array<i32>} : memref<32x768xf32, #tpu.memory_space<vmem>>, vector<16xf32>,
        %get3A_914 = arith.index_cast %add3A_377 : i32 to index
        %get3A_915 = arith.constant 704 : index
        %get3A_916 = tpu.vector_load %arg8[%get3A_914, %get3A_915] {strides = array<i32>} : memref<32x768xf32, #tpu.memory_space<vmem>>, vector<16xf32>,
        %mul3A_917 = arith.mulf %get3A_913, %get3A_916 : vector<16xf32>
        %add3A_918 = arith.addf %add3A_906, %mul3A_917 : vector<16xf32>
        %mul3A_919 = arith.mulf %get3A_913, %get3A_913 : vector<16xf32>
        %add3A_920 = arith.addf %add3A_908, %mul3A_919 : vector<16xf32>
        %mul3A_921 = arith.mulf %get3A_916, %get3A_916 : vector<16xf32>
        %add3A_922 = arith.addf %add3A_910, %mul3A_921 : vector<16xf32>
        %get3A_923 = arith.index_cast %add3A_377 : i32 to index
        %get3A_924 = arith.constant 720 : index
        %get3A_925 = tpu.vector_load %arg7[%get3A_923, %get3A_924] {strides = array<i32>} : memref<32x768xf32, #tpu.memory_space<vmem>>, vector<16xf32>,
        %get3A_926 = arith.index_cast %add3A_377 : i32 to index
        %get3A_927 = arith.constant 720 : index
        %get3A_928 = tpu.vector_load %arg8[%get3A_926, %get3A_927] {strides = array<i32>} : memref<32x768xf32, #tpu.memory_space<vmem>>, vector<16xf32>,
        %mul3A_929 = arith.mulf %get3A_925, %get3A_928 : vector<16xf32>
        %add3A_930 = arith.addf %add3A_918, %mul3A_929 : vector<16xf32>
        %mul3A_931 = arith.mulf %get3A_925, %get3A_925 : vector<16xf32>
        %add3A_932 = arith.addf %add3A_920, %mul3A_931 : vector<16xf32>
        %mul3A_933 = arith.mulf %get3A_928, %get3A_928 : vector<16xf32>
        %add3A_934 = arith.addf %add3A_922, %mul3A_933 : vector<16xf32>
        %get3A_935 = arith.index_cast %add3A_377 : i32 to index
        %get3A_936 = arith.constant 736 : index
        %get3A_937 = tpu.vector_load %arg7[%get3A_935, %get3A_936] {strides = array<i32>} : memref<32x768xf32, #tpu.memory_space<vmem>>, vector<16xf32>,
        %get3A_938 = arith.index_cast %add3A_377 : i32 to index
        %get3A_939 = arith.constant 736 : index
        %get3A_940 = tpu.vector_load %arg8[%get3A_938, %get3A_939] {strides = array<i32>} : memref<32x768xf32, #tpu.memory_space<vmem>>, vector<16xf32>,
        %mul3A_941 = arith.mulf %get3A_937, %get3A_940 : vector<16xf32>
        %add3A_942 = arith.addf %add3A_930, %mul3A_941 : vector<16xf32>
        %mul3A_943 = arith.mulf %get3A_937, %get3A_937 : vector<16xf32>
        %add3A_944 = arith.addf %add3A_932, %mul3A_943 : vector<16xf32>
        %mul3A_945 = arith.mulf %get3A_940, %get3A_940 : vector<16xf32>
        %add3A_946 = arith.addf %add3A_934, %mul3A_945 : vector<16xf32>
        %get3A_947 = arith.index_cast %add3A_377 : i32 to index
        %get3A_948 = arith.constant 752 : index
        %get3A_949 = tpu.vector_load %arg7[%get3A_947, %get3A_948] {strides = array<i32>} : memref<32x768xf32, #tpu.memory_space<vmem>>, vector<16xf32>,
        %get3A_950 = arith.index_cast %add3A_377 : i32 to index
        %get3A_951 = arith.constant 752 : index
        %get3A_952 = tpu.vector_load %arg8[%get3A_950, %get3A_951] {strides = array<i32>} : memref<32x768xf32, #tpu.memory_space<vmem>>, vector<16xf32>,
        %mul3A_953 = arith.mulf %get3A_949, %get3A_952 : vector<16xf32>
        %add3A_954 = arith.addf %add3A_942, %mul3A_953 : vector<16xf32>
        %mul3A_955 = arith.mulf %get3A_949, %get3A_949 : vector<16xf32>
        %add3A_956 = arith.addf %add3A_944, %mul3A_955 : vector<16xf32>
        %mul3A_957 = arith.mulf %get3A_952, %get3A_952 : vector<16xf32>
        %add3A_958 = arith.addf %add3A_946, %mul3A_957 : vector<16xf32>
        %mul3A_959 = arith.constant 17 : i32
        %mul3A_960 = vector.broadcast %mul3A_959 : i32 to vector<16xi32>
        %mul3A_961 = arith.muli %mul3A_960, %iota3A : vector<16xi32>
        %add3A_962 = vector.broadcast %scan3A_375 : i32 to vector<16xi32>
        %add3A_963 = arith.addi %mul3A_961, %add3A_962 : vector<16xi32>
        tpu.vector_store_idx %arg10[%add3A_963], %add3A_954 : memref<272xf32, #tpu.memory_space<vmem>>[vector<16xi32>], vector<16xf32>,
        tpu.vector_store_idx %arg11[%add3A_963], %add3A_956 : memref<272xf32, #tpu.memory_space<vmem>>[vector<16xi32>], vector<16xf32>,
        tpu.vector_store_idx %arg12[%add3A_963], %add3A_958 : memref<272xf32, #tpu.memory_space<vmem>>[vector<16xi32>], vector<16xf32>,
        %scan3A_964 = arith.constant 1 : i32
        %scan3A_965 = arith.addi %scan3A_375, %scan3A_964 : i32
        %add3A_966 = arith.constant 0 : i32
        %add3A_967 = arith.addi %add3A_966, %scan3A_965 : i32
        %broadcast_in_dim3A_968 = arith.constant 0.000000e+00 : f32
        %broadcast_in_dim3A_969 = vector.broadcast %broadcast_in_dim3A_968 : f32 to vector<16xf32>
        %broadcast_in_dim3A_970 = arith.constant 0.000000e+00 : f32
        %broadcast_in_dim3A_971 = vector.broadcast %broadcast_in_dim3A_970 : f32 to vector<16xf32>
        %broadcast_in_dim3A_972 = arith.constant 0.000000e+00 : f32
        %broadcast_in_dim3A_973 = vector.broadcast %broadcast_in_dim3A_972 : f32 to vector<16xf32>
        %get3A_974 = arith.index_cast %add3A_967 : i32 to index
        %get3A_975 = arith.constant 0 : index
        %get3A_976 = tpu.vector_load %arg7[%get3A_974, %get3A_975] {strides = array<i32>} : memref<32x768xf32, #tpu.memory_space<vmem>>, vector<16xf32>,
        %get3A_977 = arith.index_cast %add3A_967 : i32 to index
        %get3A_978 = arith.constant 0 : index
        %get3A_979 = tpu.vector_load %arg8[%get3A_977, %get3A_978] {strides = array<i32>} : memref<32x768xf32, #tpu.memory_space<vmem>>, vector<16xf32>,
        %mul3A_980 = arith.mulf %get3A_976, %get3A_979 : vector<16xf32>
        %add3A_981 = arith.addf %broadcast_in_dim3A_969, %mul3A_980 : vector<16xf32>
        %mul3A_982 = arith.mulf %get3A_976, %get3A_976 : vector<16xf32>
        %add3A_983 = arith.addf %broadcast_in_dim3A_971, %mul3A_982 : vector<16xf32>
        %mul3A_984 = arith.mulf %get3A_979, %get3A_979 : vector<16xf32>
        %add3A_985 = arith.addf %broadcast_in_dim3A_973, %mul3A_984 : vector<16xf32>
        %get3A_986 = arith.index_cast %add3A_967 : i32 to index
        %get3A_987 = arith.constant 16 : index
        %get3A_988 = tpu.vector_load %arg7[%get3A_986, %get3A_987] {strides = array<i32>} : memref<32x768xf32, #tpu.memory_space<vmem>>, vector<16xf32>,
        %get3A_989 = arith.index_cast %add3A_967 : i32 to index
        %get3A_990 = arith.constant 16 : index
        %get3A_991 = tpu.vector_load %arg8[%get3A_989, %get3A_990] {strides = array<i32>} : memref<32x768xf32, #tpu.memory_space<vmem>>, vector<16xf32>,
        %mul3A_992 = arith.mulf %get3A_988, %get3A_991 : vector<16xf32>
        %add3A_993 = arith.addf %add3A_981, %mul3A_992 : vector<16xf32>
        %mul3A_994 = arith.mulf %get3A_988, %get3A_988 : vector<16xf32>
        %add3A_995 = arith.addf %add3A_983, %mul3A_994 : vector<16xf32>
        %mul3A_996 = arith.mulf %get3A_991, %get3A_991 : vector<16xf32>
        %add3A_997 = arith.addf %add3A_985, %mul3A_996 : vector<16xf32>
        %get3A_998 = arith.index_cast %add3A_967 : i32 to index
        %get3A_999 = arith.constant 32 : index
        %get3A_1000 = tpu.vector_load %arg7[%get3A_998, %get3A_999] {strides = array<i32>} : memref<32x768xf32, #tpu.memory_space<vmem>>, vector<16xf32>,
        %get3A_1001 = arith.index_cast %add3A_967 : i32 to index
        %get3A_1002 = arith.constant 32 : index
        %get3A_1003 = tpu.vector_load %arg8[%get3A_1001, %get3A_1002] {strides = array<i32>} : memref<32x768xf32, #tpu.memory_space<vmem>>, vector<16xf32>,
        %mul3A_1004 = arith.mulf %get3A_1000, %get3A_1003 : vector<16xf32>
        %add3A_1005 = arith.addf %add3A_993, %mul3A_1004 : vector<16xf32>
        %mul3A_1006 = arith.mulf %get3A_1000, %get3A_1000 : vector<16xf32>
        %add3A_1007 = arith.addf %add3A_995, %mul3A_1006 : vector<16xf32>
        %mul3A_1008 = arith.mulf %get3A_1003, %get3A_1003 : vector<16xf32>
        %add3A_1009 = arith.addf %add3A_997, %mul3A_1008 : vector<16xf32>
        %get3A_1010 = arith.index_cast %add3A_967 : i32 to index
        %get3A_1011 = arith.constant 48 : index
        %get3A_1012 = tpu.vector_load %arg7[%get3A_1010, %get3A_1011] {strides = array<i32>} : memref<32x768xf32, #tpu.memory_space<vmem>>, vector<16xf32>,
        %get3A_1013 = arith.index_cast %add3A_967 : i32 to index
        %get3A_1014 = arith.constant 48 : index
        %get3A_1015 = tpu.vector_load %arg8[%get3A_1013, %get3A_1014] {strides = array<i32>} : memref<32x768xf32, #tpu.memory_space<vmem>>, vector<16xf32>,
        %mul3A_1016 = arith.mulf %get3A_1012, %get3A_1015 : vector<16xf32>
        %add3A_1017 = arith.addf %add3A_1005, %mul3A_1016 : vector<16xf32>
        %mul3A_1018 = arith.mulf %get3A_1012, %get3A_1012 : vector<16xf32>
        %add3A_1019 = arith.addf %add3A_1007, %mul3A_1018 : vector<16xf32>
        %mul3A_1020 = arith.mulf %get3A_1015, %get3A_1015 : vector<16xf32>
        %add3A_1021 = arith.addf %add3A_1009, %mul3A_1020 : vector<16xf32>
        %get3A_1022 = arith.index_cast %add3A_967 : i32 to index
        %get3A_1023 = arith.constant 64 : index
        %get3A_1024 = tpu.vector_load %arg7[%get3A_1022, %get3A_1023] {strides = array<i32>} : memref<32x768xf32, #tpu.memory_space<vmem>>, vector<16xf32>,
        %get3A_1025 = arith.index_cast %add3A_967 : i32 to index
        %get3A_1026 = arith.constant 64 : index
        %get3A_1027 = tpu.vector_load %arg8[%get3A_1025, %get3A_1026] {strides = array<i32>} : memref<32x768xf32, #tpu.memory_space<vmem>>, vector<16xf32>,
        %mul3A_1028 = arith.mulf %get3A_1024, %get3A_1027 : vector<16xf32>
        %add3A_1029 = arith.addf %add3A_1017, %mul3A_1028 : vector<16xf32>
        %mul3A_1030 = arith.mulf %get3A_1024, %get3A_1024 : vector<16xf32>
        %add3A_1031 = arith.addf %add3A_1019, %mul3A_1030 : vector<16xf32>
        %mul3A_1032 = arith.mulf %get3A_1027, %get3A_1027 : vector<16xf32>
        %add3A_1033 = arith.addf %add3A_1021, %mul3A_1032 : vector<16xf32>
        %get3A_1034 = arith.index_cast %add3A_967 : i32 to index
        %get3A_1035 = arith.constant 80 : index
        %get3A_1036 = tpu.vector_load %arg7[%get3A_1034, %get3A_1035] {strides = array<i32>} : memref<32x768xf32, #tpu.memory_space<vmem>>, vector<16xf32>,
        %get3A_1037 = arith.index_cast %add3A_967 : i32 to index
        %get3A_1038 = arith.constant 80 : index
        %get3A_1039 = tpu.vector_load %arg8[%get3A_1037, %get3A_1038] {strides = array<i32>} : memref<32x768xf32, #tpu.memory_space<vmem>>, vector<16xf32>,
        %mul3A_1040 = arith.mulf %get3A_1036, %get3A_1039 : vector<16xf32>
        %add3A_1041 = arith.addf %add3A_1029, %mul3A_1040 : vector<16xf32>
        %mul3A_1042 = arith.mulf %get3A_1036, %get3A_1036 : vector<16xf32>
        %add3A_1043 = arith.addf %add3A_1031, %mul3A_1042 : vector<16xf32>
        %mul3A_1044 = arith.mulf %get3A_1039, %get3A_1039 : vector<16xf32>
        %add3A_1045 = arith.addf %add3A_1033, %mul3A_1044 : vector<16xf32>
        %get3A_1046 = arith.index_cast %add3A_967 : i32 to index
        %get3A_1047 = arith.constant 96 : index
        %get3A_1048 = tpu.vector_load %arg7[%get3A_1046, %get3A_1047] {strides = array<i32>} : memref<32x768xf32, #tpu.memory_space<vmem>>, vector<16xf32>,
        %get3A_1049 = arith.index_cast %add3A_967 : i32 to index
        %get3A_1050 = arith.constant 96 : index
        %get3A_1051 = tpu.vector_load %arg8[%get3A_1049, %get3A_1050] {strides = array<i32>} : memref<32x768xf32, #tpu.memory_space<vmem>>, vector<16xf32>,
        %mul3A_1052 = arith.mulf %get3A_1048, %get3A_1051 : vector<16xf32>
        %add3A_1053 = arith.addf %add3A_1041, %mul3A_1052 : vector<16xf32>
        %mul3A_1054 = arith.mulf %get3A_1048, %get3A_1048 : vector<16xf32>
        %add3A_1055 = arith.addf %add3A_1043, %mul3A_1054 : vector<16xf32>
        %mul3A_1056 = arith.mulf %get3A_1051, %get3A_1051 : vector<16xf32>
        %add3A_1057 = arith.addf %add3A_1045, %mul3A_1056 : vector<16xf32>
        %get3A_1058 = arith.index_cast %add3A_967 : i32 to index
        %get3A_1059 = arith.constant 112 : index
        %get3A_1060 = tpu.vector_load %arg7[%get3A_1058, %get3A_1059] {strides = array<i32>} : memref<32x768xf32, #tpu.memory_space<vmem>>, vector<16xf32>,
        %get3A_1061 = arith.index_cast %add3A_967 : i32 to index
        %get3A_1062 = arith.constant 112 : index
        %get3A_1063 = tpu.vector_load %arg8[%get3A_1061, %get3A_1062] {strides = array<i32>} : memref<32x768xf32, #tpu.memory_space<vmem>>, vector<16xf32>,
        %mul3A_1064 = arith.mulf %get3A_1060, %get3A_1063 : vector<16xf32>
        %add3A_1065 = arith.addf %add3A_1053, %mul3A_1064 : vector<16xf32>
        %mul3A_1066 = arith.mulf %get3A_1060, %get3A_1060 : vector<16xf32>
        %add3A_1067 = arith.addf %add3A_1055, %mul3A_1066 : vector<16xf32>
        %mul3A_1068 = arith.mulf %get3A_1063, %get3A_1063 : vector<16xf32>
        %add3A_1069 = arith.addf %add3A_1057, %mul3A_1068 : vector<16xf32>
        %get3A_1070 = arith.index_cast %add3A_967 : i32 to index
        %get3A_1071 = arith.constant 128 : index
        %get3A_1072 = tpu.vector_load %arg7[%get3A_1070, %get3A_1071] {strides = array<i32>} : memref<32x768xf32, #tpu.memory_space<vmem>>, vector<16xf32>,
        %get3A_1073 = arith.index_cast %add3A_967 : i32 to index
        %get3A_1074 = arith.constant 128 : index
        %get3A_1075 = tpu.vector_load %arg8[%get3A_1073, %get3A_1074] {strides = array<i32>} : memref<32x768xf32, #tpu.memory_space<vmem>>, vector<16xf32>,
        %mul3A_1076 = arith.mulf %get3A_1072, %get3A_1075 : vector<16xf32>
        %add3A_1077 = arith.addf %add3A_1065, %mul3A_1076 : vector<16xf32>
        %mul3A_1078 = arith.mulf %get3A_1072, %get3A_1072 : vector<16xf32>
        %add3A_1079 = arith.addf %add3A_1067, %mul3A_1078 : vector<16xf32>
        %mul3A_1080 = arith.mulf %get3A_1075, %get3A_1075 : vector<16xf32>
        %add3A_1081 = arith.addf %add3A_1069, %mul3A_1080 : vector<16xf32>
        %get3A_1082 = arith.index_cast %add3A_967 : i32 to index
        %get3A_1083 = arith.constant 144 : index
        %get3A_1084 = tpu.vector_load %arg7[%get3A_1082, %get3A_1083] {strides = array<i32>} : memref<32x768xf32, #tpu.memory_space<vmem>>, vector<16xf32>,
        %get3A_1085 = arith.index_cast %add3A_967 : i32 to index
        %get3A_1086 = arith.constant 144 : index
        %get3A_1087 = tpu.vector_load %arg8[%get3A_1085, %get3A_1086] {strides = array<i32>} : memref<32x768xf32, #tpu.memory_space<vmem>>, vector<16xf32>,
        %mul3A_1088 = arith.mulf %get3A_1084, %get3A_1087 : vector<16xf32>
        %add3A_1089 = arith.addf %add3A_1077, %mul3A_1088 : vector<16xf32>
        %mul3A_1090 = arith.mulf %get3A_1084, %get3A_1084 : vector<16xf32>
        %add3A_1091 = arith.addf %add3A_1079, %mul3A_1090 : vector<16xf32>
        %mul3A_1092 = arith.mulf %get3A_1087, %get3A_1087 : vector<16xf32>
        %add3A_1093 = arith.addf %add3A_1081, %mul3A_1092 : vector<16xf32>
        %get3A_1094 = arith.index_cast %add3A_967 : i32 to index
        %get3A_1095 = arith.constant 160 : index
        %get3A_1096 = tpu.vector_load %arg7[%get3A_1094, %get3A_1095] {strides = array<i32>} : memref<32x768xf32, #tpu.memory_space<vmem>>, vector<16xf32>,
        %get3A_1097 = arith.index_cast %add3A_967 : i32 to index
        %get3A_1098 = arith.constant 160 : index
        %get3A_1099 = tpu.vector_load %arg8[%get3A_1097, %get3A_1098] {strides = array<i32>} : memref<32x768xf32, #tpu.memory_space<vmem>>, vector<16xf32>,
        %mul3A_1100 = arith.mulf %get3A_1096, %get3A_1099 : vector<16xf32>
        %add3A_1101 = arith.addf %add3A_1089, %mul3A_1100 : vector<16xf32>
        %mul3A_1102 = arith.mulf %get3A_1096, %get3A_1096 : vector<16xf32>
        %add3A_1103 = arith.addf %add3A_1091, %mul3A_1102 : vector<16xf32>
        %mul3A_1104 = arith.mulf %get3A_1099, %get3A_1099 : vector<16xf32>
        %add3A_1105 = arith.addf %add3A_1093, %mul3A_1104 : vector<16xf32>
        %get3A_1106 = arith.index_cast %add3A_967 : i32 to index
        %get3A_1107 = arith.constant 176 : index
        %get3A_1108 = tpu.vector_load %arg7[%get3A_1106, %get3A_1107] {strides = array<i32>} : memref<32x768xf32, #tpu.memory_space<vmem>>, vector<16xf32>,
        %get3A_1109 = arith.index_cast %add3A_967 : i32 to index
        %get3A_1110 = arith.constant 176 : index
        %get3A_1111 = tpu.vector_load %arg8[%get3A_1109, %get3A_1110] {strides = array<i32>} : memref<32x768xf32, #tpu.memory_space<vmem>>, vector<16xf32>,
        %mul3A_1112 = arith.mulf %get3A_1108, %get3A_1111 : vector<16xf32>
        %add3A_1113 = arith.addf %add3A_1101, %mul3A_1112 : vector<16xf32>
        %mul3A_1114 = arith.mulf %get3A_1108, %get3A_1108 : vector<16xf32>
        %add3A_1115 = arith.addf %add3A_1103, %mul3A_1114 : vector<16xf32>
        %mul3A_1116 = arith.mulf %get3A_1111, %get3A_1111 : vector<16xf32>
        %add3A_1117 = arith.addf %add3A_1105, %mul3A_1116 : vector<16xf32>
        %get3A_1118 = arith.index_cast %add3A_967 : i32 to index
        %get3A_1119 = arith.constant 192 : index
        %get3A_1120 = tpu.vector_load %arg7[%get3A_1118, %get3A_1119] {strides = array<i32>} : memref<32x768xf32, #tpu.memory_space<vmem>>, vector<16xf32>,
        %get3A_1121 = arith.index_cast %add3A_967 : i32 to index
        %get3A_1122 = arith.constant 192 : index
        %get3A_1123 = tpu.vector_load %arg8[%get3A_1121, %get3A_1122] {strides = array<i32>} : memref<32x768xf32, #tpu.memory_space<vmem>>, vector<16xf32>,
        %mul3A_1124 = arith.mulf %get3A_1120, %get3A_1123 : vector<16xf32>
        %add3A_1125 = arith.addf %add3A_1113, %mul3A_1124 : vector<16xf32>
        %mul3A_1126 = arith.mulf %get3A_1120, %get3A_1120 : vector<16xf32>
        %add3A_1127 = arith.addf %add3A_1115, %mul3A_1126 : vector<16xf32>
        %mul3A_1128 = arith.mulf %get3A_1123, %get3A_1123 : vector<16xf32>
        %add3A_1129 = arith.addf %add3A_1117, %mul3A_1128 : vector<16xf32>
        %get3A_1130 = arith.index_cast %add3A_967 : i32 to index
        %get3A_1131 = arith.constant 208 : index
        %get3A_1132 = tpu.vector_load %arg7[%get3A_1130, %get3A_1131] {strides = array<i32>} : memref<32x768xf32, #tpu.memory_space<vmem>>, vector<16xf32>,
        %get3A_1133 = arith.index_cast %add3A_967 : i32 to index
        %get3A_1134 = arith.constant 208 : index
        %get3A_1135 = tpu.vector_load %arg8[%get3A_1133, %get3A_1134] {strides = array<i32>} : memref<32x768xf32, #tpu.memory_space<vmem>>, vector<16xf32>,
        %mul3A_1136 = arith.mulf %get3A_1132, %get3A_1135 : vector<16xf32>
        %add3A_1137 = arith.addf %add3A_1125, %mul3A_1136 : vector<16xf32>
        %mul3A_1138 = arith.mulf %get3A_1132, %get3A_1132 : vector<16xf32>
        %add3A_1139 = arith.addf %add3A_1127, %mul3A_1138 : vector<16xf32>
        %mul3A_1140 = arith.mulf %get3A_1135, %get3A_1135 : vector<16xf32>
        %add3A_1141 = arith.addf %add3A_1129, %mul3A_1140 : vector<16xf32>
        %get3A_1142 = arith.index_cast %add3A_967 : i32 to index
        %get3A_1143 = arith.constant 224 : index
        %get3A_1144 = tpu.vector_load %arg7[%get3A_1142, %get3A_1143] {strides = array<i32>} : memref<32x768xf32, #tpu.memory_space<vmem>>, vector<16xf32>,
        %get3A_1145 = arith.index_cast %add3A_967 : i32 to index
        %get3A_1146 = arith.constant 224 : index
        %get3A_1147 = tpu.vector_load %arg8[%get3A_1145, %get3A_1146] {strides = array<i32>} : memref<32x768xf32, #tpu.memory_space<vmem>>, vector<16xf32>,
        %mul3A_1148 = arith.mulf %get3A_1144, %get3A_1147 : vector<16xf32>
        %add3A_1149 = arith.addf %add3A_1137, %mul3A_1148 : vector<16xf32>
        %mul3A_1150 = arith.mulf %get3A_1144, %get3A_1144 : vector<16xf32>
        %add3A_1151 = arith.addf %add3A_1139, %mul3A_1150 : vector<16xf32>
        %mul3A_1152 = arith.mulf %get3A_1147, %get3A_1147 : vector<16xf32>
        %add3A_1153 = arith.addf %add3A_1141, %mul3A_1152 : vector<16xf32>
        %get3A_1154 = arith.index_cast %add3A_967 : i32 to index
        %get3A_1155 = arith.constant 240 : index
        %get3A_1156 = tpu.vector_load %arg7[%get3A_1154, %get3A_1155] {strides = array<i32>} : memref<32x768xf32, #tpu.memory_space<vmem>>, vector<16xf32>,
        %get3A_1157 = arith.index_cast %add3A_967 : i32 to index
        %get3A_1158 = arith.constant 240 : index
        %get3A_1159 = tpu.vector_load %arg8[%get3A_1157, %get3A_1158] {strides = array<i32>} : memref<32x768xf32, #tpu.memory_space<vmem>>, vector<16xf32>,
        %mul3A_1160 = arith.mulf %get3A_1156, %get3A_1159 : vector<16xf32>
        %add3A_1161 = arith.addf %add3A_1149, %mul3A_1160 : vector<16xf32>
        %mul3A_1162 = arith.mulf %get3A_1156, %get3A_1156 : vector<16xf32>
        %add3A_1163 = arith.addf %add3A_1151, %mul3A_1162 : vector<16xf32>
        %mul3A_1164 = arith.mulf %get3A_1159, %get3A_1159 : vector<16xf32>
        %add3A_1165 = arith.addf %add3A_1153, %mul3A_1164 : vector<16xf32>
        %get3A_1166 = arith.index_cast %add3A_967 : i32 to index
        %get3A_1167 = arith.constant 256 : index
        %get3A_1168 = tpu.vector_load %arg7[%get3A_1166, %get3A_1167] {strides = array<i32>} : memref<32x768xf32, #tpu.memory_space<vmem>>, vector<16xf32>,
        %get3A_1169 = arith.index_cast %add3A_967 : i32 to index
        %get3A_1170 = arith.constant 256 : index
        %get3A_1171 = tpu.vector_load %arg8[%get3A_1169, %get3A_1170] {strides = array<i32>} : memref<32x768xf32, #tpu.memory_space<vmem>>, vector<16xf32>,
        %mul3A_1172 = arith.mulf %get3A_1168, %get3A_1171 : vector<16xf32>
        %add3A_1173 = arith.addf %add3A_1161, %mul3A_1172 : vector<16xf32>
        %mul3A_1174 = arith.mulf %get3A_1168, %get3A_1168 : vector<16xf32>
        %add3A_1175 = arith.addf %add3A_1163, %mul3A_1174 : vector<16xf32>
        %mul3A_1176 = arith.mulf %get3A_1171, %get3A_1171 : vector<16xf32>
        %add3A_1177 = arith.addf %add3A_1165, %mul3A_1176 : vector<16xf32>
        %get3A_1178 = arith.index_cast %add3A_967 : i32 to index
        %get3A_1179 = arith.constant 272 : index
        %get3A_1180 = tpu.vector_load %arg7[%get3A_1178, %get3A_1179] {strides = array<i32>} : memref<32x768xf32, #tpu.memory_space<vmem>>, vector<16xf32>,
        %get3A_1181 = arith.index_cast %add3A_967 : i32 to index
        %get3A_1182 = arith.constant 272 : index
        %get3A_1183 = tpu.vector_load %arg8[%get3A_1181, %get3A_1182] {strides = array<i32>} : memref<32x768xf32, #tpu.memory_space<vmem>>, vector<16xf32>,
        %mul3A_1184 = arith.mulf %get3A_1180, %get3A_1183 : vector<16xf32>
        %add3A_1185 = arith.addf %add3A_1173, %mul3A_1184 : vector<16xf32>
        %mul3A_1186 = arith.mulf %get3A_1180, %get3A_1180 : vector<16xf32>
        %add3A_1187 = arith.addf %add3A_1175, %mul3A_1186 : vector<16xf32>
        %mul3A_1188 = arith.mulf %get3A_1183, %get3A_1183 : vector<16xf32>
        %add3A_1189 = arith.addf %add3A_1177, %mul3A_1188 : vector<16xf32>
        %get3A_1190 = arith.index_cast %add3A_967 : i32 to index
        %get3A_1191 = arith.constant 288 : index
        %get3A_1192 = tpu.vector_load %arg7[%get3A_1190, %get3A_1191] {strides = array<i32>} : memref<32x768xf32, #tpu.memory_space<vmem>>, vector<16xf32>,
        %get3A_1193 = arith.index_cast %add3A_967 : i32 to index
        %get3A_1194 = arith.constant 288 : index
        %get3A_1195 = tpu.vector_load %arg8[%get3A_1193, %get3A_1194] {strides = array<i32>} : memref<32x768xf32, #tpu.memory_space<vmem>>, vector<16xf32>,
        %mul3A_1196 = arith.mulf %get3A_1192, %get3A_1195 : vector<16xf32>
        %add3A_1197 = arith.addf %add3A_1185, %mul3A_1196 : vector<16xf32>
        %mul3A_1198 = arith.mulf %get3A_1192, %get3A_1192 : vector<16xf32>
        %add3A_1199 = arith.addf %add3A_1187, %mul3A_1198 : vector<16xf32>
        %mul3A_1200 = arith.mulf %get3A_1195, %get3A_1195 : vector<16xf32>
        %add3A_1201 = arith.addf %add3A_1189, %mul3A_1200 : vector<16xf32>
        %get3A_1202 = arith.index_cast %add3A_967 : i32 to index
        %get3A_1203 = arith.constant 304 : index
        %get3A_1204 = tpu.vector_load %arg7[%get3A_1202, %get3A_1203] {strides = array<i32>} : memref<32x768xf32, #tpu.memory_space<vmem>>, vector<16xf32>,
        %get3A_1205 = arith.index_cast %add3A_967 : i32 to index
        %get3A_1206 = arith.constant 304 : index
        %get3A_1207 = tpu.vector_load %arg8[%get3A_1205, %get3A_1206] {strides = array<i32>} : memref<32x768xf32, #tpu.memory_space<vmem>>, vector<16xf32>,
        %mul3A_1208 = arith.mulf %get3A_1204, %get3A_1207 : vector<16xf32>
        %add3A_1209 = arith.addf %add3A_1197, %mul3A_1208 : vector<16xf32>
        %mul3A_1210 = arith.mulf %get3A_1204, %get3A_1204 : vector<16xf32>
        %add3A_1211 = arith.addf %add3A_1199, %mul3A_1210 : vector<16xf32>
        %mul3A_1212 = arith.mulf %get3A_1207, %get3A_1207 : vector<16xf32>
        %add3A_1213 = arith.addf %add3A_1201, %mul3A_1212 : vector<16xf32>
        %get3A_1214 = arith.index_cast %add3A_967 : i32 to index
        %get3A_1215 = arith.constant 320 : index
        %get3A_1216 = tpu.vector_load %arg7[%get3A_1214, %get3A_1215] {strides = array<i32>} : memref<32x768xf32, #tpu.memory_space<vmem>>, vector<16xf32>,
        %get3A_1217 = arith.index_cast %add3A_967 : i32 to index
        %get3A_1218 = arith.constant 320 : index
        %get3A_1219 = tpu.vector_load %arg8[%get3A_1217, %get3A_1218] {strides = array<i32>} : memref<32x768xf32, #tpu.memory_space<vmem>>, vector<16xf32>,
        %mul3A_1220 = arith.mulf %get3A_1216, %get3A_1219 : vector<16xf32>
        %add3A_1221 = arith.addf %add3A_1209, %mul3A_1220 : vector<16xf32>
        %mul3A_1222 = arith.mulf %get3A_1216, %get3A_1216 : vector<16xf32>
        %add3A_1223 = arith.addf %add3A_1211, %mul3A_1222 : vector<16xf32>
        %mul3A_1224 = arith.mulf %get3A_1219, %get3A_1219 : vector<16xf32>
        %add3A_1225 = arith.addf %add3A_1213, %mul3A_1224 : vector<16xf32>
        %get3A_1226 = arith.index_cast %add3A_967 : i32 to index
        %get3A_1227 = arith.constant 336 : index
        %get3A_1228 = tpu.vector_load %arg7[%get3A_1226, %get3A_1227] {strides = array<i32>} : memref<32x768xf32, #tpu.memory_space<vmem>>, vector<16xf32>,
        %get3A_1229 = arith.index_cast %add3A_967 : i32 to index
        %get3A_1230 = arith.constant 336 : index
        %get3A_1231 = tpu.vector_load %arg8[%get3A_1229, %get3A_1230] {strides = array<i32>} : memref<32x768xf32, #tpu.memory_space<vmem>>, vector<16xf32>,
        %mul3A_1232 = arith.mulf %get3A_1228, %get3A_1231 : vector<16xf32>
        %add3A_1233 = arith.addf %add3A_1221, %mul3A_1232 : vector<16xf32>
        %mul3A_1234 = arith.mulf %get3A_1228, %get3A_1228 : vector<16xf32>
        %add3A_1235 = arith.addf %add3A_1223, %mul3A_1234 : vector<16xf32>
        %mul3A_1236 = arith.mulf %get3A_1231, %get3A_1231 : vector<16xf32>
        %add3A_1237 = arith.addf %add3A_1225, %mul3A_1236 : vector<16xf32>
        %get3A_1238 = arith.index_cast %add3A_967 : i32 to index
        %get3A_1239 = arith.constant 352 : index
        %get3A_1240 = tpu.vector_load %arg7[%get3A_1238, %get3A_1239] {strides = array<i32>} : memref<32x768xf32, #tpu.memory_space<vmem>>, vector<16xf32>,
        %get3A_1241 = arith.index_cast %add3A_967 : i32 to index
        %get3A_1242 = arith.constant 352 : index
        %get3A_1243 = tpu.vector_load %arg8[%get3A_1241, %get3A_1242] {strides = array<i32>} : memref<32x768xf32, #tpu.memory_space<vmem>>, vector<16xf32>,
        %mul3A_1244 = arith.mulf %get3A_1240, %get3A_1243 : vector<16xf32>
        %add3A_1245 = arith.addf %add3A_1233, %mul3A_1244 : vector<16xf32>
        %mul3A_1246 = arith.mulf %get3A_1240, %get3A_1240 : vector<16xf32>
        %add3A_1247 = arith.addf %add3A_1235, %mul3A_1246 : vector<16xf32>
        %mul3A_1248 = arith.mulf %get3A_1243, %get3A_1243 : vector<16xf32>
        %add3A_1249 = arith.addf %add3A_1237, %mul3A_1248 : vector<16xf32>
        %get3A_1250 = arith.index_cast %add3A_967 : i32 to index
        %get3A_1251 = arith.constant 368 : index
        %get3A_1252 = tpu.vector_load %arg7[%get3A_1250, %get3A_1251] {strides = array<i32>} : memref<32x768xf32, #tpu.memory_space<vmem>>, vector<16xf32>,
        %get3A_1253 = arith.index_cast %add3A_967 : i32 to index
        %get3A_1254 = arith.constant 368 : index
        %get3A_1255 = tpu.vector_load %arg8[%get3A_1253, %get3A_1254] {strides = array<i32>} : memref<32x768xf32, #tpu.memory_space<vmem>>, vector<16xf32>,
        %mul3A_1256 = arith.mulf %get3A_1252, %get3A_1255 : vector<16xf32>
        %add3A_1257 = arith.addf %add3A_1245, %mul3A_1256 : vector<16xf32>
        %mul3A_1258 = arith.mulf %get3A_1252, %get3A_1252 : vector<16xf32>
        %add3A_1259 = arith.addf %add3A_1247, %mul3A_1258 : vector<16xf32>
        %mul3A_1260 = arith.mulf %get3A_1255, %get3A_1255 : vector<16xf32>
        %add3A_1261 = arith.addf %add3A_1249, %mul3A_1260 : vector<16xf32>
        %get3A_1262 = arith.index_cast %add3A_967 : i32 to index
        %get3A_1263 = arith.constant 384 : index
        %get3A_1264 = tpu.vector_load %arg7[%get3A_1262, %get3A_1263] {strides = array<i32>} : memref<32x768xf32, #tpu.memory_space<vmem>>, vector<16xf32>,
        %get3A_1265 = arith.index_cast %add3A_967 : i32 to index
        %get3A_1266 = arith.constant 384 : index
        %get3A_1267 = tpu.vector_load %arg8[%get3A_1265, %get3A_1266] {strides = array<i32>} : memref<32x768xf32, #tpu.memory_space<vmem>>, vector<16xf32>,
        %mul3A_1268 = arith.mulf %get3A_1264, %get3A_1267 : vector<16xf32>
        %add3A_1269 = arith.addf %add3A_1257, %mul3A_1268 : vector<16xf32>
        %mul3A_1270 = arith.mulf %get3A_1264, %get3A_1264 : vector<16xf32>
        %add3A_1271 = arith.addf %add3A_1259, %mul3A_1270 : vector<16xf32>
        %mul3A_1272 = arith.mulf %get3A_1267, %get3A_1267 : vector<16xf32>
        %add3A_1273 = arith.addf %add3A_1261, %mul3A_1272 : vector<16xf32>
        %get3A_1274 = arith.index_cast %add3A_967 : i32 to index
        %get3A_1275 = arith.constant 400 : index
        %get3A_1276 = tpu.vector_load %arg7[%get3A_1274, %get3A_1275] {strides = array<i32>} : memref<32x768xf32, #tpu.memory_space<vmem>>, vector<16xf32>,
        %get3A_1277 = arith.index_cast %add3A_967 : i32 to index
        %get3A_1278 = arith.constant 400 : index
        %get3A_1279 = tpu.vector_load %arg8[%get3A_1277, %get3A_1278] {strides = array<i32>} : memref<32x768xf32, #tpu.memory_space<vmem>>, vector<16xf32>,
        %mul3A_1280 = arith.mulf %get3A_1276, %get3A_1279 : vector<16xf32>
        %add3A_1281 = arith.addf %add3A_1269, %mul3A_1280 : vector<16xf32>
        %mul3A_1282 = arith.mulf %get3A_1276, %get3A_1276 : vector<16xf32>
        %add3A_1283 = arith.addf %add3A_1271, %mul3A_1282 : vector<16xf32>
        %mul3A_1284 = arith.mulf %get3A_1279, %get3A_1279 : vector<16xf32>
        %add3A_1285 = arith.addf %add3A_1273, %mul3A_1284 : vector<16xf32>
        %get3A_1286 = arith.index_cast %add3A_967 : i32 to index
        %get3A_1287 = arith.constant 416 : index
        %get3A_1288 = tpu.vector_load %arg7[%get3A_1286, %get3A_1287] {strides = array<i32>} : memref<32x768xf32, #tpu.memory_space<vmem>>, vector<16xf32>,
        %get3A_1289 = arith.index_cast %add3A_967 : i32 to index
        %get3A_1290 = arith.constant 416 : index
        %get3A_1291 = tpu.vector_load %arg8[%get3A_1289, %get3A_1290] {strides = array<i32>} : memref<32x768xf32, #tpu.memory_space<vmem>>, vector<16xf32>,
        %mul3A_1292 = arith.mulf %get3A_1288, %get3A_1291 : vector<16xf32>
        %add3A_1293 = arith.addf %add3A_1281, %mul3A_1292 : vector<16xf32>
        %mul3A_1294 = arith.mulf %get3A_1288, %get3A_1288 : vector<16xf32>
        %add3A_1295 = arith.addf %add3A_1283, %mul3A_1294 : vector<16xf32>
        %mul3A_1296 = arith.mulf %get3A_1291, %get3A_1291 : vector<16xf32>
        %add3A_1297 = arith.addf %add3A_1285, %mul3A_1296 : vector<16xf32>
        %get3A_1298 = arith.index_cast %add3A_967 : i32 to index
        %get3A_1299 = arith.constant 432 : index
        %get3A_1300 = tpu.vector_load %arg7[%get3A_1298, %get3A_1299] {strides = array<i32>} : memref<32x768xf32, #tpu.memory_space<vmem>>, vector<16xf32>,
        %get3A_1301 = arith.index_cast %add3A_967 : i32 to index
        %get3A_1302 = arith.constant 432 : index
        %get3A_1303 = tpu.vector_load %arg8[%get3A_1301, %get3A_1302] {strides = array<i32>} : memref<32x768xf32, #tpu.memory_space<vmem>>, vector<16xf32>,
        %mul3A_1304 = arith.mulf %get3A_1300, %get3A_1303 : vector<16xf32>
        %add3A_1305 = arith.addf %add3A_1293, %mul3A_1304 : vector<16xf32>
        %mul3A_1306 = arith.mulf %get3A_1300, %get3A_1300 : vector<16xf32>
        %add3A_1307 = arith.addf %add3A_1295, %mul3A_1306 : vector<16xf32>
        %mul3A_1308 = arith.mulf %get3A_1303, %get3A_1303 : vector<16xf32>
        %add3A_1309 = arith.addf %add3A_1297, %mul3A_1308 : vector<16xf32>
        %get3A_1310 = arith.index_cast %add3A_967 : i32 to index
        %get3A_1311 = arith.constant 448 : index
        %get3A_1312 = tpu.vector_load %arg7[%get3A_1310, %get3A_1311] {strides = array<i32>} : memref<32x768xf32, #tpu.memory_space<vmem>>, vector<16xf32>,
        %get3A_1313 = arith.index_cast %add3A_967 : i32 to index
        %get3A_1314 = arith.constant 448 : index
        %get3A_1315 = tpu.vector_load %arg8[%get3A_1313, %get3A_1314] {strides = array<i32>} : memref<32x768xf32, #tpu.memory_space<vmem>>, vector<16xf32>,
        %mul3A_1316 = arith.mulf %get3A_1312, %get3A_1315 : vector<16xf32>
        %add3A_1317 = arith.addf %add3A_1305, %mul3A_1316 : vector<16xf32>
        %mul3A_1318 = arith.mulf %get3A_1312, %get3A_1312 : vector<16xf32>
        %add3A_1319 = arith.addf %add3A_1307, %mul3A_1318 : vector<16xf32>
        %mul3A_1320 = arith.mulf %get3A_1315, %get3A_1315 : vector<16xf32>
        %add3A_1321 = arith.addf %add3A_1309, %mul3A_1320 : vector<16xf32>
        %get3A_1322 = arith.index_cast %add3A_967 : i32 to index
        %get3A_1323 = arith.constant 464 : index
        %get3A_1324 = tpu.vector_load %arg7[%get3A_1322, %get3A_1323] {strides = array<i32>} : memref<32x768xf32, #tpu.memory_space<vmem>>, vector<16xf32>,
        %get3A_1325 = arith.index_cast %add3A_967 : i32 to index
        %get3A_1326 = arith.constant 464 : index
        %get3A_1327 = tpu.vector_load %arg8[%get3A_1325, %get3A_1326] {strides = array<i32>} : memref<32x768xf32, #tpu.memory_space<vmem>>, vector<16xf32>,
        %mul3A_1328 = arith.mulf %get3A_1324, %get3A_1327 : vector<16xf32>
        %add3A_1329 = arith.addf %add3A_1317, %mul3A_1328 : vector<16xf32>
        %mul3A_1330 = arith.mulf %get3A_1324, %get3A_1324 : vector<16xf32>
        %add3A_1331 = arith.addf %add3A_1319, %mul3A_1330 : vector<16xf32>
        %mul3A_1332 = arith.mulf %get3A_1327, %get3A_1327 : vector<16xf32>
        %add3A_1333 = arith.addf %add3A_1321, %mul3A_1332 : vector<16xf32>
        %get3A_1334 = arith.index_cast %add3A_967 : i32 to index
        %get3A_1335 = arith.constant 480 : index
        %get3A_1336 = tpu.vector_load %arg7[%get3A_1334, %get3A_1335] {strides = array<i32>} : memref<32x768xf32, #tpu.memory_space<vmem>>, vector<16xf32>,
        %get3A_1337 = arith.index_cast %add3A_967 : i32 to index
        %get3A_1338 = arith.constant 480 : index
        %get3A_1339 = tpu.vector_load %arg8[%get3A_1337, %get3A_1338] {strides = array<i32>} : memref<32x768xf32, #tpu.memory_space<vmem>>, vector<16xf32>,
        %mul3A_1340 = arith.mulf %get3A_1336, %get3A_1339 : vector<16xf32>
        %add3A_1341 = arith.addf %add3A_1329, %mul3A_1340 : vector<16xf32>
        %mul3A_1342 = arith.mulf %get3A_1336, %get3A_1336 : vector<16xf32>
        %add3A_1343 = arith.addf %add3A_1331, %mul3A_1342 : vector<16xf32>
        %mul3A_1344 = arith.mulf %get3A_1339, %get3A_1339 : vector<16xf32>
        %add3A_1345 = arith.addf %add3A_1333, %mul3A_1344 : vector<16xf32>
        %get3A_1346 = arith.index_cast %add3A_967 : i32 to index
        %get3A_1347 = arith.constant 496 : index
        %get3A_1348 = tpu.vector_load %arg7[%get3A_1346, %get3A_1347] {strides = array<i32>} : memref<32x768xf32, #tpu.memory_space<vmem>>, vector<16xf32>,
        %get3A_1349 = arith.index_cast %add3A_967 : i32 to index
        %get3A_1350 = arith.constant 496 : index
        %get3A_1351 = tpu.vector_load %arg8[%get3A_1349, %get3A_1350] {strides = array<i32>} : memref<32x768xf32, #tpu.memory_space<vmem>>, vector<16xf32>,
        %mul3A_1352 = arith.mulf %get3A_1348, %get3A_1351 : vector<16xf32>
        %add3A_1353 = arith.addf %add3A_1341, %mul3A_1352 : vector<16xf32>
        %mul3A_1354 = arith.mulf %get3A_1348, %get3A_1348 : vector<16xf32>
        %add3A_1355 = arith.addf %add3A_1343, %mul3A_1354 : vector<16xf32>
        %mul3A_1356 = arith.mulf %get3A_1351, %get3A_1351 : vector<16xf32>
        %add3A_1357 = arith.addf %add3A_1345, %mul3A_1356 : vector<16xf32>
        %get3A_1358 = arith.index_cast %add3A_967 : i32 to index
        %get3A_1359 = arith.constant 512 : index
        %get3A_1360 = tpu.vector_load %arg7[%get3A_1358, %get3A_1359] {strides = array<i32>} : memref<32x768xf32, #tpu.memory_space<vmem>>, vector<16xf32>,
        %get3A_1361 = arith.index_cast %add3A_967 : i32 to index
        %get3A_1362 = arith.constant 512 : index
        %get3A_1363 = tpu.vector_load %arg8[%get3A_1361, %get3A_1362] {strides = array<i32>} : memref<32x768xf32, #tpu.memory_space<vmem>>, vector<16xf32>,
        %mul3A_1364 = arith.mulf %get3A_1360, %get3A_1363 : vector<16xf32>
        %add3A_1365 = arith.addf %add3A_1353, %mul3A_1364 : vector<16xf32>
        %mul3A_1366 = arith.mulf %get3A_1360, %get3A_1360 : vector<16xf32>
        %add3A_1367 = arith.addf %add3A_1355, %mul3A_1366 : vector<16xf32>
        %mul3A_1368 = arith.mulf %get3A_1363, %get3A_1363 : vector<16xf32>
        %add3A_1369 = arith.addf %add3A_1357, %mul3A_1368 : vector<16xf32>
        %get3A_1370 = arith.index_cast %add3A_967 : i32 to index
        %get3A_1371 = arith.constant 528 : index
        %get3A_1372 = tpu.vector_load %arg7[%get3A_1370, %get3A_1371] {strides = array<i32>} : memref<32x768xf32, #tpu.memory_space<vmem>>, vector<16xf32>,
        %get3A_1373 = arith.index_cast %add3A_967 : i32 to index
        %get3A_1374 = arith.constant 528 : index
        %get3A_1375 = tpu.vector_load %arg8[%get3A_1373, %get3A_1374] {strides = array<i32>} : memref<32x768xf32, #tpu.memory_space<vmem>>, vector<16xf32>,
        %mul3A_1376 = arith.mulf %get3A_1372, %get3A_1375 : vector<16xf32>
        %add3A_1377 = arith.addf %add3A_1365, %mul3A_1376 : vector<16xf32>
        %mul3A_1378 = arith.mulf %get3A_1372, %get3A_1372 : vector<16xf32>
        %add3A_1379 = arith.addf %add3A_1367, %mul3A_1378 : vector<16xf32>
        %mul3A_1380 = arith.mulf %get3A_1375, %get3A_1375 : vector<16xf32>
        %add3A_1381 = arith.addf %add3A_1369, %mul3A_1380 : vector<16xf32>
        %get3A_1382 = arith.index_cast %add3A_967 : i32 to index
        %get3A_1383 = arith.constant 544 : index
        %get3A_1384 = tpu.vector_load %arg7[%get3A_1382, %get3A_1383] {strides = array<i32>} : memref<32x768xf32, #tpu.memory_space<vmem>>, vector<16xf32>,
        %get3A_1385 = arith.index_cast %add3A_967 : i32 to index
        %get3A_1386 = arith.constant 544 : index
        %get3A_1387 = tpu.vector_load %arg8[%get3A_1385, %get3A_1386] {strides = array<i32>} : memref<32x768xf32, #tpu.memory_space<vmem>>, vector<16xf32>,
        %mul3A_1388 = arith.mulf %get3A_1384, %get3A_1387 : vector<16xf32>
        %add3A_1389 = arith.addf %add3A_1377, %mul3A_1388 : vector<16xf32>
        %mul3A_1390 = arith.mulf %get3A_1384, %get3A_1384 : vector<16xf32>
        %add3A_1391 = arith.addf %add3A_1379, %mul3A_1390 : vector<16xf32>
        %mul3A_1392 = arith.mulf %get3A_1387, %get3A_1387 : vector<16xf32>
        %add3A_1393 = arith.addf %add3A_1381, %mul3A_1392 : vector<16xf32>
        %get3A_1394 = arith.index_cast %add3A_967 : i32 to index
        %get3A_1395 = arith.constant 560 : index
        %get3A_1396 = tpu.vector_load %arg7[%get3A_1394, %get3A_1395] {strides = array<i32>} : memref<32x768xf32, #tpu.memory_space<vmem>>, vector<16xf32>,
        %get3A_1397 = arith.index_cast %add3A_967 : i32 to index
        %get3A_1398 = arith.constant 560 : index
        %get3A_1399 = tpu.vector_load %arg8[%get3A_1397, %get3A_1398] {strides = array<i32>} : memref<32x768xf32, #tpu.memory_space<vmem>>, vector<16xf32>,
        %mul3A_1400 = arith.mulf %get3A_1396, %get3A_1399 : vector<16xf32>
        %add3A_1401 = arith.addf %add3A_1389, %mul3A_1400 : vector<16xf32>
        %mul3A_1402 = arith.mulf %get3A_1396, %get3A_1396 : vector<16xf32>
        %add3A_1403 = arith.addf %add3A_1391, %mul3A_1402 : vector<16xf32>
        %mul3A_1404 = arith.mulf %get3A_1399, %get3A_1399 : vector<16xf32>
        %add3A_1405 = arith.addf %add3A_1393, %mul3A_1404 : vector<16xf32>
        %get3A_1406 = arith.index_cast %add3A_967 : i32 to index
        %get3A_1407 = arith.constant 576 : index
        %get3A_1408 = tpu.vector_load %arg7[%get3A_1406, %get3A_1407] {strides = array<i32>} : memref<32x768xf32, #tpu.memory_space<vmem>>, vector<16xf32>,
        %get3A_1409 = arith.index_cast %add3A_967 : i32 to index
        %get3A_1410 = arith.constant 576 : index
        %get3A_1411 = tpu.vector_load %arg8[%get3A_1409, %get3A_1410] {strides = array<i32>} : memref<32x768xf32, #tpu.memory_space<vmem>>, vector<16xf32>,
        %mul3A_1412 = arith.mulf %get3A_1408, %get3A_1411 : vector<16xf32>
        %add3A_1413 = arith.addf %add3A_1401, %mul3A_1412 : vector<16xf32>
        %mul3A_1414 = arith.mulf %get3A_1408, %get3A_1408 : vector<16xf32>
        %add3A_1415 = arith.addf %add3A_1403, %mul3A_1414 : vector<16xf32>
        %mul3A_1416 = arith.mulf %get3A_1411, %get3A_1411 : vector<16xf32>
        %add3A_1417 = arith.addf %add3A_1405, %mul3A_1416 : vector<16xf32>
        %get3A_1418 = arith.index_cast %add3A_967 : i32 to index
        %get3A_1419 = arith.constant 592 : index
        %get3A_1420 = tpu.vector_load %arg7[%get3A_1418, %get3A_1419] {strides = array<i32>} : memref<32x768xf32, #tpu.memory_space<vmem>>, vector<16xf32>,
        %get3A_1421 = arith.index_cast %add3A_967 : i32 to index
        %get3A_1422 = arith.constant 592 : index
        %get3A_1423 = tpu.vector_load %arg8[%get3A_1421, %get3A_1422] {strides = array<i32>} : memref<32x768xf32, #tpu.memory_space<vmem>>, vector<16xf32>,
        %mul3A_1424 = arith.mulf %get3A_1420, %get3A_1423 : vector<16xf32>
        %add3A_1425 = arith.addf %add3A_1413, %mul3A_1424 : vector<16xf32>
        %mul3A_1426 = arith.mulf %get3A_1420, %get3A_1420 : vector<16xf32>
        %add3A_1427 = arith.addf %add3A_1415, %mul3A_1426 : vector<16xf32>
        %mul3A_1428 = arith.mulf %get3A_1423, %get3A_1423 : vector<16xf32>
        %add3A_1429 = arith.addf %add3A_1417, %mul3A_1428 : vector<16xf32>
        %get3A_1430 = arith.index_cast %add3A_967 : i32 to index
        %get3A_1431 = arith.constant 608 : index
        %get3A_1432 = tpu.vector_load %arg7[%get3A_1430, %get3A_1431] {strides = array<i32>} : memref<32x768xf32, #tpu.memory_space<vmem>>, vector<16xf32>,
        %get3A_1433 = arith.index_cast %add3A_967 : i32 to index
        %get3A_1434 = arith.constant 608 : index
        %get3A_1435 = tpu.vector_load %arg8[%get3A_1433, %get3A_1434] {strides = array<i32>} : memref<32x768xf32, #tpu.memory_space<vmem>>, vector<16xf32>,
        %mul3A_1436 = arith.mulf %get3A_1432, %get3A_1435 : vector<16xf32>
        %add3A_1437 = arith.addf %add3A_1425, %mul3A_1436 : vector<16xf32>
        %mul3A_1438 = arith.mulf %get3A_1432, %get3A_1432 : vector<16xf32>
        %add3A_1439 = arith.addf %add3A_1427, %mul3A_1438 : vector<16xf32>
        %mul3A_1440 = arith.mulf %get3A_1435, %get3A_1435 : vector<16xf32>
        %add3A_1441 = arith.addf %add3A_1429, %mul3A_1440 : vector<16xf32>
        %get3A_1442 = arith.index_cast %add3A_967 : i32 to index
        %get3A_1443 = arith.constant 624 : index
        %get3A_1444 = tpu.vector_load %arg7[%get3A_1442, %get3A_1443] {strides = array<i32>} : memref<32x768xf32, #tpu.memory_space<vmem>>, vector<16xf32>,
        %get3A_1445 = arith.index_cast %add3A_967 : i32 to index
        %get3A_1446 = arith.constant 624 : index
        %get3A_1447 = tpu.vector_load %arg8[%get3A_1445, %get3A_1446] {strides = array<i32>} : memref<32x768xf32, #tpu.memory_space<vmem>>, vector<16xf32>,
        %mul3A_1448 = arith.mulf %get3A_1444, %get3A_1447 : vector<16xf32>
        %add3A_1449 = arith.addf %add3A_1437, %mul3A_1448 : vector<16xf32>
        %mul3A_1450 = arith.mulf %get3A_1444, %get3A_1444 : vector<16xf32>
        %add3A_1451 = arith.addf %add3A_1439, %mul3A_1450 : vector<16xf32>
        %mul3A_1452 = arith.mulf %get3A_1447, %get3A_1447 : vector<16xf32>
        %add3A_1453 = arith.addf %add3A_1441, %mul3A_1452 : vector<16xf32>
        %get3A_1454 = arith.index_cast %add3A_967 : i32 to index
        %get3A_1455 = arith.constant 640 : index
        %get3A_1456 = tpu.vector_load %arg7[%get3A_1454, %get3A_1455] {strides = array<i32>} : memref<32x768xf32, #tpu.memory_space<vmem>>, vector<16xf32>,
        %get3A_1457 = arith.index_cast %add3A_967 : i32 to index
        %get3A_1458 = arith.constant 640 : index
        %get3A_1459 = tpu.vector_load %arg8[%get3A_1457, %get3A_1458] {strides = array<i32>} : memref<32x768xf32, #tpu.memory_space<vmem>>, vector<16xf32>,
        %mul3A_1460 = arith.mulf %get3A_1456, %get3A_1459 : vector<16xf32>
        %add3A_1461 = arith.addf %add3A_1449, %mul3A_1460 : vector<16xf32>
        %mul3A_1462 = arith.mulf %get3A_1456, %get3A_1456 : vector<16xf32>
        %add3A_1463 = arith.addf %add3A_1451, %mul3A_1462 : vector<16xf32>
        %mul3A_1464 = arith.mulf %get3A_1459, %get3A_1459 : vector<16xf32>
        %add3A_1465 = arith.addf %add3A_1453, %mul3A_1464 : vector<16xf32>
        %get3A_1466 = arith.index_cast %add3A_967 : i32 to index
        %get3A_1467 = arith.constant 656 : index
        %get3A_1468 = tpu.vector_load %arg7[%get3A_1466, %get3A_1467] {strides = array<i32>} : memref<32x768xf32, #tpu.memory_space<vmem>>, vector<16xf32>,
        %get3A_1469 = arith.index_cast %add3A_967 : i32 to index
        %get3A_1470 = arith.constant 656 : index
        %get3A_1471 = tpu.vector_load %arg8[%get3A_1469, %get3A_1470] {strides = array<i32>} : memref<32x768xf32, #tpu.memory_space<vmem>>, vector<16xf32>,
        %mul3A_1472 = arith.mulf %get3A_1468, %get3A_1471 : vector<16xf32>
        %add3A_1473 = arith.addf %add3A_1461, %mul3A_1472 : vector<16xf32>
        %mul3A_1474 = arith.mulf %get3A_1468, %get3A_1468 : vector<16xf32>
        %add3A_1475 = arith.addf %add3A_1463, %mul3A_1474 : vector<16xf32>
        %mul3A_1476 = arith.mulf %get3A_1471, %get3A_1471 : vector<16xf32>
        %add3A_1477 = arith.addf %add3A_1465, %mul3A_1476 : vector<16xf32>
        %get3A_1478 = arith.index_cast %add3A_967 : i32 to index
        %get3A_1479 = arith.constant 672 : index
        %get3A_1480 = tpu.vector_load %arg7[%get3A_1478, %get3A_1479] {strides = array<i32>} : memref<32x768xf32, #tpu.memory_space<vmem>>, vector<16xf32>,
        %get3A_1481 = arith.index_cast %add3A_967 : i32 to index
        %get3A_1482 = arith.constant 672 : index
        %get3A_1483 = tpu.vector_load %arg8[%get3A_1481, %get3A_1482] {strides = array<i32>} : memref<32x768xf32, #tpu.memory_space<vmem>>, vector<16xf32>,
        %mul3A_1484 = arith.mulf %get3A_1480, %get3A_1483 : vector<16xf32>
        %add3A_1485 = arith.addf %add3A_1473, %mul3A_1484 : vector<16xf32>
        %mul3A_1486 = arith.mulf %get3A_1480, %get3A_1480 : vector<16xf32>
        %add3A_1487 = arith.addf %add3A_1475, %mul3A_1486 : vector<16xf32>
        %mul3A_1488 = arith.mulf %get3A_1483, %get3A_1483 : vector<16xf32>
        %add3A_1489 = arith.addf %add3A_1477, %mul3A_1488 : vector<16xf32>
        %get3A_1490 = arith.index_cast %add3A_967 : i32 to index
        %get3A_1491 = arith.constant 688 : index
        %get3A_1492 = tpu.vector_load %arg7[%get3A_1490, %get3A_1491] {strides = array<i32>} : memref<32x768xf32, #tpu.memory_space<vmem>>, vector<16xf32>,
        %get3A_1493 = arith.index_cast %add3A_967 : i32 to index
        %get3A_1494 = arith.constant 688 : index
        %get3A_1495 = tpu.vector_load %arg8[%get3A_1493, %get3A_1494] {strides = array<i32>} : memref<32x768xf32, #tpu.memory_space<vmem>>, vector<16xf32>,
        %mul3A_1496 = arith.mulf %get3A_1492, %get3A_1495 : vector<16xf32>
        %add3A_1497 = arith.addf %add3A_1485, %mul3A_1496 : vector<16xf32>
        %mul3A_1498 = arith.mulf %get3A_1492, %get3A_1492 : vector<16xf32>
        %add3A_1499 = arith.addf %add3A_1487, %mul3A_1498 : vector<16xf32>
        %mul3A_1500 = arith.mulf %get3A_1495, %get3A_1495 : vector<16xf32>
        %add3A_1501 = arith.addf %add3A_1489, %mul3A_1500 : vector<16xf32>
        %get3A_1502 = arith.index_cast %add3A_967 : i32 to index
        %get3A_1503 = arith.constant 704 : index
        %get3A_1504 = tpu.vector_load %arg7[%get3A_1502, %get3A_1503] {strides = array<i32>} : memref<32x768xf32, #tpu.memory_space<vmem>>, vector<16xf32>,
        %get3A_1505 = arith.index_cast %add3A_967 : i32 to index
        %get3A_1506 = arith.constant 704 : index
        %get3A_1507 = tpu.vector_load %arg8[%get3A_1505, %get3A_1506] {strides = array<i32>} : memref<32x768xf32, #tpu.memory_space<vmem>>, vector<16xf32>,
        %mul3A_1508 = arith.mulf %get3A_1504, %get3A_1507 : vector<16xf32>
        %add3A_1509 = arith.addf %add3A_1497, %mul3A_1508 : vector<16xf32>
        %mul3A_1510 = arith.mulf %get3A_1504, %get3A_1504 : vector<16xf32>
        %add3A_1511 = arith.addf %add3A_1499, %mul3A_1510 : vector<16xf32>
        %mul3A_1512 = arith.mulf %get3A_1507, %get3A_1507 : vector<16xf32>
        %add3A_1513 = arith.addf %add3A_1501, %mul3A_1512 : vector<16xf32>
        %get3A_1514 = arith.index_cast %add3A_967 : i32 to index
        %get3A_1515 = arith.constant 720 : index
        %get3A_1516 = tpu.vector_load %arg7[%get3A_1514, %get3A_1515] {strides = array<i32>} : memref<32x768xf32, #tpu.memory_space<vmem>>, vector<16xf32>,
        %get3A_1517 = arith.index_cast %add3A_967 : i32 to index
        %get3A_1518 = arith.constant 720 : index
        %get3A_1519 = tpu.vector_load %arg8[%get3A_1517, %get3A_1518] {strides = array<i32>} : memref<32x768xf32, #tpu.memory_space<vmem>>, vector<16xf32>,
        %mul3A_1520 = arith.mulf %get3A_1516, %get3A_1519 : vector<16xf32>
        %add3A_1521 = arith.addf %add3A_1509, %mul3A_1520 : vector<16xf32>
        %mul3A_1522 = arith.mulf %get3A_1516, %get3A_1516 : vector<16xf32>
        %add3A_1523 = arith.addf %add3A_1511, %mul3A_1522 : vector<16xf32>
        %mul3A_1524 = arith.mulf %get3A_1519, %get3A_1519 : vector<16xf32>
        %add3A_1525 = arith.addf %add3A_1513, %mul3A_1524 : vector<16xf32>
        %get3A_1526 = arith.index_cast %add3A_967 : i32 to index
        %get3A_1527 = arith.constant 736 : index
        %get3A_1528 = tpu.vector_load %arg7[%get3A_1526, %get3A_1527] {strides = array<i32>} : memref<32x768xf32, #tpu.memory_space<vmem>>, vector<16xf32>,
        %get3A_1529 = arith.index_cast %add3A_967 : i32 to index
        %get3A_1530 = arith.constant 736 : index
        %get3A_1531 = tpu.vector_load %arg8[%get3A_1529, %get3A_1530] {strides = array<i32>} : memref<32x768xf32, #tpu.memory_space<vmem>>, vector<16xf32>,
        %mul3A_1532 = arith.mulf %get3A_1528, %get3A_1531 : vector<16xf32>
        %add3A_1533 = arith.addf %add3A_1521, %mul3A_1532 : vector<16xf32>
        %mul3A_1534 = arith.mulf %get3A_1528, %get3A_1528 : vector<16xf32>
        %add3A_1535 = arith.addf %add3A_1523, %mul3A_1534 : vector<16xf32>
        %mul3A_1536 = arith.mulf %get3A_1531, %get3A_1531 : vector<16xf32>
        %add3A_1537 = arith.addf %add3A_1525, %mul3A_1536 : vector<16xf32>
        %get3A_1538 = arith.index_cast %add3A_967 : i32 to index
        %get3A_1539 = arith.constant 752 : index
        %get3A_1540 = tpu.vector_load %arg7[%get3A_1538, %get3A_1539] {strides = array<i32>} : memref<32x768xf32, #tpu.memory_space<vmem>>, vector<16xf32>,
        %get3A_1541 = arith.index_cast %add3A_967 : i32 to index
        %get3A_1542 = arith.constant 752 : index
        %get3A_1543 = tpu.vector_load %arg8[%get3A_1541, %get3A_1542] {strides = array<i32>} : memref<32x768xf32, #tpu.memory_space<vmem>>, vector<16xf32>,
        %mul3A_1544 = arith.mulf %get3A_1540, %get3A_1543 : vector<16xf32>
        %add3A_1545 = arith.addf %add3A_1533, %mul3A_1544 : vector<16xf32>
        %mul3A_1546 = arith.mulf %get3A_1540, %get3A_1540 : vector<16xf32>
        %add3A_1547 = arith.addf %add3A_1535, %mul3A_1546 : vector<16xf32>
        %mul3A_1548 = arith.mulf %get3A_1543, %get3A_1543 : vector<16xf32>
        %add3A_1549 = arith.addf %add3A_1537, %mul3A_1548 : vector<16xf32>
        %mul3A_1550 = arith.constant 17 : i32
        %mul3A_1551 = vector.broadcast %mul3A_1550 : i32 to vector<16xi32>
        %mul3A_1552 = arith.muli %mul3A_1551, %iota3A : vector<16xi32>
        %add3A_1553 = vector.broadcast %scan3A_965 : i32 to vector<16xi32>
        %add3A_1554 = arith.addi %mul3A_1552, %add3A_1553 : vector<16xi32>
        tpu.vector_store_idx %arg10[%add3A_1554], %add3A_1545 : memref<272xf32, #tpu.memory_space<vmem>>[vector<16xi32>], vector<16xf32>,
        tpu.vector_store_idx %arg11[%add3A_1554], %add3A_1547 : memref<272xf32, #tpu.memory_space<vmem>>[vector<16xi32>], vector<16xf32>,
        tpu.vector_store_idx %arg12[%add3A_1554], %add3A_1549 : memref<272xf32, #tpu.memory_space<vmem>>[vector<16xi32>], vector<16xf32>,
      }
      %scan3A_30 = arith.constant 16 : i32
      %broadcast_in_dim3A = arith.constant 0.000000e+00 : f32
      %broadcast_in_dim3A_31 = vector.broadcast %broadcast_in_dim3A : f32 to vector<16xf32>
      %broadcast_in_dim3A_32 = arith.constant 0.000000e+00 : f32
      %broadcast_in_dim3A_33 = vector.broadcast %broadcast_in_dim3A_32 : f32 to vector<16xf32>
      %broadcast_in_dim3A_34 = arith.constant 0.000000e+00 : f32
      %broadcast_in_dim3A_35 = vector.broadcast %broadcast_in_dim3A_34 : f32 to vector<16xf32>
      %add3A_36 = arith.constant 0 : i32
      %add3A_37 = vector.broadcast %add3A_36 : i32 to vector<16xi32>
      %add3A_38 = arith.addi %iota3A, %add3A_37 : vector<16xi32>
      %gather3A = tpu.vector_load_idx %arg10[%add3A_38] : memref<272xf32, #tpu.memory_space<vmem>>[vector<16xi32>], vector<16xf32>,
      %add3A_39 = arith.addf %broadcast_in_dim3A_31, %gather3A : vector<16xf32>
      %gather3A_40 = tpu.vector_load_idx %arg11[%add3A_38] : memref<272xf32, #tpu.memory_space<vmem>>[vector<16xi32>], vector<16xf32>,
      %add3A_41 = arith.addf %broadcast_in_dim3A_33, %gather3A_40 : vector<16xf32>
      %gather3A_42 = tpu.vector_load_idx %arg12[%add3A_38] : memref<272xf32, #tpu.memory_space<vmem>>[vector<16xi32>], vector<16xf32>,
      %add3A_43 = arith.addf %broadcast_in_dim3A_35, %gather3A_42 : vector<16xf32>
      %add3A_44 = arith.constant 17 : i32
      %add3A_45 = vector.broadcast %add3A_44 : i32 to vector<16xi32>
      %add3A_46 = arith.addi %iota3A, %add3A_45 : vector<16xi32>
      %gather3A_47 = tpu.vector_load_idx %arg10[%add3A_46] : memref<272xf32, #tpu.memory_space<vmem>>[vector<16xi32>], vector<16xf32>,
      %add3A_48 = arith.addf %add3A_39, %gather3A_47 : vector<16xf32>
      %gather3A_49 = tpu.vector_load_idx %arg11[%add3A_46] : memref<272xf32, #tpu.memory_space<vmem>>[vector<16xi32>], vector<16xf32>,
      %add3A_50 = arith.addf %add3A_41, %gather3A_49 : vector<16xf32>
      %gather3A_51 = tpu.vector_load_idx %arg12[%add3A_46] : memref<272xf32, #tpu.memory_space<vmem>>[vector<16xi32>], vector<16xf32>,
      %add3A_52 = arith.addf %add3A_43, %gather3A_51 : vector<16xf32>
      %add3A_53 = arith.constant 34 : i32
      %add3A_54 = vector.broadcast %add3A_53 : i32 to vector<16xi32>
      %add3A_55 = arith.addi %iota3A, %add3A_54 : vector<16xi32>
      %gather3A_56 = tpu.vector_load_idx %arg10[%add3A_55] : memref<272xf32, #tpu.memory_space<vmem>>[vector<16xi32>], vector<16xf32>,
      %add3A_57 = arith.addf %add3A_48, %gather3A_56 : vector<16xf32>
      %gather3A_58 = tpu.vector_load_idx %arg11[%add3A_55] : memref<272xf32, #tpu.memory_space<vmem>>[vector<16xi32>], vector<16xf32>,
      %add3A_59 = arith.addf %add3A_50, %gather3A_58 : vector<16xf32>
      %gather3A_60 = tpu.vector_load_idx %arg12[%add3A_55] : memref<272xf32, #tpu.memory_space<vmem>>[vector<16xi32>], vector<16xf32>,
      %add3A_61 = arith.addf %add3A_52, %gather3A_60 : vector<16xf32>
      %add3A_62 = arith.constant 51 : i32
      %add3A_63 = vector.broadcast %add3A_62 : i32 to vector<16xi32>
      %add3A_64 = arith.addi %iota3A, %add3A_63 : vector<16xi32>
      %gather3A_65 = tpu.vector_load_idx %arg10[%add3A_64] : memref<272xf32, #tpu.memory_space<vmem>>[vector<16xi32>], vector<16xf32>,
      %add3A_66 = arith.addf %add3A_57, %gather3A_65 : vector<16xf32>
      %gather3A_67 = tpu.vector_load_idx %arg11[%add3A_64] : memref<272xf32, #tpu.memory_space<vmem>>[vector<16xi32>], vector<16xf32>,
      %add3A_68 = arith.addf %add3A_59, %gather3A_67 : vector<16xf32>
      %gather3A_69 = tpu.vector_load_idx %arg12[%add3A_64] : memref<272xf32, #tpu.memory_space<vmem>>[vector<16xi32>], vector<16xf32>,
      %add3A_70 = arith.addf %add3A_61, %gather3A_69 : vector<16xf32>
      %add3A_71 = arith.constant 68 : i32
      %add3A_72 = vector.broadcast %add3A_71 : i32 to vector<16xi32>
      %add3A_73 = arith.addi %iota3A, %add3A_72 : vector<16xi32>
      %gather3A_74 = tpu.vector_load_idx %arg10[%add3A_73] : memref<272xf32, #tpu.memory_space<vmem>>[vector<16xi32>], vector<16xf32>,
      %add3A_75 = arith.addf %add3A_66, %gather3A_74 : vector<16xf32>
      %gather3A_76 = tpu.vector_load_idx %arg11[%add3A_73] : memref<272xf32, #tpu.memory_space<vmem>>[vector<16xi32>], vector<16xf32>,
      %add3A_77 = arith.addf %add3A_68, %gather3A_76 : vector<16xf32>
      %gather3A_78 = tpu.vector_load_idx %arg12[%add3A_73] : memref<272xf32, #tpu.memory_space<vmem>>[vector<16xi32>], vector<16xf32>,
      %add3A_79 = arith.addf %add3A_70, %gather3A_78 : vector<16xf32>
      %add3A_80 = arith.constant 85 : i32
      %add3A_81 = vector.broadcast %add3A_80 : i32 to vector<16xi32>
      %add3A_82 = arith.addi %iota3A, %add3A_81 : vector<16xi32>
      %gather3A_83 = tpu.vector_load_idx %arg10[%add3A_82] : memref<272xf32, #tpu.memory_space<vmem>>[vector<16xi32>], vector<16xf32>,
      %add3A_84 = arith.addf %add3A_75, %gather3A_83 : vector<16xf32>
      %gather3A_85 = tpu.vector_load_idx %arg11[%add3A_82] : memref<272xf32, #tpu.memory_space<vmem>>[vector<16xi32>], vector<16xf32>,
      %add3A_86 = arith.addf %add3A_77, %gather3A_85 : vector<16xf32>
      %gather3A_87 = tpu.vector_load_idx %arg12[%add3A_82] : memref<272xf32, #tpu.memory_space<vmem>>[vector<16xi32>], vector<16xf32>,
      %add3A_88 = arith.addf %add3A_79, %gather3A_87 : vector<16xf32>
      %add3A_89 = arith.constant 102 : i32
      %add3A_90 = vector.broadcast %add3A_89 : i32 to vector<16xi32>
      %add3A_91 = arith.addi %iota3A, %add3A_90 : vector<16xi32>
      %gather3A_92 = tpu.vector_load_idx %arg10[%add3A_91] : memref<272xf32, #tpu.memory_space<vmem>>[vector<16xi32>], vector<16xf32>,
      %add3A_93 = arith.addf %add3A_84, %gather3A_92 : vector<16xf32>
      %gather3A_94 = tpu.vector_load_idx %arg11[%add3A_91] : memref<272xf32, #tpu.memory_space<vmem>>[vector<16xi32>], vector<16xf32>,
      %add3A_95 = arith.addf %add3A_86, %gather3A_94 : vector<16xf32>
      %gather3A_96 = tpu.vector_load_idx %arg12[%add3A_91] : memref<272xf32, #tpu.memory_space<vmem>>[vector<16xi32>], vector<16xf32>,
      %add3A_97 = arith.addf %add3A_88, %gather3A_96 : vector<16xf32>
      %add3A_98 = arith.constant 119 : i32
      %add3A_99 = vector.broadcast %add3A_98 : i32 to vector<16xi32>
      %add3A_100 = arith.addi %iota3A, %add3A_99 : vector<16xi32>
      %gather3A_101 = tpu.vector_load_idx %arg10[%add3A_100] : memref<272xf32, #tpu.memory_space<vmem>>[vector<16xi32>], vector<16xf32>,
      %add3A_102 = arith.addf %add3A_93, %gather3A_101 : vector<16xf32>
      %gather3A_103 = tpu.vector_load_idx %arg11[%add3A_100] : memref<272xf32, #tpu.memory_space<vmem>>[vector<16xi32>], vector<16xf32>,
      %add3A_104 = arith.addf %add3A_95, %gather3A_103 : vector<16xf32>
      %gather3A_105 = tpu.vector_load_idx %arg12[%add3A_100] : memref<272xf32, #tpu.memory_space<vmem>>[vector<16xi32>], vector<16xf32>,
      %add3A_106 = arith.addf %add3A_97, %gather3A_105 : vector<16xf32>
      %add3A_107 = arith.constant 136 : i32
      %add3A_108 = vector.broadcast %add3A_107 : i32 to vector<16xi32>
      %add3A_109 = arith.addi %iota3A, %add3A_108 : vector<16xi32>
      %gather3A_110 = tpu.vector_load_idx %arg10[%add3A_109] : memref<272xf32, #tpu.memory_space<vmem>>[vector<16xi32>], vector<16xf32>,
      %add3A_111 = arith.addf %add3A_102, %gather3A_110 : vector<16xf32>
      %gather3A_112 = tpu.vector_load_idx %arg11[%add3A_109] : memref<272xf32, #tpu.memory_space<vmem>>[vector<16xi32>], vector<16xf32>,
      %add3A_113 = arith.addf %add3A_104, %gather3A_112 : vector<16xf32>
      %gather3A_114 = tpu.vector_load_idx %arg12[%add3A_109] : memref<272xf32, #tpu.memory_space<vmem>>[vector<16xi32>], vector<16xf32>,
      %add3A_115 = arith.addf %add3A_106, %gather3A_114 : vector<16xf32>
      %add3A_116 = arith.constant 153 : i32
      %add3A_117 = vector.broadcast %add3A_116 : i32 to vector<16xi32>
      %add3A_118 = arith.addi %iota3A, %add3A_117 : vector<16xi32>
      %gather3A_119 = tpu.vector_load_idx %arg10[%add3A_118] : memref<272xf32, #tpu.memory_space<vmem>>[vector<16xi32>], vector<16xf32>,
      %add3A_120 = arith.addf %add3A_111, %gather3A_119 : vector<16xf32>
      %gather3A_121 = tpu.vector_load_idx %arg11[%add3A_118] : memref<272xf32, #tpu.memory_space<vmem>>[vector<16xi32>], vector<16xf32>,
      %add3A_122 = arith.addf %add3A_113, %gather3A_121 : vector<16xf32>
      %gather3A_123 = tpu.vector_load_idx %arg12[%add3A_118] : memref<272xf32, #tpu.memory_space<vmem>>[vector<16xi32>], vector<16xf32>,
      %add3A_124 = arith.addf %add3A_115, %gather3A_123 : vector<16xf32>
      %add3A_125 = arith.constant 170 : i32
      %add3A_126 = vector.broadcast %add3A_125 : i32 to vector<16xi32>
      %add3A_127 = arith.addi %iota3A, %add3A_126 : vector<16xi32>
      %gather3A_128 = tpu.vector_load_idx %arg10[%add3A_127] : memref<272xf32, #tpu.memory_space<vmem>>[vector<16xi32>], vector<16xf32>,
      %add3A_129 = arith.addf %add3A_120, %gather3A_128 : vector<16xf32>
      %gather3A_130 = tpu.vector_load_idx %arg11[%add3A_127] : memref<272xf32, #tpu.memory_space<vmem>>[vector<16xi32>], vector<16xf32>,
      %add3A_131 = arith.addf %add3A_122, %gather3A_130 : vector<16xf32>
      %gather3A_132 = tpu.vector_load_idx %arg12[%add3A_127] : memref<272xf32, #tpu.memory_space<vmem>>[vector<16xi32>], vector<16xf32>,
      %add3A_133 = arith.addf %add3A_124, %gather3A_132 : vector<16xf32>
      %add3A_134 = arith.constant 187 : i32
      %add3A_135 = vector.broadcast %add3A_134 : i32 to vector<16xi32>
      %add3A_136 = arith.addi %iota3A, %add3A_135 : vector<16xi32>
      %gather3A_137 = tpu.vector_load_idx %arg10[%add3A_136] : memref<272xf32, #tpu.memory_space<vmem>>[vector<16xi32>], vector<16xf32>,
      %add3A_138 = arith.addf %add3A_129, %gather3A_137 : vector<16xf32>
      %gather3A_139 = tpu.vector_load_idx %arg11[%add3A_136] : memref<272xf32, #tpu.memory_space<vmem>>[vector<16xi32>], vector<16xf32>,
      %add3A_140 = arith.addf %add3A_131, %gather3A_139 : vector<16xf32>
      %gather3A_141 = tpu.vector_load_idx %arg12[%add3A_136] : memref<272xf32, #tpu.memory_space<vmem>>[vector<16xi32>], vector<16xf32>,
      %add3A_142 = arith.addf %add3A_133, %gather3A_141 : vector<16xf32>
      %add3A_143 = arith.constant 204 : i32
      %add3A_144 = vector.broadcast %add3A_143 : i32 to vector<16xi32>
      %add3A_145 = arith.addi %iota3A, %add3A_144 : vector<16xi32>
      %gather3A_146 = tpu.vector_load_idx %arg10[%add3A_145] : memref<272xf32, #tpu.memory_space<vmem>>[vector<16xi32>], vector<16xf32>,
      %add3A_147 = arith.addf %add3A_138, %gather3A_146 : vector<16xf32>
      %gather3A_148 = tpu.vector_load_idx %arg11[%add3A_145] : memref<272xf32, #tpu.memory_space<vmem>>[vector<16xi32>], vector<16xf32>,
      %add3A_149 = arith.addf %add3A_140, %gather3A_148 : vector<16xf32>
      %gather3A_150 = tpu.vector_load_idx %arg12[%add3A_145] : memref<272xf32, #tpu.memory_space<vmem>>[vector<16xi32>], vector<16xf32>,
      %add3A_151 = arith.addf %add3A_142, %gather3A_150 : vector<16xf32>
      %add3A_152 = arith.constant 221 : i32
      %add3A_153 = vector.broadcast %add3A_152 : i32 to vector<16xi32>
      %add3A_154 = arith.addi %iota3A, %add3A_153 : vector<16xi32>
      %gather3A_155 = tpu.vector_load_idx %arg10[%add3A_154] : memref<272xf32, #tpu.memory_space<vmem>>[vector<16xi32>], vector<16xf32>,
      %add3A_156 = arith.addf %add3A_147, %gather3A_155 : vector<16xf32>
      %gather3A_157 = tpu.vector_load_idx %arg11[%add3A_154] : memref<272xf32, #tpu.memory_space<vmem>>[vector<16xi32>], vector<16xf32>,
      %add3A_158 = arith.addf %add3A_149, %gather3A_157 : vector<16xf32>
      %gather3A_159 = tpu.vector_load_idx %arg12[%add3A_154] : memref<272xf32, #tpu.memory_space<vmem>>[vector<16xi32>], vector<16xf32>,
      %add3A_160 = arith.addf %add3A_151, %gather3A_159 : vector<16xf32>
      %add3A_161 = arith.constant 238 : i32
      %add3A_162 = vector.broadcast %add3A_161 : i32 to vector<16xi32>
      %add3A_163 = arith.addi %iota3A, %add3A_162 : vector<16xi32>
      %gather3A_164 = tpu.vector_load_idx %arg10[%add3A_163] : memref<272xf32, #tpu.memory_space<vmem>>[vector<16xi32>], vector<16xf32>,
      %add3A_165 = arith.addf %add3A_156, %gather3A_164 : vector<16xf32>
      %gather3A_166 = tpu.vector_load_idx %arg11[%add3A_163] : memref<272xf32, #tpu.memory_space<vmem>>[vector<16xi32>], vector<16xf32>,
      %add3A_167 = arith.addf %add3A_158, %gather3A_166 : vector<16xf32>
      %gather3A_168 = tpu.vector_load_idx %arg12[%add3A_163] : memref<272xf32, #tpu.memory_space<vmem>>[vector<16xi32>], vector<16xf32>,
      %add3A_169 = arith.addf %add3A_160, %gather3A_168 : vector<16xf32>
      %add3A_170 = arith.constant 255 : i32
      %add3A_171 = vector.broadcast %add3A_170 : i32 to vector<16xi32>
      %add3A_172 = arith.addi %iota3A, %add3A_171 : vector<16xi32>
      %gather3A_173 = tpu.vector_load_idx %arg10[%add3A_172] : memref<272xf32, #tpu.memory_space<vmem>>[vector<16xi32>], vector<16xf32>,
      %add3A_174 = arith.addf %add3A_165, %gather3A_173 : vector<16xf32>
      %gather3A_175 = tpu.vector_load_idx %arg11[%add3A_172] : memref<272xf32, #tpu.memory_space<vmem>>[vector<16xi32>], vector<16xf32>,
      %add3A_176 = arith.addf %add3A_167, %gather3A_175 : vector<16xf32>
      %gather3A_177 = tpu.vector_load_idx %arg12[%add3A_172] : memref<272xf32, #tpu.memory_space<vmem>>[vector<16xi32>], vector<16xf32>,
      %add3A_178 = arith.addf %add3A_169, %gather3A_177 : vector<16xf32>
      %gt3A = arith.constant 0.000000e+00 : f32
      %gt3A_179 = vector.broadcast %gt3A : f32 to vector<16xf32>
      %gt3A_180 = arith.cmpf ogt, %add3A_174, %gt3A_179 : vector<16xf32>
      %mul3A_181 = arith.mulf %add3A_174, %add3A_174 : vector<16xf32>
      %mul3A_182 = arith.mulf %add3A_176, %add3A_178 : vector<16xf32>
      %mul3A_183 = arith.constant 3.600000e-01 : f32
      %mul3A_184 = vector.broadcast %mul3A_183 : f32 to vector<16xf32>
      %mul3A_185 = arith.mulf %mul3A_184, %mul3A_182 : vector<16xf32>
      %ge3A = arith.cmpf oge, %mul3A_181, %mul3A_185 : vector<16xf32>
      %and3A = arith.andi %gt3A_180, %ge3A : vector<16xi1>
      %mul3A_186 = arith.constant 1.600000e-01 : f32
      %mul3A_187 = vector.broadcast %mul3A_186 : f32 to vector<16xf32>
      %mul3A_188 = arith.mulf %mul3A_187, %mul3A_182 : vector<16xf32>
      %ge3A_189 = arith.cmpf oge, %mul3A_181, %mul3A_188 : vector<16xf32>
      %and3A_190 = arith.andi %gt3A_180, %ge3A_189 : vector<16xi1>
      %convert_element_type3A = arith.extui %and3A_190 : vector<16xi1> to vector<16xi32>
      %sub3A = arith.constant 2 : i32
      %sub3A_191 = vector.broadcast %sub3A : i32 to vector<16xi32>
      %sub3A_192 = arith.subi %sub3A_191, %convert_element_type3A : vector<16xi32>
      %convert_element_type3A_193 = arith.extui %and3A : vector<16xi1> to vector<16xi32>
      %sub3A_194 = arith.subi %sub3A_192, %convert_element_type3A_193 : vector<16xi32>
      %swap3A = arith.constant 0 : index
      %swap3A_195 = tpu.vector_load %arg9[%swap3A] {strides = array<i32>} : memref<32xi32, #tpu.memory_space<vmem>>, vector<16xi32>,
      tpu.vector_store %arg9[%swap3A], %sub3A_194 {strides = array<i32>} : memref<32xi32, #tpu.memory_space<vmem>>, vector<16xi32>,
      %scan3A_196 = arith.constant 0 : i32
      %scan3A_197 = arith.constant 0 : i32
      %scan3A_198 = arith.constant 16 : i32
      %scan3A_199 = arith.addi %scan3A_197, %scan3A_198 : i32
      %scan3A_200 = arith.constant 2 : i32
      scf.for %scan3A_375 = %scan3A_197 to %scan3A_199 step %scan3A_200  : i32 {
        %add3A_376 = arith.constant 16 : i32
        %add3A_377 = arith.addi %add3A_376, %scan3A_375 : i32
        %broadcast_in_dim3A_378 = arith.constant 0.000000e+00 : f32
        %broadcast_in_dim3A_379 = vector.broadcast %broadcast_in_dim3A_378 : f32 to vector<16xf32>
        %broadcast_in_dim3A_380 = arith.constant 0.000000e+00 : f32
        %broadcast_in_dim3A_381 = vector.broadcast %broadcast_in_dim3A_380 : f32 to vector<16xf32>
        %broadcast_in_dim3A_382 = arith.constant 0.000000e+00 : f32
        %broadcast_in_dim3A_383 = vector.broadcast %broadcast_in_dim3A_382 : f32 to vector<16xf32>
        %get3A = arith.index_cast %add3A_377 : i32 to index
        %get3A_384 = arith.constant 0 : index
        %get3A_385 = tpu.vector_load %arg7[%get3A, %get3A_384] {strides = array<i32>} : memref<32x768xf32, #tpu.memory_space<vmem>>, vector<16xf32>,
        %get3A_386 = arith.index_cast %add3A_377 : i32 to index
        %get3A_387 = arith.constant 0 : index
        %get3A_388 = tpu.vector_load %arg8[%get3A_386, %get3A_387] {strides = array<i32>} : memref<32x768xf32, #tpu.memory_space<vmem>>, vector<16xf32>,
        %mul3A_389 = arith.mulf %get3A_385, %get3A_388 : vector<16xf32>
        %add3A_390 = arith.addf %broadcast_in_dim3A_379, %mul3A_389 : vector<16xf32>
        %mul3A_391 = arith.mulf %get3A_385, %get3A_385 : vector<16xf32>
        %add3A_392 = arith.addf %broadcast_in_dim3A_381, %mul3A_391 : vector<16xf32>
        %mul3A_393 = arith.mulf %get3A_388, %get3A_388 : vector<16xf32>
        %add3A_394 = arith.addf %broadcast_in_dim3A_383, %mul3A_393 : vector<16xf32>
        %get3A_395 = arith.index_cast %add3A_377 : i32 to index
        %get3A_396 = arith.constant 16 : index
        %get3A_397 = tpu.vector_load %arg7[%get3A_395, %get3A_396] {strides = array<i32>} : memref<32x768xf32, #tpu.memory_space<vmem>>, vector<16xf32>,
        %get3A_398 = arith.index_cast %add3A_377 : i32 to index
        %get3A_399 = arith.constant 16 : index
        %get3A_400 = tpu.vector_load %arg8[%get3A_398, %get3A_399] {strides = array<i32>} : memref<32x768xf32, #tpu.memory_space<vmem>>, vector<16xf32>,
        %mul3A_401 = arith.mulf %get3A_397, %get3A_400 : vector<16xf32>
        %add3A_402 = arith.addf %add3A_390, %mul3A_401 : vector<16xf32>
        %mul3A_403 = arith.mulf %get3A_397, %get3A_397 : vector<16xf32>
        %add3A_404 = arith.addf %add3A_392, %mul3A_403 : vector<16xf32>
        %mul3A_405 = arith.mulf %get3A_400, %get3A_400 : vector<16xf32>
        %add3A_406 = arith.addf %add3A_394, %mul3A_405 : vector<16xf32>
        %get3A_407 = arith.index_cast %add3A_377 : i32 to index
        %get3A_408 = arith.constant 32 : index
        %get3A_409 = tpu.vector_load %arg7[%get3A_407, %get3A_408] {strides = array<i32>} : memref<32x768xf32, #tpu.memory_space<vmem>>, vector<16xf32>,
        %get3A_410 = arith.index_cast %add3A_377 : i32 to index
        %get3A_411 = arith.constant 32 : index
        %get3A_412 = tpu.vector_load %arg8[%get3A_410, %get3A_411] {strides = array<i32>} : memref<32x768xf32, #tpu.memory_space<vmem>>, vector<16xf32>,
        %mul3A_413 = arith.mulf %get3A_409, %get3A_412 : vector<16xf32>
        %add3A_414 = arith.addf %add3A_402, %mul3A_413 : vector<16xf32>
        %mul3A_415 = arith.mulf %get3A_409, %get3A_409 : vector<16xf32>
        %add3A_416 = arith.addf %add3A_404, %mul3A_415 : vector<16xf32>
        %mul3A_417 = arith.mulf %get3A_412, %get3A_412 : vector<16xf32>
        %add3A_418 = arith.addf %add3A_406, %mul3A_417 : vector<16xf32>
        %get3A_419 = arith.index_cast %add3A_377 : i32 to index
        %get3A_420 = arith.constant 48 : index
        %get3A_421 = tpu.vector_load %arg7[%get3A_419, %get3A_420] {strides = array<i32>} : memref<32x768xf32, #tpu.memory_space<vmem>>, vector<16xf32>,
        %get3A_422 = arith.index_cast %add3A_377 : i32 to index
        %get3A_423 = arith.constant 48 : index
        %get3A_424 = tpu.vector_load %arg8[%get3A_422, %get3A_423] {strides = array<i32>} : memref<32x768xf32, #tpu.memory_space<vmem>>, vector<16xf32>,
        %mul3A_425 = arith.mulf %get3A_421, %get3A_424 : vector<16xf32>
        %add3A_426 = arith.addf %add3A_414, %mul3A_425 : vector<16xf32>
        %mul3A_427 = arith.mulf %get3A_421, %get3A_421 : vector<16xf32>
        %add3A_428 = arith.addf %add3A_416, %mul3A_427 : vector<16xf32>
        %mul3A_429 = arith.mulf %get3A_424, %get3A_424 : vector<16xf32>
        %add3A_430 = arith.addf %add3A_418, %mul3A_429 : vector<16xf32>
        %get3A_431 = arith.index_cast %add3A_377 : i32 to index
        %get3A_432 = arith.constant 64 : index
        %get3A_433 = tpu.vector_load %arg7[%get3A_431, %get3A_432] {strides = array<i32>} : memref<32x768xf32, #tpu.memory_space<vmem>>, vector<16xf32>,
        %get3A_434 = arith.index_cast %add3A_377 : i32 to index
        %get3A_435 = arith.constant 64 : index
        %get3A_436 = tpu.vector_load %arg8[%get3A_434, %get3A_435] {strides = array<i32>} : memref<32x768xf32, #tpu.memory_space<vmem>>, vector<16xf32>,
        %mul3A_437 = arith.mulf %get3A_433, %get3A_436 : vector<16xf32>
        %add3A_438 = arith.addf %add3A_426, %mul3A_437 : vector<16xf32>
        %mul3A_439 = arith.mulf %get3A_433, %get3A_433 : vector<16xf32>
        %add3A_440 = arith.addf %add3A_428, %mul3A_439 : vector<16xf32>
        %mul3A_441 = arith.mulf %get3A_436, %get3A_436 : vector<16xf32>
        %add3A_442 = arith.addf %add3A_430, %mul3A_441 : vector<16xf32>
        %get3A_443 = arith.index_cast %add3A_377 : i32 to index
        %get3A_444 = arith.constant 80 : index
        %get3A_445 = tpu.vector_load %arg7[%get3A_443, %get3A_444] {strides = array<i32>} : memref<32x768xf32, #tpu.memory_space<vmem>>, vector<16xf32>,
        %get3A_446 = arith.index_cast %add3A_377 : i32 to index
        %get3A_447 = arith.constant 80 : index
        %get3A_448 = tpu.vector_load %arg8[%get3A_446, %get3A_447] {strides = array<i32>} : memref<32x768xf32, #tpu.memory_space<vmem>>, vector<16xf32>,
        %mul3A_449 = arith.mulf %get3A_445, %get3A_448 : vector<16xf32>
        %add3A_450 = arith.addf %add3A_438, %mul3A_449 : vector<16xf32>
        %mul3A_451 = arith.mulf %get3A_445, %get3A_445 : vector<16xf32>
        %add3A_452 = arith.addf %add3A_440, %mul3A_451 : vector<16xf32>
        %mul3A_453 = arith.mulf %get3A_448, %get3A_448 : vector<16xf32>
        %add3A_454 = arith.addf %add3A_442, %mul3A_453 : vector<16xf32>
        %get3A_455 = arith.index_cast %add3A_377 : i32 to index
        %get3A_456 = arith.constant 96 : index
        %get3A_457 = tpu.vector_load %arg7[%get3A_455, %get3A_456] {strides = array<i32>} : memref<32x768xf32, #tpu.memory_space<vmem>>, vector<16xf32>,
        %get3A_458 = arith.index_cast %add3A_377 : i32 to index
        %get3A_459 = arith.constant 96 : index
        %get3A_460 = tpu.vector_load %arg8[%get3A_458, %get3A_459] {strides = array<i32>} : memref<32x768xf32, #tpu.memory_space<vmem>>, vector<16xf32>,
        %mul3A_461 = arith.mulf %get3A_457, %get3A_460 : vector<16xf32>
        %add3A_462 = arith.addf %add3A_450, %mul3A_461 : vector<16xf32>
        %mul3A_463 = arith.mulf %get3A_457, %get3A_457 : vector<16xf32>
        %add3A_464 = arith.addf %add3A_452, %mul3A_463 : vector<16xf32>
        %mul3A_465 = arith.mulf %get3A_460, %get3A_460 : vector<16xf32>
        %add3A_466 = arith.addf %add3A_454, %mul3A_465 : vector<16xf32>
        %get3A_467 = arith.index_cast %add3A_377 : i32 to index
        %get3A_468 = arith.constant 112 : index
        %get3A_469 = tpu.vector_load %arg7[%get3A_467, %get3A_468] {strides = array<i32>} : memref<32x768xf32, #tpu.memory_space<vmem>>, vector<16xf32>,
        %get3A_470 = arith.index_cast %add3A_377 : i32 to index
        %get3A_471 = arith.constant 112 : index
        %get3A_472 = tpu.vector_load %arg8[%get3A_470, %get3A_471] {strides = array<i32>} : memref<32x768xf32, #tpu.memory_space<vmem>>, vector<16xf32>,
        %mul3A_473 = arith.mulf %get3A_469, %get3A_472 : vector<16xf32>
        %add3A_474 = arith.addf %add3A_462, %mul3A_473 : vector<16xf32>
        %mul3A_475 = arith.mulf %get3A_469, %get3A_469 : vector<16xf32>
        %add3A_476 = arith.addf %add3A_464, %mul3A_475 : vector<16xf32>
        %mul3A_477 = arith.mulf %get3A_472, %get3A_472 : vector<16xf32>
        %add3A_478 = arith.addf %add3A_466, %mul3A_477 : vector<16xf32>
        %get3A_479 = arith.index_cast %add3A_377 : i32 to index
        %get3A_480 = arith.constant 128 : index
        %get3A_481 = tpu.vector_load %arg7[%get3A_479, %get3A_480] {strides = array<i32>} : memref<32x768xf32, #tpu.memory_space<vmem>>, vector<16xf32>,
        %get3A_482 = arith.index_cast %add3A_377 : i32 to index
        %get3A_483 = arith.constant 128 : index
        %get3A_484 = tpu.vector_load %arg8[%get3A_482, %get3A_483] {strides = array<i32>} : memref<32x768xf32, #tpu.memory_space<vmem>>, vector<16xf32>,
        %mul3A_485 = arith.mulf %get3A_481, %get3A_484 : vector<16xf32>
        %add3A_486 = arith.addf %add3A_474, %mul3A_485 : vector<16xf32>
        %mul3A_487 = arith.mulf %get3A_481, %get3A_481 : vector<16xf32>
        %add3A_488 = arith.addf %add3A_476, %mul3A_487 : vector<16xf32>
        %mul3A_489 = arith.mulf %get3A_484, %get3A_484 : vector<16xf32>
        %add3A_490 = arith.addf %add3A_478, %mul3A_489 : vector<16xf32>
        %get3A_491 = arith.index_cast %add3A_377 : i32 to index
        %get3A_492 = arith.constant 144 : index
        %get3A_493 = tpu.vector_load %arg7[%get3A_491, %get3A_492] {strides = array<i32>} : memref<32x768xf32, #tpu.memory_space<vmem>>, vector<16xf32>,
        %get3A_494 = arith.index_cast %add3A_377 : i32 to index
        %get3A_495 = arith.constant 144 : index
        %get3A_496 = tpu.vector_load %arg8[%get3A_494, %get3A_495] {strides = array<i32>} : memref<32x768xf32, #tpu.memory_space<vmem>>, vector<16xf32>,
        %mul3A_497 = arith.mulf %get3A_493, %get3A_496 : vector<16xf32>
        %add3A_498 = arith.addf %add3A_486, %mul3A_497 : vector<16xf32>
        %mul3A_499 = arith.mulf %get3A_493, %get3A_493 : vector<16xf32>
        %add3A_500 = arith.addf %add3A_488, %mul3A_499 : vector<16xf32>
        %mul3A_501 = arith.mulf %get3A_496, %get3A_496 : vector<16xf32>
        %add3A_502 = arith.addf %add3A_490, %mul3A_501 : vector<16xf32>
        %get3A_503 = arith.index_cast %add3A_377 : i32 to index
        %get3A_504 = arith.constant 160 : index
        %get3A_505 = tpu.vector_load %arg7[%get3A_503, %get3A_504] {strides = array<i32>} : memref<32x768xf32, #tpu.memory_space<vmem>>, vector<16xf32>,
        %get3A_506 = arith.index_cast %add3A_377 : i32 to index
        %get3A_507 = arith.constant 160 : index
        %get3A_508 = tpu.vector_load %arg8[%get3A_506, %get3A_507] {strides = array<i32>} : memref<32x768xf32, #tpu.memory_space<vmem>>, vector<16xf32>,
        %mul3A_509 = arith.mulf %get3A_505, %get3A_508 : vector<16xf32>
        %add3A_510 = arith.addf %add3A_498, %mul3A_509 : vector<16xf32>
        %mul3A_511 = arith.mulf %get3A_505, %get3A_505 : vector<16xf32>
        %add3A_512 = arith.addf %add3A_500, %mul3A_511 : vector<16xf32>
        %mul3A_513 = arith.mulf %get3A_508, %get3A_508 : vector<16xf32>
        %add3A_514 = arith.addf %add3A_502, %mul3A_513 : vector<16xf32>
        %get3A_515 = arith.index_cast %add3A_377 : i32 to index
        %get3A_516 = arith.constant 176 : index
        %get3A_517 = tpu.vector_load %arg7[%get3A_515, %get3A_516] {strides = array<i32>} : memref<32x768xf32, #tpu.memory_space<vmem>>, vector<16xf32>,
        %get3A_518 = arith.index_cast %add3A_377 : i32 to index
        %get3A_519 = arith.constant 176 : index
        %get3A_520 = tpu.vector_load %arg8[%get3A_518, %get3A_519] {strides = array<i32>} : memref<32x768xf32, #tpu.memory_space<vmem>>, vector<16xf32>,
        %mul3A_521 = arith.mulf %get3A_517, %get3A_520 : vector<16xf32>
        %add3A_522 = arith.addf %add3A_510, %mul3A_521 : vector<16xf32>
        %mul3A_523 = arith.mulf %get3A_517, %get3A_517 : vector<16xf32>
        %add3A_524 = arith.addf %add3A_512, %mul3A_523 : vector<16xf32>
        %mul3A_525 = arith.mulf %get3A_520, %get3A_520 : vector<16xf32>
        %add3A_526 = arith.addf %add3A_514, %mul3A_525 : vector<16xf32>
        %get3A_527 = arith.index_cast %add3A_377 : i32 to index
        %get3A_528 = arith.constant 192 : index
        %get3A_529 = tpu.vector_load %arg7[%get3A_527, %get3A_528] {strides = array<i32>} : memref<32x768xf32, #tpu.memory_space<vmem>>, vector<16xf32>,
        %get3A_530 = arith.index_cast %add3A_377 : i32 to index
        %get3A_531 = arith.constant 192 : index
        %get3A_532 = tpu.vector_load %arg8[%get3A_530, %get3A_531] {strides = array<i32>} : memref<32x768xf32, #tpu.memory_space<vmem>>, vector<16xf32>,
        %mul3A_533 = arith.mulf %get3A_529, %get3A_532 : vector<16xf32>
        %add3A_534 = arith.addf %add3A_522, %mul3A_533 : vector<16xf32>
        %mul3A_535 = arith.mulf %get3A_529, %get3A_529 : vector<16xf32>
        %add3A_536 = arith.addf %add3A_524, %mul3A_535 : vector<16xf32>
        %mul3A_537 = arith.mulf %get3A_532, %get3A_532 : vector<16xf32>
        %add3A_538 = arith.addf %add3A_526, %mul3A_537 : vector<16xf32>
        %get3A_539 = arith.index_cast %add3A_377 : i32 to index
        %get3A_540 = arith.constant 208 : index
        %get3A_541 = tpu.vector_load %arg7[%get3A_539, %get3A_540] {strides = array<i32>} : memref<32x768xf32, #tpu.memory_space<vmem>>, vector<16xf32>,
        %get3A_542 = arith.index_cast %add3A_377 : i32 to index
        %get3A_543 = arith.constant 208 : index
        %get3A_544 = tpu.vector_load %arg8[%get3A_542, %get3A_543] {strides = array<i32>} : memref<32x768xf32, #tpu.memory_space<vmem>>, vector<16xf32>,
        %mul3A_545 = arith.mulf %get3A_541, %get3A_544 : vector<16xf32>
        %add3A_546 = arith.addf %add3A_534, %mul3A_545 : vector<16xf32>
        %mul3A_547 = arith.mulf %get3A_541, %get3A_541 : vector<16xf32>
        %add3A_548 = arith.addf %add3A_536, %mul3A_547 : vector<16xf32>
        %mul3A_549 = arith.mulf %get3A_544, %get3A_544 : vector<16xf32>
        %add3A_550 = arith.addf %add3A_538, %mul3A_549 : vector<16xf32>
        %get3A_551 = arith.index_cast %add3A_377 : i32 to index
        %get3A_552 = arith.constant 224 : index
        %get3A_553 = tpu.vector_load %arg7[%get3A_551, %get3A_552] {strides = array<i32>} : memref<32x768xf32, #tpu.memory_space<vmem>>, vector<16xf32>,
        %get3A_554 = arith.index_cast %add3A_377 : i32 to index
        %get3A_555 = arith.constant 224 : index
        %get3A_556 = tpu.vector_load %arg8[%get3A_554, %get3A_555] {strides = array<i32>} : memref<32x768xf32, #tpu.memory_space<vmem>>, vector<16xf32>,
        %mul3A_557 = arith.mulf %get3A_553, %get3A_556 : vector<16xf32>
        %add3A_558 = arith.addf %add3A_546, %mul3A_557 : vector<16xf32>
        %mul3A_559 = arith.mulf %get3A_553, %get3A_553 : vector<16xf32>
        %add3A_560 = arith.addf %add3A_548, %mul3A_559 : vector<16xf32>
        %mul3A_561 = arith.mulf %get3A_556, %get3A_556 : vector<16xf32>
        %add3A_562 = arith.addf %add3A_550, %mul3A_561 : vector<16xf32>
        %get3A_563 = arith.index_cast %add3A_377 : i32 to index
        %get3A_564 = arith.constant 240 : index
        %get3A_565 = tpu.vector_load %arg7[%get3A_563, %get3A_564] {strides = array<i32>} : memref<32x768xf32, #tpu.memory_space<vmem>>, vector<16xf32>,
        %get3A_566 = arith.index_cast %add3A_377 : i32 to index
        %get3A_567 = arith.constant 240 : index
        %get3A_568 = tpu.vector_load %arg8[%get3A_566, %get3A_567] {strides = array<i32>} : memref<32x768xf32, #tpu.memory_space<vmem>>, vector<16xf32>,
        %mul3A_569 = arith.mulf %get3A_565, %get3A_568 : vector<16xf32>
        %add3A_570 = arith.addf %add3A_558, %mul3A_569 : vector<16xf32>
        %mul3A_571 = arith.mulf %get3A_565, %get3A_565 : vector<16xf32>
        %add3A_572 = arith.addf %add3A_560, %mul3A_571 : vector<16xf32>
        %mul3A_573 = arith.mulf %get3A_568, %get3A_568 : vector<16xf32>
        %add3A_574 = arith.addf %add3A_562, %mul3A_573 : vector<16xf32>
        %get3A_575 = arith.index_cast %add3A_377 : i32 to index
        %get3A_576 = arith.constant 256 : index
        %get3A_577 = tpu.vector_load %arg7[%get3A_575, %get3A_576] {strides = array<i32>} : memref<32x768xf32, #tpu.memory_space<vmem>>, vector<16xf32>,
        %get3A_578 = arith.index_cast %add3A_377 : i32 to index
        %get3A_579 = arith.constant 256 : index
        %get3A_580 = tpu.vector_load %arg8[%get3A_578, %get3A_579] {strides = array<i32>} : memref<32x768xf32, #tpu.memory_space<vmem>>, vector<16xf32>,
        %mul3A_581 = arith.mulf %get3A_577, %get3A_580 : vector<16xf32>
        %add3A_582 = arith.addf %add3A_570, %mul3A_581 : vector<16xf32>
        %mul3A_583 = arith.mulf %get3A_577, %get3A_577 : vector<16xf32>
        %add3A_584 = arith.addf %add3A_572, %mul3A_583 : vector<16xf32>
        %mul3A_585 = arith.mulf %get3A_580, %get3A_580 : vector<16xf32>
        %add3A_586 = arith.addf %add3A_574, %mul3A_585 : vector<16xf32>
        %get3A_587 = arith.index_cast %add3A_377 : i32 to index
        %get3A_588 = arith.constant 272 : index
        %get3A_589 = tpu.vector_load %arg7[%get3A_587, %get3A_588] {strides = array<i32>} : memref<32x768xf32, #tpu.memory_space<vmem>>, vector<16xf32>,
        %get3A_590 = arith.index_cast %add3A_377 : i32 to index
        %get3A_591 = arith.constant 272 : index
        %get3A_592 = tpu.vector_load %arg8[%get3A_590, %get3A_591] {strides = array<i32>} : memref<32x768xf32, #tpu.memory_space<vmem>>, vector<16xf32>,
        %mul3A_593 = arith.mulf %get3A_589, %get3A_592 : vector<16xf32>
        %add3A_594 = arith.addf %add3A_582, %mul3A_593 : vector<16xf32>
        %mul3A_595 = arith.mulf %get3A_589, %get3A_589 : vector<16xf32>
        %add3A_596 = arith.addf %add3A_584, %mul3A_595 : vector<16xf32>
        %mul3A_597 = arith.mulf %get3A_592, %get3A_592 : vector<16xf32>
        %add3A_598 = arith.addf %add3A_586, %mul3A_597 : vector<16xf32>
        %get3A_599 = arith.index_cast %add3A_377 : i32 to index
        %get3A_600 = arith.constant 288 : index
        %get3A_601 = tpu.vector_load %arg7[%get3A_599, %get3A_600] {strides = array<i32>} : memref<32x768xf32, #tpu.memory_space<vmem>>, vector<16xf32>,
        %get3A_602 = arith.index_cast %add3A_377 : i32 to index
        %get3A_603 = arith.constant 288 : index
        %get3A_604 = tpu.vector_load %arg8[%get3A_602, %get3A_603] {strides = array<i32>} : memref<32x768xf32, #tpu.memory_space<vmem>>, vector<16xf32>,
        %mul3A_605 = arith.mulf %get3A_601, %get3A_604 : vector<16xf32>
        %add3A_606 = arith.addf %add3A_594, %mul3A_605 : vector<16xf32>
        %mul3A_607 = arith.mulf %get3A_601, %get3A_601 : vector<16xf32>
        %add3A_608 = arith.addf %add3A_596, %mul3A_607 : vector<16xf32>
        %mul3A_609 = arith.mulf %get3A_604, %get3A_604 : vector<16xf32>
        %add3A_610 = arith.addf %add3A_598, %mul3A_609 : vector<16xf32>
        %get3A_611 = arith.index_cast %add3A_377 : i32 to index
        %get3A_612 = arith.constant 304 : index
        %get3A_613 = tpu.vector_load %arg7[%get3A_611, %get3A_612] {strides = array<i32>} : memref<32x768xf32, #tpu.memory_space<vmem>>, vector<16xf32>,
        %get3A_614 = arith.index_cast %add3A_377 : i32 to index
        %get3A_615 = arith.constant 304 : index
        %get3A_616 = tpu.vector_load %arg8[%get3A_614, %get3A_615] {strides = array<i32>} : memref<32x768xf32, #tpu.memory_space<vmem>>, vector<16xf32>,
        %mul3A_617 = arith.mulf %get3A_613, %get3A_616 : vector<16xf32>
        %add3A_618 = arith.addf %add3A_606, %mul3A_617 : vector<16xf32>
        %mul3A_619 = arith.mulf %get3A_613, %get3A_613 : vector<16xf32>
        %add3A_620 = arith.addf %add3A_608, %mul3A_619 : vector<16xf32>
        %mul3A_621 = arith.mulf %get3A_616, %get3A_616 : vector<16xf32>
        %add3A_622 = arith.addf %add3A_610, %mul3A_621 : vector<16xf32>
        %get3A_623 = arith.index_cast %add3A_377 : i32 to index
        %get3A_624 = arith.constant 320 : index
        %get3A_625 = tpu.vector_load %arg7[%get3A_623, %get3A_624] {strides = array<i32>} : memref<32x768xf32, #tpu.memory_space<vmem>>, vector<16xf32>,
        %get3A_626 = arith.index_cast %add3A_377 : i32 to index
        %get3A_627 = arith.constant 320 : index
        %get3A_628 = tpu.vector_load %arg8[%get3A_626, %get3A_627] {strides = array<i32>} : memref<32x768xf32, #tpu.memory_space<vmem>>, vector<16xf32>,
        %mul3A_629 = arith.mulf %get3A_625, %get3A_628 : vector<16xf32>
        %add3A_630 = arith.addf %add3A_618, %mul3A_629 : vector<16xf32>
        %mul3A_631 = arith.mulf %get3A_625, %get3A_625 : vector<16xf32>
        %add3A_632 = arith.addf %add3A_620, %mul3A_631 : vector<16xf32>
        %mul3A_633 = arith.mulf %get3A_628, %get3A_628 : vector<16xf32>
        %add3A_634 = arith.addf %add3A_622, %mul3A_633 : vector<16xf32>
        %get3A_635 = arith.index_cast %add3A_377 : i32 to index
        %get3A_636 = arith.constant 336 : index
        %get3A_637 = tpu.vector_load %arg7[%get3A_635, %get3A_636] {strides = array<i32>} : memref<32x768xf32, #tpu.memory_space<vmem>>, vector<16xf32>,
        %get3A_638 = arith.index_cast %add3A_377 : i32 to index
        %get3A_639 = arith.constant 336 : index
        %get3A_640 = tpu.vector_load %arg8[%get3A_638, %get3A_639] {strides = array<i32>} : memref<32x768xf32, #tpu.memory_space<vmem>>, vector<16xf32>,
        %mul3A_641 = arith.mulf %get3A_637, %get3A_640 : vector<16xf32>
        %add3A_642 = arith.addf %add3A_630, %mul3A_641 : vector<16xf32>
        %mul3A_643 = arith.mulf %get3A_637, %get3A_637 : vector<16xf32>
        %add3A_644 = arith.addf %add3A_632, %mul3A_643 : vector<16xf32>
        %mul3A_645 = arith.mulf %get3A_640, %get3A_640 : vector<16xf32>
        %add3A_646 = arith.addf %add3A_634, %mul3A_645 : vector<16xf32>
        %get3A_647 = arith.index_cast %add3A_377 : i32 to index
        %get3A_648 = arith.constant 352 : index
        %get3A_649 = tpu.vector_load %arg7[%get3A_647, %get3A_648] {strides = array<i32>} : memref<32x768xf32, #tpu.memory_space<vmem>>, vector<16xf32>,
        %get3A_650 = arith.index_cast %add3A_377 : i32 to index
        %get3A_651 = arith.constant 352 : index
        %get3A_652 = tpu.vector_load %arg8[%get3A_650, %get3A_651] {strides = array<i32>} : memref<32x768xf32, #tpu.memory_space<vmem>>, vector<16xf32>,
        %mul3A_653 = arith.mulf %get3A_649, %get3A_652 : vector<16xf32>
        %add3A_654 = arith.addf %add3A_642, %mul3A_653 : vector<16xf32>
        %mul3A_655 = arith.mulf %get3A_649, %get3A_649 : vector<16xf32>
        %add3A_656 = arith.addf %add3A_644, %mul3A_655 : vector<16xf32>
        %mul3A_657 = arith.mulf %get3A_652, %get3A_652 : vector<16xf32>
        %add3A_658 = arith.addf %add3A_646, %mul3A_657 : vector<16xf32>
        %get3A_659 = arith.index_cast %add3A_377 : i32 to index
        %get3A_660 = arith.constant 368 : index
        %get3A_661 = tpu.vector_load %arg7[%get3A_659, %get3A_660] {strides = array<i32>} : memref<32x768xf32, #tpu.memory_space<vmem>>, vector<16xf32>,
        %get3A_662 = arith.index_cast %add3A_377 : i32 to index
        %get3A_663 = arith.constant 368 : index
        %get3A_664 = tpu.vector_load %arg8[%get3A_662, %get3A_663] {strides = array<i32>} : memref<32x768xf32, #tpu.memory_space<vmem>>, vector<16xf32>,
        %mul3A_665 = arith.mulf %get3A_661, %get3A_664 : vector<16xf32>
        %add3A_666 = arith.addf %add3A_654, %mul3A_665 : vector<16xf32>
        %mul3A_667 = arith.mulf %get3A_661, %get3A_661 : vector<16xf32>
        %add3A_668 = arith.addf %add3A_656, %mul3A_667 : vector<16xf32>
        %mul3A_669 = arith.mulf %get3A_664, %get3A_664 : vector<16xf32>
        %add3A_670 = arith.addf %add3A_658, %mul3A_669 : vector<16xf32>
        %get3A_671 = arith.index_cast %add3A_377 : i32 to index
        %get3A_672 = arith.constant 384 : index
        %get3A_673 = tpu.vector_load %arg7[%get3A_671, %get3A_672] {strides = array<i32>} : memref<32x768xf32, #tpu.memory_space<vmem>>, vector<16xf32>,
        %get3A_674 = arith.index_cast %add3A_377 : i32 to index
        %get3A_675 = arith.constant 384 : index
        %get3A_676 = tpu.vector_load %arg8[%get3A_674, %get3A_675] {strides = array<i32>} : memref<32x768xf32, #tpu.memory_space<vmem>>, vector<16xf32>,
        %mul3A_677 = arith.mulf %get3A_673, %get3A_676 : vector<16xf32>
        %add3A_678 = arith.addf %add3A_666, %mul3A_677 : vector<16xf32>
        %mul3A_679 = arith.mulf %get3A_673, %get3A_673 : vector<16xf32>
        %add3A_680 = arith.addf %add3A_668, %mul3A_679 : vector<16xf32>
        %mul3A_681 = arith.mulf %get3A_676, %get3A_676 : vector<16xf32>
        %add3A_682 = arith.addf %add3A_670, %mul3A_681 : vector<16xf32>
        %get3A_683 = arith.index_cast %add3A_377 : i32 to index
        %get3A_684 = arith.constant 400 : index
        %get3A_685 = tpu.vector_load %arg7[%get3A_683, %get3A_684] {strides = array<i32>} : memref<32x768xf32, #tpu.memory_space<vmem>>, vector<16xf32>,
        %get3A_686 = arith.index_cast %add3A_377 : i32 to index
        %get3A_687 = arith.constant 400 : index
        %get3A_688 = tpu.vector_load %arg8[%get3A_686, %get3A_687] {strides = array<i32>} : memref<32x768xf32, #tpu.memory_space<vmem>>, vector<16xf32>,
        %mul3A_689 = arith.mulf %get3A_685, %get3A_688 : vector<16xf32>
        %add3A_690 = arith.addf %add3A_678, %mul3A_689 : vector<16xf32>
        %mul3A_691 = arith.mulf %get3A_685, %get3A_685 : vector<16xf32>
        %add3A_692 = arith.addf %add3A_680, %mul3A_691 : vector<16xf32>
        %mul3A_693 = arith.mulf %get3A_688, %get3A_688 : vector<16xf32>
        %add3A_694 = arith.addf %add3A_682, %mul3A_693 : vector<16xf32>
        %get3A_695 = arith.index_cast %add3A_377 : i32 to index
        %get3A_696 = arith.constant 416 : index
        %get3A_697 = tpu.vector_load %arg7[%get3A_695, %get3A_696] {strides = array<i32>} : memref<32x768xf32, #tpu.memory_space<vmem>>, vector<16xf32>,
        %get3A_698 = arith.index_cast %add3A_377 : i32 to index
        %get3A_699 = arith.constant 416 : index
        %get3A_700 = tpu.vector_load %arg8[%get3A_698, %get3A_699] {strides = array<i32>} : memref<32x768xf32, #tpu.memory_space<vmem>>, vector<16xf32>,
        %mul3A_701 = arith.mulf %get3A_697, %get3A_700 : vector<16xf32>
        %add3A_702 = arith.addf %add3A_690, %mul3A_701 : vector<16xf32>
        %mul3A_703 = arith.mulf %get3A_697, %get3A_697 : vector<16xf32>
        %add3A_704 = arith.addf %add3A_692, %mul3A_703 : vector<16xf32>
        %mul3A_705 = arith.mulf %get3A_700, %get3A_700 : vector<16xf32>
        %add3A_706 = arith.addf %add3A_694, %mul3A_705 : vector<16xf32>
        %get3A_707 = arith.index_cast %add3A_377 : i32 to index
        %get3A_708 = arith.constant 432 : index
        %get3A_709 = tpu.vector_load %arg7[%get3A_707, %get3A_708] {strides = array<i32>} : memref<32x768xf32, #tpu.memory_space<vmem>>, vector<16xf32>,
        %get3A_710 = arith.index_cast %add3A_377 : i32 to index
        %get3A_711 = arith.constant 432 : index
        %get3A_712 = tpu.vector_load %arg8[%get3A_710, %get3A_711] {strides = array<i32>} : memref<32x768xf32, #tpu.memory_space<vmem>>, vector<16xf32>,
        %mul3A_713 = arith.mulf %get3A_709, %get3A_712 : vector<16xf32>
        %add3A_714 = arith.addf %add3A_702, %mul3A_713 : vector<16xf32>
        %mul3A_715 = arith.mulf %get3A_709, %get3A_709 : vector<16xf32>
        %add3A_716 = arith.addf %add3A_704, %mul3A_715 : vector<16xf32>
        %mul3A_717 = arith.mulf %get3A_712, %get3A_712 : vector<16xf32>
        %add3A_718 = arith.addf %add3A_706, %mul3A_717 : vector<16xf32>
        %get3A_719 = arith.index_cast %add3A_377 : i32 to index
        %get3A_720 = arith.constant 448 : index
        %get3A_721 = tpu.vector_load %arg7[%get3A_719, %get3A_720] {strides = array<i32>} : memref<32x768xf32, #tpu.memory_space<vmem>>, vector<16xf32>,
        %get3A_722 = arith.index_cast %add3A_377 : i32 to index
        %get3A_723 = arith.constant 448 : index
        %get3A_724 = tpu.vector_load %arg8[%get3A_722, %get3A_723] {strides = array<i32>} : memref<32x768xf32, #tpu.memory_space<vmem>>, vector<16xf32>,
        %mul3A_725 = arith.mulf %get3A_721, %get3A_724 : vector<16xf32>
        %add3A_726 = arith.addf %add3A_714, %mul3A_725 : vector<16xf32>
        %mul3A_727 = arith.mulf %get3A_721, %get3A_721 : vector<16xf32>
        %add3A_728 = arith.addf %add3A_716, %mul3A_727 : vector<16xf32>
        %mul3A_729 = arith.mulf %get3A_724, %get3A_724 : vector<16xf32>
        %add3A_730 = arith.addf %add3A_718, %mul3A_729 : vector<16xf32>
        %get3A_731 = arith.index_cast %add3A_377 : i32 to index
        %get3A_732 = arith.constant 464 : index
        %get3A_733 = tpu.vector_load %arg7[%get3A_731, %get3A_732] {strides = array<i32>} : memref<32x768xf32, #tpu.memory_space<vmem>>, vector<16xf32>,
        %get3A_734 = arith.index_cast %add3A_377 : i32 to index
        %get3A_735 = arith.constant 464 : index
        %get3A_736 = tpu.vector_load %arg8[%get3A_734, %get3A_735] {strides = array<i32>} : memref<32x768xf32, #tpu.memory_space<vmem>>, vector<16xf32>,
        %mul3A_737 = arith.mulf %get3A_733, %get3A_736 : vector<16xf32>
        %add3A_738 = arith.addf %add3A_726, %mul3A_737 : vector<16xf32>
        %mul3A_739 = arith.mulf %get3A_733, %get3A_733 : vector<16xf32>
        %add3A_740 = arith.addf %add3A_728, %mul3A_739 : vector<16xf32>
        %mul3A_741 = arith.mulf %get3A_736, %get3A_736 : vector<16xf32>
        %add3A_742 = arith.addf %add3A_730, %mul3A_741 : vector<16xf32>
        %get3A_743 = arith.index_cast %add3A_377 : i32 to index
        %get3A_744 = arith.constant 480 : index
        %get3A_745 = tpu.vector_load %arg7[%get3A_743, %get3A_744] {strides = array<i32>} : memref<32x768xf32, #tpu.memory_space<vmem>>, vector<16xf32>,
        %get3A_746 = arith.index_cast %add3A_377 : i32 to index
        %get3A_747 = arith.constant 480 : index
        %get3A_748 = tpu.vector_load %arg8[%get3A_746, %get3A_747] {strides = array<i32>} : memref<32x768xf32, #tpu.memory_space<vmem>>, vector<16xf32>,
        %mul3A_749 = arith.mulf %get3A_745, %get3A_748 : vector<16xf32>
        %add3A_750 = arith.addf %add3A_738, %mul3A_749 : vector<16xf32>
        %mul3A_751 = arith.mulf %get3A_745, %get3A_745 : vector<16xf32>
        %add3A_752 = arith.addf %add3A_740, %mul3A_751 : vector<16xf32>
        %mul3A_753 = arith.mulf %get3A_748, %get3A_748 : vector<16xf32>
        %add3A_754 = arith.addf %add3A_742, %mul3A_753 : vector<16xf32>
        %get3A_755 = arith.index_cast %add3A_377 : i32 to index
        %get3A_756 = arith.constant 496 : index
        %get3A_757 = tpu.vector_load %arg7[%get3A_755, %get3A_756] {strides = array<i32>} : memref<32x768xf32, #tpu.memory_space<vmem>>, vector<16xf32>,
        %get3A_758 = arith.index_cast %add3A_377 : i32 to index
        %get3A_759 = arith.constant 496 : index
        %get3A_760 = tpu.vector_load %arg8[%get3A_758, %get3A_759] {strides = array<i32>} : memref<32x768xf32, #tpu.memory_space<vmem>>, vector<16xf32>,
        %mul3A_761 = arith.mulf %get3A_757, %get3A_760 : vector<16xf32>
        %add3A_762 = arith.addf %add3A_750, %mul3A_761 : vector<16xf32>
        %mul3A_763 = arith.mulf %get3A_757, %get3A_757 : vector<16xf32>
        %add3A_764 = arith.addf %add3A_752, %mul3A_763 : vector<16xf32>
        %mul3A_765 = arith.mulf %get3A_760, %get3A_760 : vector<16xf32>
        %add3A_766 = arith.addf %add3A_754, %mul3A_765 : vector<16xf32>
        %get3A_767 = arith.index_cast %add3A_377 : i32 to index
        %get3A_768 = arith.constant 512 : index
        %get3A_769 = tpu.vector_load %arg7[%get3A_767, %get3A_768] {strides = array<i32>} : memref<32x768xf32, #tpu.memory_space<vmem>>, vector<16xf32>,
        %get3A_770 = arith.index_cast %add3A_377 : i32 to index
        %get3A_771 = arith.constant 512 : index
        %get3A_772 = tpu.vector_load %arg8[%get3A_770, %get3A_771] {strides = array<i32>} : memref<32x768xf32, #tpu.memory_space<vmem>>, vector<16xf32>,
        %mul3A_773 = arith.mulf %get3A_769, %get3A_772 : vector<16xf32>
        %add3A_774 = arith.addf %add3A_762, %mul3A_773 : vector<16xf32>
        %mul3A_775 = arith.mulf %get3A_769, %get3A_769 : vector<16xf32>
        %add3A_776 = arith.addf %add3A_764, %mul3A_775 : vector<16xf32>
        %mul3A_777 = arith.mulf %get3A_772, %get3A_772 : vector<16xf32>
        %add3A_778 = arith.addf %add3A_766, %mul3A_777 : vector<16xf32>
        %get3A_779 = arith.index_cast %add3A_377 : i32 to index
        %get3A_780 = arith.constant 528 : index
        %get3A_781 = tpu.vector_load %arg7[%get3A_779, %get3A_780] {strides = array<i32>} : memref<32x768xf32, #tpu.memory_space<vmem>>, vector<16xf32>,
        %get3A_782 = arith.index_cast %add3A_377 : i32 to index
        %get3A_783 = arith.constant 528 : index
        %get3A_784 = tpu.vector_load %arg8[%get3A_782, %get3A_783] {strides = array<i32>} : memref<32x768xf32, #tpu.memory_space<vmem>>, vector<16xf32>,
        %mul3A_785 = arith.mulf %get3A_781, %get3A_784 : vector<16xf32>
        %add3A_786 = arith.addf %add3A_774, %mul3A_785 : vector<16xf32>
        %mul3A_787 = arith.mulf %get3A_781, %get3A_781 : vector<16xf32>
        %add3A_788 = arith.addf %add3A_776, %mul3A_787 : vector<16xf32>
        %mul3A_789 = arith.mulf %get3A_784, %get3A_784 : vector<16xf32>
        %add3A_790 = arith.addf %add3A_778, %mul3A_789 : vector<16xf32>
        %get3A_791 = arith.index_cast %add3A_377 : i32 to index
        %get3A_792 = arith.constant 544 : index
        %get3A_793 = tpu.vector_load %arg7[%get3A_791, %get3A_792] {strides = array<i32>} : memref<32x768xf32, #tpu.memory_space<vmem>>, vector<16xf32>,
        %get3A_794 = arith.index_cast %add3A_377 : i32 to index
        %get3A_795 = arith.constant 544 : index
        %get3A_796 = tpu.vector_load %arg8[%get3A_794, %get3A_795] {strides = array<i32>} : memref<32x768xf32, #tpu.memory_space<vmem>>, vector<16xf32>,
        %mul3A_797 = arith.mulf %get3A_793, %get3A_796 : vector<16xf32>
        %add3A_798 = arith.addf %add3A_786, %mul3A_797 : vector<16xf32>
        %mul3A_799 = arith.mulf %get3A_793, %get3A_793 : vector<16xf32>
        %add3A_800 = arith.addf %add3A_788, %mul3A_799 : vector<16xf32>
        %mul3A_801 = arith.mulf %get3A_796, %get3A_796 : vector<16xf32>
        %add3A_802 = arith.addf %add3A_790, %mul3A_801 : vector<16xf32>
        %get3A_803 = arith.index_cast %add3A_377 : i32 to index
        %get3A_804 = arith.constant 560 : index
        %get3A_805 = tpu.vector_load %arg7[%get3A_803, %get3A_804] {strides = array<i32>} : memref<32x768xf32, #tpu.memory_space<vmem>>, vector<16xf32>,
        %get3A_806 = arith.index_cast %add3A_377 : i32 to index
        %get3A_807 = arith.constant 560 : index
        %get3A_808 = tpu.vector_load %arg8[%get3A_806, %get3A_807] {strides = array<i32>} : memref<32x768xf32, #tpu.memory_space<vmem>>, vector<16xf32>,
        %mul3A_809 = arith.mulf %get3A_805, %get3A_808 : vector<16xf32>
        %add3A_810 = arith.addf %add3A_798, %mul3A_809 : vector<16xf32>
        %mul3A_811 = arith.mulf %get3A_805, %get3A_805 : vector<16xf32>
        %add3A_812 = arith.addf %add3A_800, %mul3A_811 : vector<16xf32>
        %mul3A_813 = arith.mulf %get3A_808, %get3A_808 : vector<16xf32>
        %add3A_814 = arith.addf %add3A_802, %mul3A_813 : vector<16xf32>
        %get3A_815 = arith.index_cast %add3A_377 : i32 to index
        %get3A_816 = arith.constant 576 : index
        %get3A_817 = tpu.vector_load %arg7[%get3A_815, %get3A_816] {strides = array<i32>} : memref<32x768xf32, #tpu.memory_space<vmem>>, vector<16xf32>,
        %get3A_818 = arith.index_cast %add3A_377 : i32 to index
        %get3A_819 = arith.constant 576 : index
        %get3A_820 = tpu.vector_load %arg8[%get3A_818, %get3A_819] {strides = array<i32>} : memref<32x768xf32, #tpu.memory_space<vmem>>, vector<16xf32>,
        %mul3A_821 = arith.mulf %get3A_817, %get3A_820 : vector<16xf32>
        %add3A_822 = arith.addf %add3A_810, %mul3A_821 : vector<16xf32>
        %mul3A_823 = arith.mulf %get3A_817, %get3A_817 : vector<16xf32>
        %add3A_824 = arith.addf %add3A_812, %mul3A_823 : vector<16xf32>
        %mul3A_825 = arith.mulf %get3A_820, %get3A_820 : vector<16xf32>
        %add3A_826 = arith.addf %add3A_814, %mul3A_825 : vector<16xf32>
        %get3A_827 = arith.index_cast %add3A_377 : i32 to index
        %get3A_828 = arith.constant 592 : index
        %get3A_829 = tpu.vector_load %arg7[%get3A_827, %get3A_828] {strides = array<i32>} : memref<32x768xf32, #tpu.memory_space<vmem>>, vector<16xf32>,
        %get3A_830 = arith.index_cast %add3A_377 : i32 to index
        %get3A_831 = arith.constant 592 : index
        %get3A_832 = tpu.vector_load %arg8[%get3A_830, %get3A_831] {strides = array<i32>} : memref<32x768xf32, #tpu.memory_space<vmem>>, vector<16xf32>,
        %mul3A_833 = arith.mulf %get3A_829, %get3A_832 : vector<16xf32>
        %add3A_834 = arith.addf %add3A_822, %mul3A_833 : vector<16xf32>
        %mul3A_835 = arith.mulf %get3A_829, %get3A_829 : vector<16xf32>
        %add3A_836 = arith.addf %add3A_824, %mul3A_835 : vector<16xf32>
        %mul3A_837 = arith.mulf %get3A_832, %get3A_832 : vector<16xf32>
        %add3A_838 = arith.addf %add3A_826, %mul3A_837 : vector<16xf32>
        %get3A_839 = arith.index_cast %add3A_377 : i32 to index
        %get3A_840 = arith.constant 608 : index
        %get3A_841 = tpu.vector_load %arg7[%get3A_839, %get3A_840] {strides = array<i32>} : memref<32x768xf32, #tpu.memory_space<vmem>>, vector<16xf32>,
        %get3A_842 = arith.index_cast %add3A_377 : i32 to index
        %get3A_843 = arith.constant 608 : index
        %get3A_844 = tpu.vector_load %arg8[%get3A_842, %get3A_843] {strides = array<i32>} : memref<32x768xf32, #tpu.memory_space<vmem>>, vector<16xf32>,
        %mul3A_845 = arith.mulf %get3A_841, %get3A_844 : vector<16xf32>
        %add3A_846 = arith.addf %add3A_834, %mul3A_845 : vector<16xf32>
        %mul3A_847 = arith.mulf %get3A_841, %get3A_841 : vector<16xf32>
        %add3A_848 = arith.addf %add3A_836, %mul3A_847 : vector<16xf32>
        %mul3A_849 = arith.mulf %get3A_844, %get3A_844 : vector<16xf32>
        %add3A_850 = arith.addf %add3A_838, %mul3A_849 : vector<16xf32>
        %get3A_851 = arith.index_cast %add3A_377 : i32 to index
        %get3A_852 = arith.constant 624 : index
        %get3A_853 = tpu.vector_load %arg7[%get3A_851, %get3A_852] {strides = array<i32>} : memref<32x768xf32, #tpu.memory_space<vmem>>, vector<16xf32>,
        %get3A_854 = arith.index_cast %add3A_377 : i32 to index
        %get3A_855 = arith.constant 624 : index
        %get3A_856 = tpu.vector_load %arg8[%get3A_854, %get3A_855] {strides = array<i32>} : memref<32x768xf32, #tpu.memory_space<vmem>>, vector<16xf32>,
        %mul3A_857 = arith.mulf %get3A_853, %get3A_856 : vector<16xf32>
        %add3A_858 = arith.addf %add3A_846, %mul3A_857 : vector<16xf32>
        %mul3A_859 = arith.mulf %get3A_853, %get3A_853 : vector<16xf32>
        %add3A_860 = arith.addf %add3A_848, %mul3A_859 : vector<16xf32>
        %mul3A_861 = arith.mulf %get3A_856, %get3A_856 : vector<16xf32>
        %add3A_862 = arith.addf %add3A_850, %mul3A_861 : vector<16xf32>
        %get3A_863 = arith.index_cast %add3A_377 : i32 to index
        %get3A_864 = arith.constant 640 : index
        %get3A_865 = tpu.vector_load %arg7[%get3A_863, %get3A_864] {strides = array<i32>} : memref<32x768xf32, #tpu.memory_space<vmem>>, vector<16xf32>,
        %get3A_866 = arith.index_cast %add3A_377 : i32 to index
        %get3A_867 = arith.constant 640 : index
        %get3A_868 = tpu.vector_load %arg8[%get3A_866, %get3A_867] {strides = array<i32>} : memref<32x768xf32, #tpu.memory_space<vmem>>, vector<16xf32>,
        %mul3A_869 = arith.mulf %get3A_865, %get3A_868 : vector<16xf32>
        %add3A_870 = arith.addf %add3A_858, %mul3A_869 : vector<16xf32>
        %mul3A_871 = arith.mulf %get3A_865, %get3A_865 : vector<16xf32>
        %add3A_872 = arith.addf %add3A_860, %mul3A_871 : vector<16xf32>
        %mul3A_873 = arith.mulf %get3A_868, %get3A_868 : vector<16xf32>
        %add3A_874 = arith.addf %add3A_862, %mul3A_873 : vector<16xf32>
        %get3A_875 = arith.index_cast %add3A_377 : i32 to index
        %get3A_876 = arith.constant 656 : index
        %get3A_877 = tpu.vector_load %arg7[%get3A_875, %get3A_876] {strides = array<i32>} : memref<32x768xf32, #tpu.memory_space<vmem>>, vector<16xf32>,
        %get3A_878 = arith.index_cast %add3A_377 : i32 to index
        %get3A_879 = arith.constant 656 : index
        %get3A_880 = tpu.vector_load %arg8[%get3A_878, %get3A_879] {strides = array<i32>} : memref<32x768xf32, #tpu.memory_space<vmem>>, vector<16xf32>,
        %mul3A_881 = arith.mulf %get3A_877, %get3A_880 : vector<16xf32>
        %add3A_882 = arith.addf %add3A_870, %mul3A_881 : vector<16xf32>
        %mul3A_883 = arith.mulf %get3A_877, %get3A_877 : vector<16xf32>
        %add3A_884 = arith.addf %add3A_872, %mul3A_883 : vector<16xf32>
        %mul3A_885 = arith.mulf %get3A_880, %get3A_880 : vector<16xf32>
        %add3A_886 = arith.addf %add3A_874, %mul3A_885 : vector<16xf32>
        %get3A_887 = arith.index_cast %add3A_377 : i32 to index
        %get3A_888 = arith.constant 672 : index
        %get3A_889 = tpu.vector_load %arg7[%get3A_887, %get3A_888] {strides = array<i32>} : memref<32x768xf32, #tpu.memory_space<vmem>>, vector<16xf32>,
        %get3A_890 = arith.index_cast %add3A_377 : i32 to index
        %get3A_891 = arith.constant 672 : index
        %get3A_892 = tpu.vector_load %arg8[%get3A_890, %get3A_891] {strides = array<i32>} : memref<32x768xf32, #tpu.memory_space<vmem>>, vector<16xf32>,
        %mul3A_893 = arith.mulf %get3A_889, %get3A_892 : vector<16xf32>
        %add3A_894 = arith.addf %add3A_882, %mul3A_893 : vector<16xf32>
        %mul3A_895 = arith.mulf %get3A_889, %get3A_889 : vector<16xf32>
        %add3A_896 = arith.addf %add3A_884, %mul3A_895 : vector<16xf32>
        %mul3A_897 = arith.mulf %get3A_892, %get3A_892 : vector<16xf32>
        %add3A_898 = arith.addf %add3A_886, %mul3A_897 : vector<16xf32>
        %get3A_899 = arith.index_cast %add3A_377 : i32 to index
        %get3A_900 = arith.constant 688 : index
        %get3A_901 = tpu.vector_load %arg7[%get3A_899, %get3A_900] {strides = array<i32>} : memref<32x768xf32, #tpu.memory_space<vmem>>, vector<16xf32>,
        %get3A_902 = arith.index_cast %add3A_377 : i32 to index
        %get3A_903 = arith.constant 688 : index
        %get3A_904 = tpu.vector_load %arg8[%get3A_902, %get3A_903] {strides = array<i32>} : memref<32x768xf32, #tpu.memory_space<vmem>>, vector<16xf32>,
        %mul3A_905 = arith.mulf %get3A_901, %get3A_904 : vector<16xf32>
        %add3A_906 = arith.addf %add3A_894, %mul3A_905 : vector<16xf32>
        %mul3A_907 = arith.mulf %get3A_901, %get3A_901 : vector<16xf32>
        %add3A_908 = arith.addf %add3A_896, %mul3A_907 : vector<16xf32>
        %mul3A_909 = arith.mulf %get3A_904, %get3A_904 : vector<16xf32>
        %add3A_910 = arith.addf %add3A_898, %mul3A_909 : vector<16xf32>
        %get3A_911 = arith.index_cast %add3A_377 : i32 to index
        %get3A_912 = arith.constant 704 : index
        %get3A_913 = tpu.vector_load %arg7[%get3A_911, %get3A_912] {strides = array<i32>} : memref<32x768xf32, #tpu.memory_space<vmem>>, vector<16xf32>,
        %get3A_914 = arith.index_cast %add3A_377 : i32 to index
        %get3A_915 = arith.constant 704 : index
        %get3A_916 = tpu.vector_load %arg8[%get3A_914, %get3A_915] {strides = array<i32>} : memref<32x768xf32, #tpu.memory_space<vmem>>, vector<16xf32>,
        %mul3A_917 = arith.mulf %get3A_913, %get3A_916 : vector<16xf32>
        %add3A_918 = arith.addf %add3A_906, %mul3A_917 : vector<16xf32>
        %mul3A_919 = arith.mulf %get3A_913, %get3A_913 : vector<16xf32>
        %add3A_920 = arith.addf %add3A_908, %mul3A_919 : vector<16xf32>
        %mul3A_921 = arith.mulf %get3A_916, %get3A_916 : vector<16xf32>
        %add3A_922 = arith.addf %add3A_910, %mul3A_921 : vector<16xf32>
        %get3A_923 = arith.index_cast %add3A_377 : i32 to index
        %get3A_924 = arith.constant 720 : index
        %get3A_925 = tpu.vector_load %arg7[%get3A_923, %get3A_924] {strides = array<i32>} : memref<32x768xf32, #tpu.memory_space<vmem>>, vector<16xf32>,
        %get3A_926 = arith.index_cast %add3A_377 : i32 to index
        %get3A_927 = arith.constant 720 : index
        %get3A_928 = tpu.vector_load %arg8[%get3A_926, %get3A_927] {strides = array<i32>} : memref<32x768xf32, #tpu.memory_space<vmem>>, vector<16xf32>,
        %mul3A_929 = arith.mulf %get3A_925, %get3A_928 : vector<16xf32>
        %add3A_930 = arith.addf %add3A_918, %mul3A_929 : vector<16xf32>
        %mul3A_931 = arith.mulf %get3A_925, %get3A_925 : vector<16xf32>
        %add3A_932 = arith.addf %add3A_920, %mul3A_931 : vector<16xf32>
        %mul3A_933 = arith.mulf %get3A_928, %get3A_928 : vector<16xf32>
        %add3A_934 = arith.addf %add3A_922, %mul3A_933 : vector<16xf32>
        %get3A_935 = arith.index_cast %add3A_377 : i32 to index
        %get3A_936 = arith.constant 736 : index
        %get3A_937 = tpu.vector_load %arg7[%get3A_935, %get3A_936] {strides = array<i32>} : memref<32x768xf32, #tpu.memory_space<vmem>>, vector<16xf32>,
        %get3A_938 = arith.index_cast %add3A_377 : i32 to index
        %get3A_939 = arith.constant 736 : index
        %get3A_940 = tpu.vector_load %arg8[%get3A_938, %get3A_939] {strides = array<i32>} : memref<32x768xf32, #tpu.memory_space<vmem>>, vector<16xf32>,
        %mul3A_941 = arith.mulf %get3A_937, %get3A_940 : vector<16xf32>
        %add3A_942 = arith.addf %add3A_930, %mul3A_941 : vector<16xf32>
        %mul3A_943 = arith.mulf %get3A_937, %get3A_937 : vector<16xf32>
        %add3A_944 = arith.addf %add3A_932, %mul3A_943 : vector<16xf32>
        %mul3A_945 = arith.mulf %get3A_940, %get3A_940 : vector<16xf32>
        %add3A_946 = arith.addf %add3A_934, %mul3A_945 : vector<16xf32>
        %get3A_947 = arith.index_cast %add3A_377 : i32 to index
        %get3A_948 = arith.constant 752 : index
        %get3A_949 = tpu.vector_load %arg7[%get3A_947, %get3A_948] {strides = array<i32>} : memref<32x768xf32, #tpu.memory_space<vmem>>, vector<16xf32>,
        %get3A_950 = arith.index_cast %add3A_377 : i32 to index
        %get3A_951 = arith.constant 752 : index
        %get3A_952 = tpu.vector_load %arg8[%get3A_950, %get3A_951] {strides = array<i32>} : memref<32x768xf32, #tpu.memory_space<vmem>>, vector<16xf32>,
        %mul3A_953 = arith.mulf %get3A_949, %get3A_952 : vector<16xf32>
        %add3A_954 = arith.addf %add3A_942, %mul3A_953 : vector<16xf32>
        %mul3A_955 = arith.mulf %get3A_949, %get3A_949 : vector<16xf32>
        %add3A_956 = arith.addf %add3A_944, %mul3A_955 : vector<16xf32>
        %mul3A_957 = arith.mulf %get3A_952, %get3A_952 : vector<16xf32>
        %add3A_958 = arith.addf %add3A_946, %mul3A_957 : vector<16xf32>
        %mul3A_959 = arith.constant 17 : i32
        %mul3A_960 = vector.broadcast %mul3A_959 : i32 to vector<16xi32>
        %mul3A_961 = arith.muli %mul3A_960, %iota3A : vector<16xi32>
        %add3A_962 = vector.broadcast %scan3A_375 : i32 to vector<16xi32>
        %add3A_963 = arith.addi %mul3A_961, %add3A_962 : vector<16xi32>
        tpu.vector_store_idx %arg10[%add3A_963], %add3A_954 : memref<272xf32, #tpu.memory_space<vmem>>[vector<16xi32>], vector<16xf32>,
        tpu.vector_store_idx %arg11[%add3A_963], %add3A_956 : memref<272xf32, #tpu.memory_space<vmem>>[vector<16xi32>], vector<16xf32>,
        tpu.vector_store_idx %arg12[%add3A_963], %add3A_958 : memref<272xf32, #tpu.memory_space<vmem>>[vector<16xi32>], vector<16xf32>,
        %scan3A_964 = arith.constant 1 : i32
        %scan3A_965 = arith.addi %scan3A_375, %scan3A_964 : i32
        %add3A_966 = arith.constant 16 : i32
        %add3A_967 = arith.addi %add3A_966, %scan3A_965 : i32
        %broadcast_in_dim3A_968 = arith.constant 0.000000e+00 : f32
        %broadcast_in_dim3A_969 = vector.broadcast %broadcast_in_dim3A_968 : f32 to vector<16xf32>
        %broadcast_in_dim3A_970 = arith.constant 0.000000e+00 : f32
        %broadcast_in_dim3A_971 = vector.broadcast %broadcast_in_dim3A_970 : f32 to vector<16xf32>
        %broadcast_in_dim3A_972 = arith.constant 0.000000e+00 : f32
        %broadcast_in_dim3A_973 = vector.broadcast %broadcast_in_dim3A_972 : f32 to vector<16xf32>
        %get3A_974 = arith.index_cast %add3A_967 : i32 to index
        %get3A_975 = arith.constant 0 : index
        %get3A_976 = tpu.vector_load %arg7[%get3A_974, %get3A_975] {strides = array<i32>} : memref<32x768xf32, #tpu.memory_space<vmem>>, vector<16xf32>,
        %get3A_977 = arith.index_cast %add3A_967 : i32 to index
        %get3A_978 = arith.constant 0 : index
        %get3A_979 = tpu.vector_load %arg8[%get3A_977, %get3A_978] {strides = array<i32>} : memref<32x768xf32, #tpu.memory_space<vmem>>, vector<16xf32>,
        %mul3A_980 = arith.mulf %get3A_976, %get3A_979 : vector<16xf32>
        %add3A_981 = arith.addf %broadcast_in_dim3A_969, %mul3A_980 : vector<16xf32>
        %mul3A_982 = arith.mulf %get3A_976, %get3A_976 : vector<16xf32>
        %add3A_983 = arith.addf %broadcast_in_dim3A_971, %mul3A_982 : vector<16xf32>
        %mul3A_984 = arith.mulf %get3A_979, %get3A_979 : vector<16xf32>
        %add3A_985 = arith.addf %broadcast_in_dim3A_973, %mul3A_984 : vector<16xf32>
        %get3A_986 = arith.index_cast %add3A_967 : i32 to index
        %get3A_987 = arith.constant 16 : index
        %get3A_988 = tpu.vector_load %arg7[%get3A_986, %get3A_987] {strides = array<i32>} : memref<32x768xf32, #tpu.memory_space<vmem>>, vector<16xf32>,
        %get3A_989 = arith.index_cast %add3A_967 : i32 to index
        %get3A_990 = arith.constant 16 : index
        %get3A_991 = tpu.vector_load %arg8[%get3A_989, %get3A_990] {strides = array<i32>} : memref<32x768xf32, #tpu.memory_space<vmem>>, vector<16xf32>,
        %mul3A_992 = arith.mulf %get3A_988, %get3A_991 : vector<16xf32>
        %add3A_993 = arith.addf %add3A_981, %mul3A_992 : vector<16xf32>
        %mul3A_994 = arith.mulf %get3A_988, %get3A_988 : vector<16xf32>
        %add3A_995 = arith.addf %add3A_983, %mul3A_994 : vector<16xf32>
        %mul3A_996 = arith.mulf %get3A_991, %get3A_991 : vector<16xf32>
        %add3A_997 = arith.addf %add3A_985, %mul3A_996 : vector<16xf32>
        %get3A_998 = arith.index_cast %add3A_967 : i32 to index
        %get3A_999 = arith.constant 32 : index
        %get3A_1000 = tpu.vector_load %arg7[%get3A_998, %get3A_999] {strides = array<i32>} : memref<32x768xf32, #tpu.memory_space<vmem>>, vector<16xf32>,
        %get3A_1001 = arith.index_cast %add3A_967 : i32 to index
        %get3A_1002 = arith.constant 32 : index
        %get3A_1003 = tpu.vector_load %arg8[%get3A_1001, %get3A_1002] {strides = array<i32>} : memref<32x768xf32, #tpu.memory_space<vmem>>, vector<16xf32>,
        %mul3A_1004 = arith.mulf %get3A_1000, %get3A_1003 : vector<16xf32>
        %add3A_1005 = arith.addf %add3A_993, %mul3A_1004 : vector<16xf32>
        %mul3A_1006 = arith.mulf %get3A_1000, %get3A_1000 : vector<16xf32>
        %add3A_1007 = arith.addf %add3A_995, %mul3A_1006 : vector<16xf32>
        %mul3A_1008 = arith.mulf %get3A_1003, %get3A_1003 : vector<16xf32>
        %add3A_1009 = arith.addf %add3A_997, %mul3A_1008 : vector<16xf32>
        %get3A_1010 = arith.index_cast %add3A_967 : i32 to index
        %get3A_1011 = arith.constant 48 : index
        %get3A_1012 = tpu.vector_load %arg7[%get3A_1010, %get3A_1011] {strides = array<i32>} : memref<32x768xf32, #tpu.memory_space<vmem>>, vector<16xf32>,
        %get3A_1013 = arith.index_cast %add3A_967 : i32 to index
        %get3A_1014 = arith.constant 48 : index
        %get3A_1015 = tpu.vector_load %arg8[%get3A_1013, %get3A_1014] {strides = array<i32>} : memref<32x768xf32, #tpu.memory_space<vmem>>, vector<16xf32>,
        %mul3A_1016 = arith.mulf %get3A_1012, %get3A_1015 : vector<16xf32>
        %add3A_1017 = arith.addf %add3A_1005, %mul3A_1016 : vector<16xf32>
        %mul3A_1018 = arith.mulf %get3A_1012, %get3A_1012 : vector<16xf32>
        %add3A_1019 = arith.addf %add3A_1007, %mul3A_1018 : vector<16xf32>
        %mul3A_1020 = arith.mulf %get3A_1015, %get3A_1015 : vector<16xf32>
        %add3A_1021 = arith.addf %add3A_1009, %mul3A_1020 : vector<16xf32>
        %get3A_1022 = arith.index_cast %add3A_967 : i32 to index
        %get3A_1023 = arith.constant 64 : index
        %get3A_1024 = tpu.vector_load %arg7[%get3A_1022, %get3A_1023] {strides = array<i32>} : memref<32x768xf32, #tpu.memory_space<vmem>>, vector<16xf32>,
        %get3A_1025 = arith.index_cast %add3A_967 : i32 to index
        %get3A_1026 = arith.constant 64 : index
        %get3A_1027 = tpu.vector_load %arg8[%get3A_1025, %get3A_1026] {strides = array<i32>} : memref<32x768xf32, #tpu.memory_space<vmem>>, vector<16xf32>,
        %mul3A_1028 = arith.mulf %get3A_1024, %get3A_1027 : vector<16xf32>
        %add3A_1029 = arith.addf %add3A_1017, %mul3A_1028 : vector<16xf32>
        %mul3A_1030 = arith.mulf %get3A_1024, %get3A_1024 : vector<16xf32>
        %add3A_1031 = arith.addf %add3A_1019, %mul3A_1030 : vector<16xf32>
        %mul3A_1032 = arith.mulf %get3A_1027, %get3A_1027 : vector<16xf32>
        %add3A_1033 = arith.addf %add3A_1021, %mul3A_1032 : vector<16xf32>
        %get3A_1034 = arith.index_cast %add3A_967 : i32 to index
        %get3A_1035 = arith.constant 80 : index
        %get3A_1036 = tpu.vector_load %arg7[%get3A_1034, %get3A_1035] {strides = array<i32>} : memref<32x768xf32, #tpu.memory_space<vmem>>, vector<16xf32>,
        %get3A_1037 = arith.index_cast %add3A_967 : i32 to index
        %get3A_1038 = arith.constant 80 : index
        %get3A_1039 = tpu.vector_load %arg8[%get3A_1037, %get3A_1038] {strides = array<i32>} : memref<32x768xf32, #tpu.memory_space<vmem>>, vector<16xf32>,
        %mul3A_1040 = arith.mulf %get3A_1036, %get3A_1039 : vector<16xf32>
        %add3A_1041 = arith.addf %add3A_1029, %mul3A_1040 : vector<16xf32>
        %mul3A_1042 = arith.mulf %get3A_1036, %get3A_1036 : vector<16xf32>
        %add3A_1043 = arith.addf %add3A_1031, %mul3A_1042 : vector<16xf32>
        %mul3A_1044 = arith.mulf %get3A_1039, %get3A_1039 : vector<16xf32>
        %add3A_1045 = arith.addf %add3A_1033, %mul3A_1044 : vector<16xf32>
        %get3A_1046 = arith.index_cast %add3A_967 : i32 to index
        %get3A_1047 = arith.constant 96 : index
        %get3A_1048 = tpu.vector_load %arg7[%get3A_1046, %get3A_1047] {strides = array<i32>} : memref<32x768xf32, #tpu.memory_space<vmem>>, vector<16xf32>,
        %get3A_1049 = arith.index_cast %add3A_967 : i32 to index
        %get3A_1050 = arith.constant 96 : index
        %get3A_1051 = tpu.vector_load %arg8[%get3A_1049, %get3A_1050] {strides = array<i32>} : memref<32x768xf32, #tpu.memory_space<vmem>>, vector<16xf32>,
        %mul3A_1052 = arith.mulf %get3A_1048, %get3A_1051 : vector<16xf32>
        %add3A_1053 = arith.addf %add3A_1041, %mul3A_1052 : vector<16xf32>
        %mul3A_1054 = arith.mulf %get3A_1048, %get3A_1048 : vector<16xf32>
        %add3A_1055 = arith.addf %add3A_1043, %mul3A_1054 : vector<16xf32>
        %mul3A_1056 = arith.mulf %get3A_1051, %get3A_1051 : vector<16xf32>
        %add3A_1057 = arith.addf %add3A_1045, %mul3A_1056 : vector<16xf32>
        %get3A_1058 = arith.index_cast %add3A_967 : i32 to index
        %get3A_1059 = arith.constant 112 : index
        %get3A_1060 = tpu.vector_load %arg7[%get3A_1058, %get3A_1059] {strides = array<i32>} : memref<32x768xf32, #tpu.memory_space<vmem>>, vector<16xf32>,
        %get3A_1061 = arith.index_cast %add3A_967 : i32 to index
        %get3A_1062 = arith.constant 112 : index
        %get3A_1063 = tpu.vector_load %arg8[%get3A_1061, %get3A_1062] {strides = array<i32>} : memref<32x768xf32, #tpu.memory_space<vmem>>, vector<16xf32>,
        %mul3A_1064 = arith.mulf %get3A_1060, %get3A_1063 : vector<16xf32>
        %add3A_1065 = arith.addf %add3A_1053, %mul3A_1064 : vector<16xf32>
        %mul3A_1066 = arith.mulf %get3A_1060, %get3A_1060 : vector<16xf32>
        %add3A_1067 = arith.addf %add3A_1055, %mul3A_1066 : vector<16xf32>
        %mul3A_1068 = arith.mulf %get3A_1063, %get3A_1063 : vector<16xf32>
        %add3A_1069 = arith.addf %add3A_1057, %mul3A_1068 : vector<16xf32>
        %get3A_1070 = arith.index_cast %add3A_967 : i32 to index
        %get3A_1071 = arith.constant 128 : index
        %get3A_1072 = tpu.vector_load %arg7[%get3A_1070, %get3A_1071] {strides = array<i32>} : memref<32x768xf32, #tpu.memory_space<vmem>>, vector<16xf32>,
        %get3A_1073 = arith.index_cast %add3A_967 : i32 to index
        %get3A_1074 = arith.constant 128 : index
        %get3A_1075 = tpu.vector_load %arg8[%get3A_1073, %get3A_1074] {strides = array<i32>} : memref<32x768xf32, #tpu.memory_space<vmem>>, vector<16xf32>,
        %mul3A_1076 = arith.mulf %get3A_1072, %get3A_1075 : vector<16xf32>
        %add3A_1077 = arith.addf %add3A_1065, %mul3A_1076 : vector<16xf32>
        %mul3A_1078 = arith.mulf %get3A_1072, %get3A_1072 : vector<16xf32>
        %add3A_1079 = arith.addf %add3A_1067, %mul3A_1078 : vector<16xf32>
        %mul3A_1080 = arith.mulf %get3A_1075, %get3A_1075 : vector<16xf32>
        %add3A_1081 = arith.addf %add3A_1069, %mul3A_1080 : vector<16xf32>
        %get3A_1082 = arith.index_cast %add3A_967 : i32 to index
        %get3A_1083 = arith.constant 144 : index
        %get3A_1084 = tpu.vector_load %arg7[%get3A_1082, %get3A_1083] {strides = array<i32>} : memref<32x768xf32, #tpu.memory_space<vmem>>, vector<16xf32>,
        %get3A_1085 = arith.index_cast %add3A_967 : i32 to index
        %get3A_1086 = arith.constant 144 : index
        %get3A_1087 = tpu.vector_load %arg8[%get3A_1085, %get3A_1086] {strides = array<i32>} : memref<32x768xf32, #tpu.memory_space<vmem>>, vector<16xf32>,
        %mul3A_1088 = arith.mulf %get3A_1084, %get3A_1087 : vector<16xf32>
        %add3A_1089 = arith.addf %add3A_1077, %mul3A_1088 : vector<16xf32>
        %mul3A_1090 = arith.mulf %get3A_1084, %get3A_1084 : vector<16xf32>
        %add3A_1091 = arith.addf %add3A_1079, %mul3A_1090 : vector<16xf32>
        %mul3A_1092 = arith.mulf %get3A_1087, %get3A_1087 : vector<16xf32>
        %add3A_1093 = arith.addf %add3A_1081, %mul3A_1092 : vector<16xf32>
        %get3A_1094 = arith.index_cast %add3A_967 : i32 to index
        %get3A_1095 = arith.constant 160 : index
        %get3A_1096 = tpu.vector_load %arg7[%get3A_1094, %get3A_1095] {strides = array<i32>} : memref<32x768xf32, #tpu.memory_space<vmem>>, vector<16xf32>,
        %get3A_1097 = arith.index_cast %add3A_967 : i32 to index
        %get3A_1098 = arith.constant 160 : index
        %get3A_1099 = tpu.vector_load %arg8[%get3A_1097, %get3A_1098] {strides = array<i32>} : memref<32x768xf32, #tpu.memory_space<vmem>>, vector<16xf32>,
        %mul3A_1100 = arith.mulf %get3A_1096, %get3A_1099 : vector<16xf32>
        %add3A_1101 = arith.addf %add3A_1089, %mul3A_1100 : vector<16xf32>
        %mul3A_1102 = arith.mulf %get3A_1096, %get3A_1096 : vector<16xf32>
        %add3A_1103 = arith.addf %add3A_1091, %mul3A_1102 : vector<16xf32>
        %mul3A_1104 = arith.mulf %get3A_1099, %get3A_1099 : vector<16xf32>
        %add3A_1105 = arith.addf %add3A_1093, %mul3A_1104 : vector<16xf32>
        %get3A_1106 = arith.index_cast %add3A_967 : i32 to index
        %get3A_1107 = arith.constant 176 : index
        %get3A_1108 = tpu.vector_load %arg7[%get3A_1106, %get3A_1107] {strides = array<i32>} : memref<32x768xf32, #tpu.memory_space<vmem>>, vector<16xf32>,
        %get3A_1109 = arith.index_cast %add3A_967 : i32 to index
        %get3A_1110 = arith.constant 176 : index
        %get3A_1111 = tpu.vector_load %arg8[%get3A_1109, %get3A_1110] {strides = array<i32>} : memref<32x768xf32, #tpu.memory_space<vmem>>, vector<16xf32>,
        %mul3A_1112 = arith.mulf %get3A_1108, %get3A_1111 : vector<16xf32>
        %add3A_1113 = arith.addf %add3A_1101, %mul3A_1112 : vector<16xf32>
        %mul3A_1114 = arith.mulf %get3A_1108, %get3A_1108 : vector<16xf32>
        %add3A_1115 = arith.addf %add3A_1103, %mul3A_1114 : vector<16xf32>
        %mul3A_1116 = arith.mulf %get3A_1111, %get3A_1111 : vector<16xf32>
        %add3A_1117 = arith.addf %add3A_1105, %mul3A_1116 : vector<16xf32>
        %get3A_1118 = arith.index_cast %add3A_967 : i32 to index
        %get3A_1119 = arith.constant 192 : index
        %get3A_1120 = tpu.vector_load %arg7[%get3A_1118, %get3A_1119] {strides = array<i32>} : memref<32x768xf32, #tpu.memory_space<vmem>>, vector<16xf32>,
        %get3A_1121 = arith.index_cast %add3A_967 : i32 to index
        %get3A_1122 = arith.constant 192 : index
        %get3A_1123 = tpu.vector_load %arg8[%get3A_1121, %get3A_1122] {strides = array<i32>} : memref<32x768xf32, #tpu.memory_space<vmem>>, vector<16xf32>,
        %mul3A_1124 = arith.mulf %get3A_1120, %get3A_1123 : vector<16xf32>
        %add3A_1125 = arith.addf %add3A_1113, %mul3A_1124 : vector<16xf32>
        %mul3A_1126 = arith.mulf %get3A_1120, %get3A_1120 : vector<16xf32>
        %add3A_1127 = arith.addf %add3A_1115, %mul3A_1126 : vector<16xf32>
        %mul3A_1128 = arith.mulf %get3A_1123, %get3A_1123 : vector<16xf32>
        %add3A_1129 = arith.addf %add3A_1117, %mul3A_1128 : vector<16xf32>
        %get3A_1130 = arith.index_cast %add3A_967 : i32 to index
        %get3A_1131 = arith.constant 208 : index
        %get3A_1132 = tpu.vector_load %arg7[%get3A_1130, %get3A_1131] {strides = array<i32>} : memref<32x768xf32, #tpu.memory_space<vmem>>, vector<16xf32>,
        %get3A_1133 = arith.index_cast %add3A_967 : i32 to index
        %get3A_1134 = arith.constant 208 : index
        %get3A_1135 = tpu.vector_load %arg8[%get3A_1133, %get3A_1134] {strides = array<i32>} : memref<32x768xf32, #tpu.memory_space<vmem>>, vector<16xf32>,
        %mul3A_1136 = arith.mulf %get3A_1132, %get3A_1135 : vector<16xf32>
        %add3A_1137 = arith.addf %add3A_1125, %mul3A_1136 : vector<16xf32>
        %mul3A_1138 = arith.mulf %get3A_1132, %get3A_1132 : vector<16xf32>
        %add3A_1139 = arith.addf %add3A_1127, %mul3A_1138 : vector<16xf32>
        %mul3A_1140 = arith.mulf %get3A_1135, %get3A_1135 : vector<16xf32>
        %add3A_1141 = arith.addf %add3A_1129, %mul3A_1140 : vector<16xf32>
        %get3A_1142 = arith.index_cast %add3A_967 : i32 to index
        %get3A_1143 = arith.constant 224 : index
        %get3A_1144 = tpu.vector_load %arg7[%get3A_1142, %get3A_1143] {strides = array<i32>} : memref<32x768xf32, #tpu.memory_space<vmem>>, vector<16xf32>,
        %get3A_1145 = arith.index_cast %add3A_967 : i32 to index
        %get3A_1146 = arith.constant 224 : index
        %get3A_1147 = tpu.vector_load %arg8[%get3A_1145, %get3A_1146] {strides = array<i32>} : memref<32x768xf32, #tpu.memory_space<vmem>>, vector<16xf32>,
        %mul3A_1148 = arith.mulf %get3A_1144, %get3A_1147 : vector<16xf32>
        %add3A_1149 = arith.addf %add3A_1137, %mul3A_1148 : vector<16xf32>
        %mul3A_1150 = arith.mulf %get3A_1144, %get3A_1144 : vector<16xf32>
        %add3A_1151 = arith.addf %add3A_1139, %mul3A_1150 : vector<16xf32>
        %mul3A_1152 = arith.mulf %get3A_1147, %get3A_1147 : vector<16xf32>
        %add3A_1153 = arith.addf %add3A_1141, %mul3A_1152 : vector<16xf32>
        %get3A_1154 = arith.index_cast %add3A_967 : i32 to index
        %get3A_1155 = arith.constant 240 : index
        %get3A_1156 = tpu.vector_load %arg7[%get3A_1154, %get3A_1155] {strides = array<i32>} : memref<32x768xf32, #tpu.memory_space<vmem>>, vector<16xf32>,
        %get3A_1157 = arith.index_cast %add3A_967 : i32 to index
        %get3A_1158 = arith.constant 240 : index
        %get3A_1159 = tpu.vector_load %arg8[%get3A_1157, %get3A_1158] {strides = array<i32>} : memref<32x768xf32, #tpu.memory_space<vmem>>, vector<16xf32>,
        %mul3A_1160 = arith.mulf %get3A_1156, %get3A_1159 : vector<16xf32>
        %add3A_1161 = arith.addf %add3A_1149, %mul3A_1160 : vector<16xf32>
        %mul3A_1162 = arith.mulf %get3A_1156, %get3A_1156 : vector<16xf32>
        %add3A_1163 = arith.addf %add3A_1151, %mul3A_1162 : vector<16xf32>
        %mul3A_1164 = arith.mulf %get3A_1159, %get3A_1159 : vector<16xf32>
        %add3A_1165 = arith.addf %add3A_1153, %mul3A_1164 : vector<16xf32>
        %get3A_1166 = arith.index_cast %add3A_967 : i32 to index
        %get3A_1167 = arith.constant 256 : index
        %get3A_1168 = tpu.vector_load %arg7[%get3A_1166, %get3A_1167] {strides = array<i32>} : memref<32x768xf32, #tpu.memory_space<vmem>>, vector<16xf32>,
        %get3A_1169 = arith.index_cast %add3A_967 : i32 to index
        %get3A_1170 = arith.constant 256 : index
        %get3A_1171 = tpu.vector_load %arg8[%get3A_1169, %get3A_1170] {strides = array<i32>} : memref<32x768xf32, #tpu.memory_space<vmem>>, vector<16xf32>,
        %mul3A_1172 = arith.mulf %get3A_1168, %get3A_1171 : vector<16xf32>
        %add3A_1173 = arith.addf %add3A_1161, %mul3A_1172 : vector<16xf32>
        %mul3A_1174 = arith.mulf %get3A_1168, %get3A_1168 : vector<16xf32>
        %add3A_1175 = arith.addf %add3A_1163, %mul3A_1174 : vector<16xf32>
        %mul3A_1176 = arith.mulf %get3A_1171, %get3A_1171 : vector<16xf32>
        %add3A_1177 = arith.addf %add3A_1165, %mul3A_1176 : vector<16xf32>
        %get3A_1178 = arith.index_cast %add3A_967 : i32 to index
        %get3A_1179 = arith.constant 272 : index
        %get3A_1180 = tpu.vector_load %arg7[%get3A_1178, %get3A_1179] {strides = array<i32>} : memref<32x768xf32, #tpu.memory_space<vmem>>, vector<16xf32>,
        %get3A_1181 = arith.index_cast %add3A_967 : i32 to index
        %get3A_1182 = arith.constant 272 : index
        %get3A_1183 = tpu.vector_load %arg8[%get3A_1181, %get3A_1182] {strides = array<i32>} : memref<32x768xf32, #tpu.memory_space<vmem>>, vector<16xf32>,
        %mul3A_1184 = arith.mulf %get3A_1180, %get3A_1183 : vector<16xf32>
        %add3A_1185 = arith.addf %add3A_1173, %mul3A_1184 : vector<16xf32>
        %mul3A_1186 = arith.mulf %get3A_1180, %get3A_1180 : vector<16xf32>
        %add3A_1187 = arith.addf %add3A_1175, %mul3A_1186 : vector<16xf32>
        %mul3A_1188 = arith.mulf %get3A_1183, %get3A_1183 : vector<16xf32>
        %add3A_1189 = arith.addf %add3A_1177, %mul3A_1188 : vector<16xf32>
        %get3A_1190 = arith.index_cast %add3A_967 : i32 to index
        %get3A_1191 = arith.constant 288 : index
        %get3A_1192 = tpu.vector_load %arg7[%get3A_1190, %get3A_1191] {strides = array<i32>} : memref<32x768xf32, #tpu.memory_space<vmem>>, vector<16xf32>,
        %get3A_1193 = arith.index_cast %add3A_967 : i32 to index
        %get3A_1194 = arith.constant 288 : index
        %get3A_1195 = tpu.vector_load %arg8[%get3A_1193, %get3A_1194] {strides = array<i32>} : memref<32x768xf32, #tpu.memory_space<vmem>>, vector<16xf32>,
        %mul3A_1196 = arith.mulf %get3A_1192, %get3A_1195 : vector<16xf32>
        %add3A_1197 = arith.addf %add3A_1185, %mul3A_1196 : vector<16xf32>
        %mul3A_1198 = arith.mulf %get3A_1192, %get3A_1192 : vector<16xf32>
        %add3A_1199 = arith.addf %add3A_1187, %mul3A_1198 : vector<16xf32>
        %mul3A_1200 = arith.mulf %get3A_1195, %get3A_1195 : vector<16xf32>
        %add3A_1201 = arith.addf %add3A_1189, %mul3A_1200 : vector<16xf32>
        %get3A_1202 = arith.index_cast %add3A_967 : i32 to index
        %get3A_1203 = arith.constant 304 : index
        %get3A_1204 = tpu.vector_load %arg7[%get3A_1202, %get3A_1203] {strides = array<i32>} : memref<32x768xf32, #tpu.memory_space<vmem>>, vector<16xf32>,
        %get3A_1205 = arith.index_cast %add3A_967 : i32 to index
        %get3A_1206 = arith.constant 304 : index
        %get3A_1207 = tpu.vector_load %arg8[%get3A_1205, %get3A_1206] {strides = array<i32>} : memref<32x768xf32, #tpu.memory_space<vmem>>, vector<16xf32>,
        %mul3A_1208 = arith.mulf %get3A_1204, %get3A_1207 : vector<16xf32>
        %add3A_1209 = arith.addf %add3A_1197, %mul3A_1208 : vector<16xf32>
        %mul3A_1210 = arith.mulf %get3A_1204, %get3A_1204 : vector<16xf32>
        %add3A_1211 = arith.addf %add3A_1199, %mul3A_1210 : vector<16xf32>
        %mul3A_1212 = arith.mulf %get3A_1207, %get3A_1207 : vector<16xf32>
        %add3A_1213 = arith.addf %add3A_1201, %mul3A_1212 : vector<16xf32>
        %get3A_1214 = arith.index_cast %add3A_967 : i32 to index
        %get3A_1215 = arith.constant 320 : index
        %get3A_1216 = tpu.vector_load %arg7[%get3A_1214, %get3A_1215] {strides = array<i32>} : memref<32x768xf32, #tpu.memory_space<vmem>>, vector<16xf32>,
        %get3A_1217 = arith.index_cast %add3A_967 : i32 to index
        %get3A_1218 = arith.constant 320 : index
        %get3A_1219 = tpu.vector_load %arg8[%get3A_1217, %get3A_1218] {strides = array<i32>} : memref<32x768xf32, #tpu.memory_space<vmem>>, vector<16xf32>,
        %mul3A_1220 = arith.mulf %get3A_1216, %get3A_1219 : vector<16xf32>
        %add3A_1221 = arith.addf %add3A_1209, %mul3A_1220 : vector<16xf32>
        %mul3A_1222 = arith.mulf %get3A_1216, %get3A_1216 : vector<16xf32>
        %add3A_1223 = arith.addf %add3A_1211, %mul3A_1222 : vector<16xf32>
        %mul3A_1224 = arith.mulf %get3A_1219, %get3A_1219 : vector<16xf32>
        %add3A_1225 = arith.addf %add3A_1213, %mul3A_1224 : vector<16xf32>
        %get3A_1226 = arith.index_cast %add3A_967 : i32 to index
        %get3A_1227 = arith.constant 336 : index
        %get3A_1228 = tpu.vector_load %arg7[%get3A_1226, %get3A_1227] {strides = array<i32>} : memref<32x768xf32, #tpu.memory_space<vmem>>, vector<16xf32>,
        %get3A_1229 = arith.index_cast %add3A_967 : i32 to index
        %get3A_1230 = arith.constant 336 : index
        %get3A_1231 = tpu.vector_load %arg8[%get3A_1229, %get3A_1230] {strides = array<i32>} : memref<32x768xf32, #tpu.memory_space<vmem>>, vector<16xf32>,
        %mul3A_1232 = arith.mulf %get3A_1228, %get3A_1231 : vector<16xf32>
        %add3A_1233 = arith.addf %add3A_1221, %mul3A_1232 : vector<16xf32>
        %mul3A_1234 = arith.mulf %get3A_1228, %get3A_1228 : vector<16xf32>
        %add3A_1235 = arith.addf %add3A_1223, %mul3A_1234 : vector<16xf32>
        %mul3A_1236 = arith.mulf %get3A_1231, %get3A_1231 : vector<16xf32>
        %add3A_1237 = arith.addf %add3A_1225, %mul3A_1236 : vector<16xf32>
        %get3A_1238 = arith.index_cast %add3A_967 : i32 to index
        %get3A_1239 = arith.constant 352 : index
        %get3A_1240 = tpu.vector_load %arg7[%get3A_1238, %get3A_1239] {strides = array<i32>} : memref<32x768xf32, #tpu.memory_space<vmem>>, vector<16xf32>,
        %get3A_1241 = arith.index_cast %add3A_967 : i32 to index
        %get3A_1242 = arith.constant 352 : index
        %get3A_1243 = tpu.vector_load %arg8[%get3A_1241, %get3A_1242] {strides = array<i32>} : memref<32x768xf32, #tpu.memory_space<vmem>>, vector<16xf32>,
        %mul3A_1244 = arith.mulf %get3A_1240, %get3A_1243 : vector<16xf32>
        %add3A_1245 = arith.addf %add3A_1233, %mul3A_1244 : vector<16xf32>
        %mul3A_1246 = arith.mulf %get3A_1240, %get3A_1240 : vector<16xf32>
        %add3A_1247 = arith.addf %add3A_1235, %mul3A_1246 : vector<16xf32>
        %mul3A_1248 = arith.mulf %get3A_1243, %get3A_1243 : vector<16xf32>
        %add3A_1249 = arith.addf %add3A_1237, %mul3A_1248 : vector<16xf32>
        %get3A_1250 = arith.index_cast %add3A_967 : i32 to index
        %get3A_1251 = arith.constant 368 : index
        %get3A_1252 = tpu.vector_load %arg7[%get3A_1250, %get3A_1251] {strides = array<i32>} : memref<32x768xf32, #tpu.memory_space<vmem>>, vector<16xf32>,
        %get3A_1253 = arith.index_cast %add3A_967 : i32 to index
        %get3A_1254 = arith.constant 368 : index
        %get3A_1255 = tpu.vector_load %arg8[%get3A_1253, %get3A_1254] {strides = array<i32>} : memref<32x768xf32, #tpu.memory_space<vmem>>, vector<16xf32>,
        %mul3A_1256 = arith.mulf %get3A_1252, %get3A_1255 : vector<16xf32>
        %add3A_1257 = arith.addf %add3A_1245, %mul3A_1256 : vector<16xf32>
        %mul3A_1258 = arith.mulf %get3A_1252, %get3A_1252 : vector<16xf32>
        %add3A_1259 = arith.addf %add3A_1247, %mul3A_1258 : vector<16xf32>
        %mul3A_1260 = arith.mulf %get3A_1255, %get3A_1255 : vector<16xf32>
        %add3A_1261 = arith.addf %add3A_1249, %mul3A_1260 : vector<16xf32>
        %get3A_1262 = arith.index_cast %add3A_967 : i32 to index
        %get3A_1263 = arith.constant 384 : index
        %get3A_1264 = tpu.vector_load %arg7[%get3A_1262, %get3A_1263] {strides = array<i32>} : memref<32x768xf32, #tpu.memory_space<vmem>>, vector<16xf32>,
        %get3A_1265 = arith.index_cast %add3A_967 : i32 to index
        %get3A_1266 = arith.constant 384 : index
        %get3A_1267 = tpu.vector_load %arg8[%get3A_1265, %get3A_1266] {strides = array<i32>} : memref<32x768xf32, #tpu.memory_space<vmem>>, vector<16xf32>,
        %mul3A_1268 = arith.mulf %get3A_1264, %get3A_1267 : vector<16xf32>
        %add3A_1269 = arith.addf %add3A_1257, %mul3A_1268 : vector<16xf32>
        %mul3A_1270 = arith.mulf %get3A_1264, %get3A_1264 : vector<16xf32>
        %add3A_1271 = arith.addf %add3A_1259, %mul3A_1270 : vector<16xf32>
        %mul3A_1272 = arith.mulf %get3A_1267, %get3A_1267 : vector<16xf32>
        %add3A_1273 = arith.addf %add3A_1261, %mul3A_1272 : vector<16xf32>
        %get3A_1274 = arith.index_cast %add3A_967 : i32 to index
        %get3A_1275 = arith.constant 400 : index
        %get3A_1276 = tpu.vector_load %arg7[%get3A_1274, %get3A_1275] {strides = array<i32>} : memref<32x768xf32, #tpu.memory_space<vmem>>, vector<16xf32>,
        %get3A_1277 = arith.index_cast %add3A_967 : i32 to index
        %get3A_1278 = arith.constant 400 : index
        %get3A_1279 = tpu.vector_load %arg8[%get3A_1277, %get3A_1278] {strides = array<i32>} : memref<32x768xf32, #tpu.memory_space<vmem>>, vector<16xf32>,
        %mul3A_1280 = arith.mulf %get3A_1276, %get3A_1279 : vector<16xf32>
        %add3A_1281 = arith.addf %add3A_1269, %mul3A_1280 : vector<16xf32>
        %mul3A_1282 = arith.mulf %get3A_1276, %get3A_1276 : vector<16xf32>
        %add3A_1283 = arith.addf %add3A_1271, %mul3A_1282 : vector<16xf32>
        %mul3A_1284 = arith.mulf %get3A_1279, %get3A_1279 : vector<16xf32>
        %add3A_1285 = arith.addf %add3A_1273, %mul3A_1284 : vector<16xf32>
        %get3A_1286 = arith.index_cast %add3A_967 : i32 to index
        %get3A_1287 = arith.constant 416 : index
        %get3A_1288 = tpu.vector_load %arg7[%get3A_1286, %get3A_1287] {strides = array<i32>} : memref<32x768xf32, #tpu.memory_space<vmem>>, vector<16xf32>,
        %get3A_1289 = arith.index_cast %add3A_967 : i32 to index
        %get3A_1290 = arith.constant 416 : index
        %get3A_1291 = tpu.vector_load %arg8[%get3A_1289, %get3A_1290] {strides = array<i32>} : memref<32x768xf32, #tpu.memory_space<vmem>>, vector<16xf32>,
        %mul3A_1292 = arith.mulf %get3A_1288, %get3A_1291 : vector<16xf32>
        %add3A_1293 = arith.addf %add3A_1281, %mul3A_1292 : vector<16xf32>
        %mul3A_1294 = arith.mulf %get3A_1288, %get3A_1288 : vector<16xf32>
        %add3A_1295 = arith.addf %add3A_1283, %mul3A_1294 : vector<16xf32>
        %mul3A_1296 = arith.mulf %get3A_1291, %get3A_1291 : vector<16xf32>
        %add3A_1297 = arith.addf %add3A_1285, %mul3A_1296 : vector<16xf32>
        %get3A_1298 = arith.index_cast %add3A_967 : i32 to index
        %get3A_1299 = arith.constant 432 : index
        %get3A_1300 = tpu.vector_load %arg7[%get3A_1298, %get3A_1299] {strides = array<i32>} : memref<32x768xf32, #tpu.memory_space<vmem>>, vector<16xf32>,
        %get3A_1301 = arith.index_cast %add3A_967 : i32 to index
        %get3A_1302 = arith.constant 432 : index
        %get3A_1303 = tpu.vector_load %arg8[%get3A_1301, %get3A_1302] {strides = array<i32>} : memref<32x768xf32, #tpu.memory_space<vmem>>, vector<16xf32>,
        %mul3A_1304 = arith.mulf %get3A_1300, %get3A_1303 : vector<16xf32>
        %add3A_1305 = arith.addf %add3A_1293, %mul3A_1304 : vector<16xf32>
        %mul3A_1306 = arith.mulf %get3A_1300, %get3A_1300 : vector<16xf32>
        %add3A_1307 = arith.addf %add3A_1295, %mul3A_1306 : vector<16xf32>
        %mul3A_1308 = arith.mulf %get3A_1303, %get3A_1303 : vector<16xf32>
        %add3A_1309 = arith.addf %add3A_1297, %mul3A_1308 : vector<16xf32>
        %get3A_1310 = arith.index_cast %add3A_967 : i32 to index
        %get3A_1311 = arith.constant 448 : index
        %get3A_1312 = tpu.vector_load %arg7[%get3A_1310, %get3A_1311] {strides = array<i32>} : memref<32x768xf32, #tpu.memory_space<vmem>>, vector<16xf32>,
        %get3A_1313 = arith.index_cast %add3A_967 : i32 to index
        %get3A_1314 = arith.constant 448 : index
        %get3A_1315 = tpu.vector_load %arg8[%get3A_1313, %get3A_1314] {strides = array<i32>} : memref<32x768xf32, #tpu.memory_space<vmem>>, vector<16xf32>,
        %mul3A_1316 = arith.mulf %get3A_1312, %get3A_1315 : vector<16xf32>
        %add3A_1317 = arith.addf %add3A_1305, %mul3A_1316 : vector<16xf32>
        %mul3A_1318 = arith.mulf %get3A_1312, %get3A_1312 : vector<16xf32>
        %add3A_1319 = arith.addf %add3A_1307, %mul3A_1318 : vector<16xf32>
        %mul3A_1320 = arith.mulf %get3A_1315, %get3A_1315 : vector<16xf32>
        %add3A_1321 = arith.addf %add3A_1309, %mul3A_1320 : vector<16xf32>
        %get3A_1322 = arith.index_cast %add3A_967 : i32 to index
        %get3A_1323 = arith.constant 464 : index
        %get3A_1324 = tpu.vector_load %arg7[%get3A_1322, %get3A_1323] {strides = array<i32>} : memref<32x768xf32, #tpu.memory_space<vmem>>, vector<16xf32>,
        %get3A_1325 = arith.index_cast %add3A_967 : i32 to index
        %get3A_1326 = arith.constant 464 : index
        %get3A_1327 = tpu.vector_load %arg8[%get3A_1325, %get3A_1326] {strides = array<i32>} : memref<32x768xf32, #tpu.memory_space<vmem>>, vector<16xf32>,
        %mul3A_1328 = arith.mulf %get3A_1324, %get3A_1327 : vector<16xf32>
        %add3A_1329 = arith.addf %add3A_1317, %mul3A_1328 : vector<16xf32>
        %mul3A_1330 = arith.mulf %get3A_1324, %get3A_1324 : vector<16xf32>
        %add3A_1331 = arith.addf %add3A_1319, %mul3A_1330 : vector<16xf32>
        %mul3A_1332 = arith.mulf %get3A_1327, %get3A_1327 : vector<16xf32>
        %add3A_1333 = arith.addf %add3A_1321, %mul3A_1332 : vector<16xf32>
        %get3A_1334 = arith.index_cast %add3A_967 : i32 to index
        %get3A_1335 = arith.constant 480 : index
        %get3A_1336 = tpu.vector_load %arg7[%get3A_1334, %get3A_1335] {strides = array<i32>} : memref<32x768xf32, #tpu.memory_space<vmem>>, vector<16xf32>,
        %get3A_1337 = arith.index_cast %add3A_967 : i32 to index
        %get3A_1338 = arith.constant 480 : index
        %get3A_1339 = tpu.vector_load %arg8[%get3A_1337, %get3A_1338] {strides = array<i32>} : memref<32x768xf32, #tpu.memory_space<vmem>>, vector<16xf32>,
        %mul3A_1340 = arith.mulf %get3A_1336, %get3A_1339 : vector<16xf32>
        %add3A_1341 = arith.addf %add3A_1329, %mul3A_1340 : vector<16xf32>
        %mul3A_1342 = arith.mulf %get3A_1336, %get3A_1336 : vector<16xf32>
        %add3A_1343 = arith.addf %add3A_1331, %mul3A_1342 : vector<16xf32>
        %mul3A_1344 = arith.mulf %get3A_1339, %get3A_1339 : vector<16xf32>
        %add3A_1345 = arith.addf %add3A_1333, %mul3A_1344 : vector<16xf32>
        %get3A_1346 = arith.index_cast %add3A_967 : i32 to index
        %get3A_1347 = arith.constant 496 : index
        %get3A_1348 = tpu.vector_load %arg7[%get3A_1346, %get3A_1347] {strides = array<i32>} : memref<32x768xf32, #tpu.memory_space<vmem>>, vector<16xf32>,
        %get3A_1349 = arith.index_cast %add3A_967 : i32 to index
        %get3A_1350 = arith.constant 496 : index
        %get3A_1351 = tpu.vector_load %arg8[%get3A_1349, %get3A_1350] {strides = array<i32>} : memref<32x768xf32, #tpu.memory_space<vmem>>, vector<16xf32>,
        %mul3A_1352 = arith.mulf %get3A_1348, %get3A_1351 : vector<16xf32>
        %add3A_1353 = arith.addf %add3A_1341, %mul3A_1352 : vector<16xf32>
        %mul3A_1354 = arith.mulf %get3A_1348, %get3A_1348 : vector<16xf32>
        %add3A_1355 = arith.addf %add3A_1343, %mul3A_1354 : vector<16xf32>
        %mul3A_1356 = arith.mulf %get3A_1351, %get3A_1351 : vector<16xf32>
        %add3A_1357 = arith.addf %add3A_1345, %mul3A_1356 : vector<16xf32>
        %get3A_1358 = arith.index_cast %add3A_967 : i32 to index
        %get3A_1359 = arith.constant 512 : index
        %get3A_1360 = tpu.vector_load %arg7[%get3A_1358, %get3A_1359] {strides = array<i32>} : memref<32x768xf32, #tpu.memory_space<vmem>>, vector<16xf32>,
        %get3A_1361 = arith.index_cast %add3A_967 : i32 to index
        %get3A_1362 = arith.constant 512 : index
        %get3A_1363 = tpu.vector_load %arg8[%get3A_1361, %get3A_1362] {strides = array<i32>} : memref<32x768xf32, #tpu.memory_space<vmem>>, vector<16xf32>,
        %mul3A_1364 = arith.mulf %get3A_1360, %get3A_1363 : vector<16xf32>
        %add3A_1365 = arith.addf %add3A_1353, %mul3A_1364 : vector<16xf32>
        %mul3A_1366 = arith.mulf %get3A_1360, %get3A_1360 : vector<16xf32>
        %add3A_1367 = arith.addf %add3A_1355, %mul3A_1366 : vector<16xf32>
        %mul3A_1368 = arith.mulf %get3A_1363, %get3A_1363 : vector<16xf32>
        %add3A_1369 = arith.addf %add3A_1357, %mul3A_1368 : vector<16xf32>
        %get3A_1370 = arith.index_cast %add3A_967 : i32 to index
        %get3A_1371 = arith.constant 528 : index
        %get3A_1372 = tpu.vector_load %arg7[%get3A_1370, %get3A_1371] {strides = array<i32>} : memref<32x768xf32, #tpu.memory_space<vmem>>, vector<16xf32>,
        %get3A_1373 = arith.index_cast %add3A_967 : i32 to index
        %get3A_1374 = arith.constant 528 : index
        %get3A_1375 = tpu.vector_load %arg8[%get3A_1373, %get3A_1374] {strides = array<i32>} : memref<32x768xf32, #tpu.memory_space<vmem>>, vector<16xf32>,
        %mul3A_1376 = arith.mulf %get3A_1372, %get3A_1375 : vector<16xf32>
        %add3A_1377 = arith.addf %add3A_1365, %mul3A_1376 : vector<16xf32>
        %mul3A_1378 = arith.mulf %get3A_1372, %get3A_1372 : vector<16xf32>
        %add3A_1379 = arith.addf %add3A_1367, %mul3A_1378 : vector<16xf32>
        %mul3A_1380 = arith.mulf %get3A_1375, %get3A_1375 : vector<16xf32>
        %add3A_1381 = arith.addf %add3A_1369, %mul3A_1380 : vector<16xf32>
        %get3A_1382 = arith.index_cast %add3A_967 : i32 to index
        %get3A_1383 = arith.constant 544 : index
        %get3A_1384 = tpu.vector_load %arg7[%get3A_1382, %get3A_1383] {strides = array<i32>} : memref<32x768xf32, #tpu.memory_space<vmem>>, vector<16xf32>,
        %get3A_1385 = arith.index_cast %add3A_967 : i32 to index
        %get3A_1386 = arith.constant 544 : index
        %get3A_1387 = tpu.vector_load %arg8[%get3A_1385, %get3A_1386] {strides = array<i32>} : memref<32x768xf32, #tpu.memory_space<vmem>>, vector<16xf32>,
        %mul3A_1388 = arith.mulf %get3A_1384, %get3A_1387 : vector<16xf32>
        %add3A_1389 = arith.addf %add3A_1377, %mul3A_1388 : vector<16xf32>
        %mul3A_1390 = arith.mulf %get3A_1384, %get3A_1384 : vector<16xf32>
        %add3A_1391 = arith.addf %add3A_1379, %mul3A_1390 : vector<16xf32>
        %mul3A_1392 = arith.mulf %get3A_1387, %get3A_1387 : vector<16xf32>
        %add3A_1393 = arith.addf %add3A_1381, %mul3A_1392 : vector<16xf32>
        %get3A_1394 = arith.index_cast %add3A_967 : i32 to index
        %get3A_1395 = arith.constant 560 : index
        %get3A_1396 = tpu.vector_load %arg7[%get3A_1394, %get3A_1395] {strides = array<i32>} : memref<32x768xf32, #tpu.memory_space<vmem>>, vector<16xf32>,
        %get3A_1397 = arith.index_cast %add3A_967 : i32 to index
        %get3A_1398 = arith.constant 560 : index
        %get3A_1399 = tpu.vector_load %arg8[%get3A_1397, %get3A_1398] {strides = array<i32>} : memref<32x768xf32, #tpu.memory_space<vmem>>, vector<16xf32>,
        %mul3A_1400 = arith.mulf %get3A_1396, %get3A_1399 : vector<16xf32>
        %add3A_1401 = arith.addf %add3A_1389, %mul3A_1400 : vector<16xf32>
        %mul3A_1402 = arith.mulf %get3A_1396, %get3A_1396 : vector<16xf32>
        %add3A_1403 = arith.addf %add3A_1391, %mul3A_1402 : vector<16xf32>
        %mul3A_1404 = arith.mulf %get3A_1399, %get3A_1399 : vector<16xf32>
        %add3A_1405 = arith.addf %add3A_1393, %mul3A_1404 : vector<16xf32>
        %get3A_1406 = arith.index_cast %add3A_967 : i32 to index
        %get3A_1407 = arith.constant 576 : index
        %get3A_1408 = tpu.vector_load %arg7[%get3A_1406, %get3A_1407] {strides = array<i32>} : memref<32x768xf32, #tpu.memory_space<vmem>>, vector<16xf32>,
        %get3A_1409 = arith.index_cast %add3A_967 : i32 to index
        %get3A_1410 = arith.constant 576 : index
        %get3A_1411 = tpu.vector_load %arg8[%get3A_1409, %get3A_1410] {strides = array<i32>} : memref<32x768xf32, #tpu.memory_space<vmem>>, vector<16xf32>,
        %mul3A_1412 = arith.mulf %get3A_1408, %get3A_1411 : vector<16xf32>
        %add3A_1413 = arith.addf %add3A_1401, %mul3A_1412 : vector<16xf32>
        %mul3A_1414 = arith.mulf %get3A_1408, %get3A_1408 : vector<16xf32>
        %add3A_1415 = arith.addf %add3A_1403, %mul3A_1414 : vector<16xf32>
        %mul3A_1416 = arith.mulf %get3A_1411, %get3A_1411 : vector<16xf32>
        %add3A_1417 = arith.addf %add3A_1405, %mul3A_1416 : vector<16xf32>
        %get3A_1418 = arith.index_cast %add3A_967 : i32 to index
        %get3A_1419 = arith.constant 592 : index
        %get3A_1420 = tpu.vector_load %arg7[%get3A_1418, %get3A_1419] {strides = array<i32>} : memref<32x768xf32, #tpu.memory_space<vmem>>, vector<16xf32>,
        %get3A_1421 = arith.index_cast %add3A_967 : i32 to index
        %get3A_1422 = arith.constant 592 : index
        %get3A_1423 = tpu.vector_load %arg8[%get3A_1421, %get3A_1422] {strides = array<i32>} : memref<32x768xf32, #tpu.memory_space<vmem>>, vector<16xf32>,
        %mul3A_1424 = arith.mulf %get3A_1420, %get3A_1423 : vector<16xf32>
        %add3A_1425 = arith.addf %add3A_1413, %mul3A_1424 : vector<16xf32>
        %mul3A_1426 = arith.mulf %get3A_1420, %get3A_1420 : vector<16xf32>
        %add3A_1427 = arith.addf %add3A_1415, %mul3A_1426 : vector<16xf32>
        %mul3A_1428 = arith.mulf %get3A_1423, %get3A_1423 : vector<16xf32>
        %add3A_1429 = arith.addf %add3A_1417, %mul3A_1428 : vector<16xf32>
        %get3A_1430 = arith.index_cast %add3A_967 : i32 to index
        %get3A_1431 = arith.constant 608 : index
        %get3A_1432 = tpu.vector_load %arg7[%get3A_1430, %get3A_1431] {strides = array<i32>} : memref<32x768xf32, #tpu.memory_space<vmem>>, vector<16xf32>,
        %get3A_1433 = arith.index_cast %add3A_967 : i32 to index
        %get3A_1434 = arith.constant 608 : index
        %get3A_1435 = tpu.vector_load %arg8[%get3A_1433, %get3A_1434] {strides = array<i32>} : memref<32x768xf32, #tpu.memory_space<vmem>>, vector<16xf32>,
        %mul3A_1436 = arith.mulf %get3A_1432, %get3A_1435 : vector<16xf32>
        %add3A_1437 = arith.addf %add3A_1425, %mul3A_1436 : vector<16xf32>
        %mul3A_1438 = arith.mulf %get3A_1432, %get3A_1432 : vector<16xf32>
        %add3A_1439 = arith.addf %add3A_1427, %mul3A_1438 : vector<16xf32>
        %mul3A_1440 = arith.mulf %get3A_1435, %get3A_1435 : vector<16xf32>
        %add3A_1441 = arith.addf %add3A_1429, %mul3A_1440 : vector<16xf32>
        %get3A_1442 = arith.index_cast %add3A_967 : i32 to index
        %get3A_1443 = arith.constant 624 : index
        %get3A_1444 = tpu.vector_load %arg7[%get3A_1442, %get3A_1443] {strides = array<i32>} : memref<32x768xf32, #tpu.memory_space<vmem>>, vector<16xf32>,
        %get3A_1445 = arith.index_cast %add3A_967 : i32 to index
        %get3A_1446 = arith.constant 624 : index
        %get3A_1447 = tpu.vector_load %arg8[%get3A_1445, %get3A_1446] {strides = array<i32>} : memref<32x768xf32, #tpu.memory_space<vmem>>, vector<16xf32>,
        %mul3A_1448 = arith.mulf %get3A_1444, %get3A_1447 : vector<16xf32>
        %add3A_1449 = arith.addf %add3A_1437, %mul3A_1448 : vector<16xf32>
        %mul3A_1450 = arith.mulf %get3A_1444, %get3A_1444 : vector<16xf32>
        %add3A_1451 = arith.addf %add3A_1439, %mul3A_1450 : vector<16xf32>
        %mul3A_1452 = arith.mulf %get3A_1447, %get3A_1447 : vector<16xf32>
        %add3A_1453 = arith.addf %add3A_1441, %mul3A_1452 : vector<16xf32>
        %get3A_1454 = arith.index_cast %add3A_967 : i32 to index
        %get3A_1455 = arith.constant 640 : index
        %get3A_1456 = tpu.vector_load %arg7[%get3A_1454, %get3A_1455] {strides = array<i32>} : memref<32x768xf32, #tpu.memory_space<vmem>>, vector<16xf32>,
        %get3A_1457 = arith.index_cast %add3A_967 : i32 to index
        %get3A_1458 = arith.constant 640 : index
        %get3A_1459 = tpu.vector_load %arg8[%get3A_1457, %get3A_1458] {strides = array<i32>} : memref<32x768xf32, #tpu.memory_space<vmem>>, vector<16xf32>,
        %mul3A_1460 = arith.mulf %get3A_1456, %get3A_1459 : vector<16xf32>
        %add3A_1461 = arith.addf %add3A_1449, %mul3A_1460 : vector<16xf32>
        %mul3A_1462 = arith.mulf %get3A_1456, %get3A_1456 : vector<16xf32>
        %add3A_1463 = arith.addf %add3A_1451, %mul3A_1462 : vector<16xf32>
        %mul3A_1464 = arith.mulf %get3A_1459, %get3A_1459 : vector<16xf32>
        %add3A_1465 = arith.addf %add3A_1453, %mul3A_1464 : vector<16xf32>
        %get3A_1466 = arith.index_cast %add3A_967 : i32 to index
        %get3A_1467 = arith.constant 656 : index
        %get3A_1468 = tpu.vector_load %arg7[%get3A_1466, %get3A_1467] {strides = array<i32>} : memref<32x768xf32, #tpu.memory_space<vmem>>, vector<16xf32>,
        %get3A_1469 = arith.index_cast %add3A_967 : i32 to index
        %get3A_1470 = arith.constant 656 : index
        %get3A_1471 = tpu.vector_load %arg8[%get3A_1469, %get3A_1470] {strides = array<i32>} : memref<32x768xf32, #tpu.memory_space<vmem>>, vector<16xf32>,
        %mul3A_1472 = arith.mulf %get3A_1468, %get3A_1471 : vector<16xf32>
        %add3A_1473 = arith.addf %add3A_1461, %mul3A_1472 : vector<16xf32>
        %mul3A_1474 = arith.mulf %get3A_1468, %get3A_1468 : vector<16xf32>
        %add3A_1475 = arith.addf %add3A_1463, %mul3A_1474 : vector<16xf32>
        %mul3A_1476 = arith.mulf %get3A_1471, %get3A_1471 : vector<16xf32>
        %add3A_1477 = arith.addf %add3A_1465, %mul3A_1476 : vector<16xf32>
        %get3A_1478 = arith.index_cast %add3A_967 : i32 to index
        %get3A_1479 = arith.constant 672 : index
        %get3A_1480 = tpu.vector_load %arg7[%get3A_1478, %get3A_1479] {strides = array<i32>} : memref<32x768xf32, #tpu.memory_space<vmem>>, vector<16xf32>,
        %get3A_1481 = arith.index_cast %add3A_967 : i32 to index
        %get3A_1482 = arith.constant 672 : index
        %get3A_1483 = tpu.vector_load %arg8[%get3A_1481, %get3A_1482] {strides = array<i32>} : memref<32x768xf32, #tpu.memory_space<vmem>>, vector<16xf32>,
        %mul3A_1484 = arith.mulf %get3A_1480, %get3A_1483 : vector<16xf32>
        %add3A_1485 = arith.addf %add3A_1473, %mul3A_1484 : vector<16xf32>
        %mul3A_1486 = arith.mulf %get3A_1480, %get3A_1480 : vector<16xf32>
        %add3A_1487 = arith.addf %add3A_1475, %mul3A_1486 : vector<16xf32>
        %mul3A_1488 = arith.mulf %get3A_1483, %get3A_1483 : vector<16xf32>
        %add3A_1489 = arith.addf %add3A_1477, %mul3A_1488 : vector<16xf32>
        %get3A_1490 = arith.index_cast %add3A_967 : i32 to index
        %get3A_1491 = arith.constant 688 : index
        %get3A_1492 = tpu.vector_load %arg7[%get3A_1490, %get3A_1491] {strides = array<i32>} : memref<32x768xf32, #tpu.memory_space<vmem>>, vector<16xf32>,
        %get3A_1493 = arith.index_cast %add3A_967 : i32 to index
        %get3A_1494 = arith.constant 688 : index
        %get3A_1495 = tpu.vector_load %arg8[%get3A_1493, %get3A_1494] {strides = array<i32>} : memref<32x768xf32, #tpu.memory_space<vmem>>, vector<16xf32>,
        %mul3A_1496 = arith.mulf %get3A_1492, %get3A_1495 : vector<16xf32>
        %add3A_1497 = arith.addf %add3A_1485, %mul3A_1496 : vector<16xf32>
        %mul3A_1498 = arith.mulf %get3A_1492, %get3A_1492 : vector<16xf32>
        %add3A_1499 = arith.addf %add3A_1487, %mul3A_1498 : vector<16xf32>
        %mul3A_1500 = arith.mulf %get3A_1495, %get3A_1495 : vector<16xf32>
        %add3A_1501 = arith.addf %add3A_1489, %mul3A_1500 : vector<16xf32>
        %get3A_1502 = arith.index_cast %add3A_967 : i32 to index
        %get3A_1503 = arith.constant 704 : index
        %get3A_1504 = tpu.vector_load %arg7[%get3A_1502, %get3A_1503] {strides = array<i32>} : memref<32x768xf32, #tpu.memory_space<vmem>>, vector<16xf32>,
        %get3A_1505 = arith.index_cast %add3A_967 : i32 to index
        %get3A_1506 = arith.constant 704 : index
        %get3A_1507 = tpu.vector_load %arg8[%get3A_1505, %get3A_1506] {strides = array<i32>} : memref<32x768xf32, #tpu.memory_space<vmem>>, vector<16xf32>,
        %mul3A_1508 = arith.mulf %get3A_1504, %get3A_1507 : vector<16xf32>
        %add3A_1509 = arith.addf %add3A_1497, %mul3A_1508 : vector<16xf32>
        %mul3A_1510 = arith.mulf %get3A_1504, %get3A_1504 : vector<16xf32>
        %add3A_1511 = arith.addf %add3A_1499, %mul3A_1510 : vector<16xf32>
        %mul3A_1512 = arith.mulf %get3A_1507, %get3A_1507 : vector<16xf32>
        %add3A_1513 = arith.addf %add3A_1501, %mul3A_1512 : vector<16xf32>
        %get3A_1514 = arith.index_cast %add3A_967 : i32 to index
        %get3A_1515 = arith.constant 720 : index
        %get3A_1516 = tpu.vector_load %arg7[%get3A_1514, %get3A_1515] {strides = array<i32>} : memref<32x768xf32, #tpu.memory_space<vmem>>, vector<16xf32>,
        %get3A_1517 = arith.index_cast %add3A_967 : i32 to index
        %get3A_1518 = arith.constant 720 : index
        %get3A_1519 = tpu.vector_load %arg8[%get3A_1517, %get3A_1518] {strides = array<i32>} : memref<32x768xf32, #tpu.memory_space<vmem>>, vector<16xf32>,
        %mul3A_1520 = arith.mulf %get3A_1516, %get3A_1519 : vector<16xf32>
        %add3A_1521 = arith.addf %add3A_1509, %mul3A_1520 : vector<16xf32>
        %mul3A_1522 = arith.mulf %get3A_1516, %get3A_1516 : vector<16xf32>
        %add3A_1523 = arith.addf %add3A_1511, %mul3A_1522 : vector<16xf32>
        %mul3A_1524 = arith.mulf %get3A_1519, %get3A_1519 : vector<16xf32>
        %add3A_1525 = arith.addf %add3A_1513, %mul3A_1524 : vector<16xf32>
        %get3A_1526 = arith.index_cast %add3A_967 : i32 to index
        %get3A_1527 = arith.constant 736 : index
        %get3A_1528 = tpu.vector_load %arg7[%get3A_1526, %get3A_1527] {strides = array<i32>} : memref<32x768xf32, #tpu.memory_space<vmem>>, vector<16xf32>,
        %get3A_1529 = arith.index_cast %add3A_967 : i32 to index
        %get3A_1530 = arith.constant 736 : index
        %get3A_1531 = tpu.vector_load %arg8[%get3A_1529, %get3A_1530] {strides = array<i32>} : memref<32x768xf32, #tpu.memory_space<vmem>>, vector<16xf32>,
        %mul3A_1532 = arith.mulf %get3A_1528, %get3A_1531 : vector<16xf32>
        %add3A_1533 = arith.addf %add3A_1521, %mul3A_1532 : vector<16xf32>
        %mul3A_1534 = arith.mulf %get3A_1528, %get3A_1528 : vector<16xf32>
        %add3A_1535 = arith.addf %add3A_1523, %mul3A_1534 : vector<16xf32>
        %mul3A_1536 = arith.mulf %get3A_1531, %get3A_1531 : vector<16xf32>
        %add3A_1537 = arith.addf %add3A_1525, %mul3A_1536 : vector<16xf32>
        %get3A_1538 = arith.index_cast %add3A_967 : i32 to index
        %get3A_1539 = arith.constant 752 : index
        %get3A_1540 = tpu.vector_load %arg7[%get3A_1538, %get3A_1539] {strides = array<i32>} : memref<32x768xf32, #tpu.memory_space<vmem>>, vector<16xf32>,
        %get3A_1541 = arith.index_cast %add3A_967 : i32 to index
        %get3A_1542 = arith.constant 752 : index
        %get3A_1543 = tpu.vector_load %arg8[%get3A_1541, %get3A_1542] {strides = array<i32>} : memref<32x768xf32, #tpu.memory_space<vmem>>, vector<16xf32>,
        %mul3A_1544 = arith.mulf %get3A_1540, %get3A_1543 : vector<16xf32>
        %add3A_1545 = arith.addf %add3A_1533, %mul3A_1544 : vector<16xf32>
        %mul3A_1546 = arith.mulf %get3A_1540, %get3A_1540 : vector<16xf32>
        %add3A_1547 = arith.addf %add3A_1535, %mul3A_1546 : vector<16xf32>
        %mul3A_1548 = arith.mulf %get3A_1543, %get3A_1543 : vector<16xf32>
        %add3A_1549 = arith.addf %add3A_1537, %mul3A_1548 : vector<16xf32>
        %mul3A_1550 = arith.constant 17 : i32
        %mul3A_1551 = vector.broadcast %mul3A_1550 : i32 to vector<16xi32>
        %mul3A_1552 = arith.muli %mul3A_1551, %iota3A : vector<16xi32>
        %add3A_1553 = vector.broadcast %scan3A_965 : i32 to vector<16xi32>
        %add3A_1554 = arith.addi %mul3A_1552, %add3A_1553 : vector<16xi32>
        tpu.vector_store_idx %arg10[%add3A_1554], %add3A_1545 : memref<272xf32, #tpu.memory_space<vmem>>[vector<16xi32>], vector<16xf32>,
        tpu.vector_store_idx %arg11[%add3A_1554], %add3A_1547 : memref<272xf32, #tpu.memory_space<vmem>>[vector<16xi32>], vector<16xf32>,
        tpu.vector_store_idx %arg12[%add3A_1554], %add3A_1549 : memref<272xf32, #tpu.memory_space<vmem>>[vector<16xi32>], vector<16xf32>,
      }
      %scan3A_201 = arith.constant 16 : i32
      %broadcast_in_dim3A_202 = arith.constant 0.000000e+00 : f32
      %broadcast_in_dim3A_203 = vector.broadcast %broadcast_in_dim3A_202 : f32 to vector<16xf32>
      %broadcast_in_dim3A_204 = arith.constant 0.000000e+00 : f32
      %broadcast_in_dim3A_205 = vector.broadcast %broadcast_in_dim3A_204 : f32 to vector<16xf32>
      %broadcast_in_dim3A_206 = arith.constant 0.000000e+00 : f32
      %broadcast_in_dim3A_207 = vector.broadcast %broadcast_in_dim3A_206 : f32 to vector<16xf32>
      %add3A_208 = arith.constant 0 : i32
      %add3A_209 = vector.broadcast %add3A_208 : i32 to vector<16xi32>
      %add3A_210 = arith.addi %iota3A, %add3A_209 : vector<16xi32>
      %gather3A_211 = tpu.vector_load_idx %arg10[%add3A_210] : memref<272xf32, #tpu.memory_space<vmem>>[vector<16xi32>], vector<16xf32>,
      %add3A_212 = arith.addf %broadcast_in_dim3A_203, %gather3A_211 : vector<16xf32>
      %gather3A_213 = tpu.vector_load_idx %arg11[%add3A_210] : memref<272xf32, #tpu.memory_space<vmem>>[vector<16xi32>], vector<16xf32>,
      %add3A_214 = arith.addf %broadcast_in_dim3A_205, %gather3A_213 : vector<16xf32>
      %gather3A_215 = tpu.vector_load_idx %arg12[%add3A_210] : memref<272xf32, #tpu.memory_space<vmem>>[vector<16xi32>], vector<16xf32>,
      %add3A_216 = arith.addf %broadcast_in_dim3A_207, %gather3A_215 : vector<16xf32>
      %add3A_217 = arith.constant 17 : i32
      %add3A_218 = vector.broadcast %add3A_217 : i32 to vector<16xi32>
      %add3A_219 = arith.addi %iota3A, %add3A_218 : vector<16xi32>
      %gather3A_220 = tpu.vector_load_idx %arg10[%add3A_219] : memref<272xf32, #tpu.memory_space<vmem>>[vector<16xi32>], vector<16xf32>,
      %add3A_221 = arith.addf %add3A_212, %gather3A_220 : vector<16xf32>
      %gather3A_222 = tpu.vector_load_idx %arg11[%add3A_219] : memref<272xf32, #tpu.memory_space<vmem>>[vector<16xi32>], vector<16xf32>,
      %add3A_223 = arith.addf %add3A_214, %gather3A_222 : vector<16xf32>
      %gather3A_224 = tpu.vector_load_idx %arg12[%add3A_219] : memref<272xf32, #tpu.memory_space<vmem>>[vector<16xi32>], vector<16xf32>,
      %add3A_225 = arith.addf %add3A_216, %gather3A_224 : vector<16xf32>
      %add3A_226 = arith.constant 34 : i32
      %add3A_227 = vector.broadcast %add3A_226 : i32 to vector<16xi32>
      %add3A_228 = arith.addi %iota3A, %add3A_227 : vector<16xi32>
      %gather3A_229 = tpu.vector_load_idx %arg10[%add3A_228] : memref<272xf32, #tpu.memory_space<vmem>>[vector<16xi32>], vector<16xf32>,
      %add3A_230 = arith.addf %add3A_221, %gather3A_229 : vector<16xf32>
      %gather3A_231 = tpu.vector_load_idx %arg11[%add3A_228] : memref<272xf32, #tpu.memory_space<vmem>>[vector<16xi32>], vector<16xf32>,
      %add3A_232 = arith.addf %add3A_223, %gather3A_231 : vector<16xf32>
      %gather3A_233 = tpu.vector_load_idx %arg12[%add3A_228] : memref<272xf32, #tpu.memory_space<vmem>>[vector<16xi32>], vector<16xf32>,
      %add3A_234 = arith.addf %add3A_225, %gather3A_233 : vector<16xf32>
      %add3A_235 = arith.constant 51 : i32
      %add3A_236 = vector.broadcast %add3A_235 : i32 to vector<16xi32>
      %add3A_237 = arith.addi %iota3A, %add3A_236 : vector<16xi32>
      %gather3A_238 = tpu.vector_load_idx %arg10[%add3A_237] : memref<272xf32, #tpu.memory_space<vmem>>[vector<16xi32>], vector<16xf32>,
      %add3A_239 = arith.addf %add3A_230, %gather3A_238 : vector<16xf32>
      %gather3A_240 = tpu.vector_load_idx %arg11[%add3A_237] : memref<272xf32, #tpu.memory_space<vmem>>[vector<16xi32>], vector<16xf32>,
      %add3A_241 = arith.addf %add3A_232, %gather3A_240 : vector<16xf32>
      %gather3A_242 = tpu.vector_load_idx %arg12[%add3A_237] : memref<272xf32, #tpu.memory_space<vmem>>[vector<16xi32>], vector<16xf32>,
      %add3A_243 = arith.addf %add3A_234, %gather3A_242 : vector<16xf32>
      %add3A_244 = arith.constant 68 : i32
      %add3A_245 = vector.broadcast %add3A_244 : i32 to vector<16xi32>
      %add3A_246 = arith.addi %iota3A, %add3A_245 : vector<16xi32>
      %gather3A_247 = tpu.vector_load_idx %arg10[%add3A_246] : memref<272xf32, #tpu.memory_space<vmem>>[vector<16xi32>], vector<16xf32>,
      %add3A_248 = arith.addf %add3A_239, %gather3A_247 : vector<16xf32>
      %gather3A_249 = tpu.vector_load_idx %arg11[%add3A_246] : memref<272xf32, #tpu.memory_space<vmem>>[vector<16xi32>], vector<16xf32>,
      %add3A_250 = arith.addf %add3A_241, %gather3A_249 : vector<16xf32>
      %gather3A_251 = tpu.vector_load_idx %arg12[%add3A_246] : memref<272xf32, #tpu.memory_space<vmem>>[vector<16xi32>], vector<16xf32>,
      %add3A_252 = arith.addf %add3A_243, %gather3A_251 : vector<16xf32>
      %add3A_253 = arith.constant 85 : i32
      %add3A_254 = vector.broadcast %add3A_253 : i32 to vector<16xi32>
      %add3A_255 = arith.addi %iota3A, %add3A_254 : vector<16xi32>
      %gather3A_256 = tpu.vector_load_idx %arg10[%add3A_255] : memref<272xf32, #tpu.memory_space<vmem>>[vector<16xi32>], vector<16xf32>,
      %add3A_257 = arith.addf %add3A_248, %gather3A_256 : vector<16xf32>
      %gather3A_258 = tpu.vector_load_idx %arg11[%add3A_255] : memref<272xf32, #tpu.memory_space<vmem>>[vector<16xi32>], vector<16xf32>,
      %add3A_259 = arith.addf %add3A_250, %gather3A_258 : vector<16xf32>
      %gather3A_260 = tpu.vector_load_idx %arg12[%add3A_255] : memref<272xf32, #tpu.memory_space<vmem>>[vector<16xi32>], vector<16xf32>,
      %add3A_261 = arith.addf %add3A_252, %gather3A_260 : vector<16xf32>
      %add3A_262 = arith.constant 102 : i32
      %add3A_263 = vector.broadcast %add3A_262 : i32 to vector<16xi32>
      %add3A_264 = arith.addi %iota3A, %add3A_263 : vector<16xi32>
      %gather3A_265 = tpu.vector_load_idx %arg10[%add3A_264] : memref<272xf32, #tpu.memory_space<vmem>>[vector<16xi32>], vector<16xf32>,
      %add3A_266 = arith.addf %add3A_257, %gather3A_265 : vector<16xf32>
      %gather3A_267 = tpu.vector_load_idx %arg11[%add3A_264] : memref<272xf32, #tpu.memory_space<vmem>>[vector<16xi32>], vector<16xf32>,
      %add3A_268 = arith.addf %add3A_259, %gather3A_267 : vector<16xf32>
      %gather3A_269 = tpu.vector_load_idx %arg12[%add3A_264] : memref<272xf32, #tpu.memory_space<vmem>>[vector<16xi32>], vector<16xf32>,
      %add3A_270 = arith.addf %add3A_261, %gather3A_269 : vector<16xf32>
      %add3A_271 = arith.constant 119 : i32
      %add3A_272 = vector.broadcast %add3A_271 : i32 to vector<16xi32>
      %add3A_273 = arith.addi %iota3A, %add3A_272 : vector<16xi32>
      %gather3A_274 = tpu.vector_load_idx %arg10[%add3A_273] : memref<272xf32, #tpu.memory_space<vmem>>[vector<16xi32>], vector<16xf32>,
      %add3A_275 = arith.addf %add3A_266, %gather3A_274 : vector<16xf32>
      %gather3A_276 = tpu.vector_load_idx %arg11[%add3A_273] : memref<272xf32, #tpu.memory_space<vmem>>[vector<16xi32>], vector<16xf32>,
      %add3A_277 = arith.addf %add3A_268, %gather3A_276 : vector<16xf32>
      %gather3A_278 = tpu.vector_load_idx %arg12[%add3A_273] : memref<272xf32, #tpu.memory_space<vmem>>[vector<16xi32>], vector<16xf32>,
      %add3A_279 = arith.addf %add3A_270, %gather3A_278 : vector<16xf32>
      %add3A_280 = arith.constant 136 : i32
      %add3A_281 = vector.broadcast %add3A_280 : i32 to vector<16xi32>
      %add3A_282 = arith.addi %iota3A, %add3A_281 : vector<16xi32>
      %gather3A_283 = tpu.vector_load_idx %arg10[%add3A_282] : memref<272xf32, #tpu.memory_space<vmem>>[vector<16xi32>], vector<16xf32>,
      %add3A_284 = arith.addf %add3A_275, %gather3A_283 : vector<16xf32>
      %gather3A_285 = tpu.vector_load_idx %arg11[%add3A_282] : memref<272xf32, #tpu.memory_space<vmem>>[vector<16xi32>], vector<16xf32>,
      %add3A_286 = arith.addf %add3A_277, %gather3A_285 : vector<16xf32>
      %gather3A_287 = tpu.vector_load_idx %arg12[%add3A_282] : memref<272xf32, #tpu.memory_space<vmem>>[vector<16xi32>], vector<16xf32>,
      %add3A_288 = arith.addf %add3A_279, %gather3A_287 : vector<16xf32>
      %add3A_289 = arith.constant 153 : i32
      %add3A_290 = vector.broadcast %add3A_289 : i32 to vector<16xi32>
      %add3A_291 = arith.addi %iota3A, %add3A_290 : vector<16xi32>
      %gather3A_292 = tpu.vector_load_idx %arg10[%add3A_291] : memref<272xf32, #tpu.memory_space<vmem>>[vector<16xi32>], vector<16xf32>,
      %add3A_293 = arith.addf %add3A_284, %gather3A_292 : vector<16xf32>
      %gather3A_294 = tpu.vector_load_idx %arg11[%add3A_291] : memref<272xf32, #tpu.memory_space<vmem>>[vector<16xi32>], vector<16xf32>,
      %add3A_295 = arith.addf %add3A_286, %gather3A_294 : vector<16xf32>
      %gather3A_296 = tpu.vector_load_idx %arg12[%add3A_291] : memref<272xf32, #tpu.memory_space<vmem>>[vector<16xi32>], vector<16xf32>,
      %add3A_297 = arith.addf %add3A_288, %gather3A_296 : vector<16xf32>
      %add3A_298 = arith.constant 170 : i32
      %add3A_299 = vector.broadcast %add3A_298 : i32 to vector<16xi32>
      %add3A_300 = arith.addi %iota3A, %add3A_299 : vector<16xi32>
      %gather3A_301 = tpu.vector_load_idx %arg10[%add3A_300] : memref<272xf32, #tpu.memory_space<vmem>>[vector<16xi32>], vector<16xf32>,
      %add3A_302 = arith.addf %add3A_293, %gather3A_301 : vector<16xf32>
      %gather3A_303 = tpu.vector_load_idx %arg11[%add3A_300] : memref<272xf32, #tpu.memory_space<vmem>>[vector<16xi32>], vector<16xf32>,
      %add3A_304 = arith.addf %add3A_295, %gather3A_303 : vector<16xf32>
      %gather3A_305 = tpu.vector_load_idx %arg12[%add3A_300] : memref<272xf32, #tpu.memory_space<vmem>>[vector<16xi32>], vector<16xf32>,
      %add3A_306 = arith.addf %add3A_297, %gather3A_305 : vector<16xf32>
      %add3A_307 = arith.constant 187 : i32
      %add3A_308 = vector.broadcast %add3A_307 : i32 to vector<16xi32>
      %add3A_309 = arith.addi %iota3A, %add3A_308 : vector<16xi32>
      %gather3A_310 = tpu.vector_load_idx %arg10[%add3A_309] : memref<272xf32, #tpu.memory_space<vmem>>[vector<16xi32>], vector<16xf32>,
      %add3A_311 = arith.addf %add3A_302, %gather3A_310 : vector<16xf32>
      %gather3A_312 = tpu.vector_load_idx %arg11[%add3A_309] : memref<272xf32, #tpu.memory_space<vmem>>[vector<16xi32>], vector<16xf32>,
      %add3A_313 = arith.addf %add3A_304, %gather3A_312 : vector<16xf32>
      %gather3A_314 = tpu.vector_load_idx %arg12[%add3A_309] : memref<272xf32, #tpu.memory_space<vmem>>[vector<16xi32>], vector<16xf32>,
      %add3A_315 = arith.addf %add3A_306, %gather3A_314 : vector<16xf32>
      %add3A_316 = arith.constant 204 : i32
      %add3A_317 = vector.broadcast %add3A_316 : i32 to vector<16xi32>
      %add3A_318 = arith.addi %iota3A, %add3A_317 : vector<16xi32>
      %gather3A_319 = tpu.vector_load_idx %arg10[%add3A_318] : memref<272xf32, #tpu.memory_space<vmem>>[vector<16xi32>], vector<16xf32>,
      %add3A_320 = arith.addf %add3A_311, %gather3A_319 : vector<16xf32>
      %gather3A_321 = tpu.vector_load_idx %arg11[%add3A_318] : memref<272xf32, #tpu.memory_space<vmem>>[vector<16xi32>], vector<16xf32>,
      %add3A_322 = arith.addf %add3A_313, %gather3A_321 : vector<16xf32>
      %gather3A_323 = tpu.vector_load_idx %arg12[%add3A_318] : memref<272xf32, #tpu.memory_space<vmem>>[vector<16xi32>], vector<16xf32>,
      %add3A_324 = arith.addf %add3A_315, %gather3A_323 : vector<16xf32>
      %add3A_325 = arith.constant 221 : i32
      %add3A_326 = vector.broadcast %add3A_325 : i32 to vector<16xi32>
      %add3A_327 = arith.addi %iota3A, %add3A_326 : vector<16xi32>
      %gather3A_328 = tpu.vector_load_idx %arg10[%add3A_327] : memref<272xf32, #tpu.memory_space<vmem>>[vector<16xi32>], vector<16xf32>,
      %add3A_329 = arith.addf %add3A_320, %gather3A_328 : vector<16xf32>
      %gather3A_330 = tpu.vector_load_idx %arg11[%add3A_327] : memref<272xf32, #tpu.memory_space<vmem>>[vector<16xi32>], vector<16xf32>,
      %add3A_331 = arith.addf %add3A_322, %gather3A_330 : vector<16xf32>
      %gather3A_332 = tpu.vector_load_idx %arg12[%add3A_327] : memref<272xf32, #tpu.memory_space<vmem>>[vector<16xi32>], vector<16xf32>,
      %add3A_333 = arith.addf %add3A_324, %gather3A_332 : vector<16xf32>
      %add3A_334 = arith.constant 238 : i32
      %add3A_335 = vector.broadcast %add3A_334 : i32 to vector<16xi32>
      %add3A_336 = arith.addi %iota3A, %add3A_335 : vector<16xi32>
      %gather3A_337 = tpu.vector_load_idx %arg10[%add3A_336] : memref<272xf32, #tpu.memory_space<vmem>>[vector<16xi32>], vector<16xf32>,
      %add3A_338 = arith.addf %add3A_329, %gather3A_337 : vector<16xf32>
      %gather3A_339 = tpu.vector_load_idx %arg11[%add3A_336] : memref<272xf32, #tpu.memory_space<vmem>>[vector<16xi32>], vector<16xf32>,
      %add3A_340 = arith.addf %add3A_331, %gather3A_339 : vector<16xf32>
      %gather3A_341 = tpu.vector_load_idx %arg12[%add3A_336] : memref<272xf32, #tpu.memory_space<vmem>>[vector<16xi32>], vector<16xf32>,
      %add3A_342 = arith.addf %add3A_333, %gather3A_341 : vector<16xf32>
      %add3A_343 = arith.constant 255 : i32
      %add3A_344 = vector.broadcast %add3A_343 : i32 to vector<16xi32>
      %add3A_345 = arith.addi %iota3A, %add3A_344 : vector<16xi32>
      %gather3A_346 = tpu.vector_load_idx %arg10[%add3A_345] : memref<272xf32, #tpu.memory_space<vmem>>[vector<16xi32>], vector<16xf32>,
      %add3A_347 = arith.addf %add3A_338, %gather3A_346 : vector<16xf32>
      %gather3A_348 = tpu.vector_load_idx %arg11[%add3A_345] : memref<272xf32, #tpu.memory_space<vmem>>[vector<16xi32>], vector<16xf32>,
      %add3A_349 = arith.addf %add3A_340, %gather3A_348 : vector<16xf32>
      %gather3A_350 = tpu.vector_load_idx %arg12[%add3A_345] : memref<272xf32, #tpu.memory_space<vmem>>[vector<16xi32>], vector<16xf32>,
      %add3A_351 = arith.addf %add3A_342, %gather3A_350 : vector<16xf32>
      %gt3A_352 = arith.constant 0.000000e+00 : f32
      %gt3A_353 = vector.broadcast %gt3A_352 : f32 to vector<16xf32>
      %gt3A_354 = arith.cmpf ogt, %add3A_347, %gt3A_353 : vector<16xf32>
      %mul3A_355 = arith.mulf %add3A_347, %add3A_347 : vector<16xf32>
      %mul3A_356 = arith.mulf %add3A_349, %add3A_351 : vector<16xf32>
      %mul3A_357 = arith.constant 3.600000e-01 : f32
      %mul3A_358 = vector.broadcast %mul3A_357 : f32 to vector<16xf32>
      %mul3A_359 = arith.mulf %mul3A_358, %mul3A_356 : vector<16xf32>
      %ge3A_360 = arith.cmpf oge, %mul3A_355, %mul3A_359 : vector<16xf32>
      %and3A_361 = arith.andi %gt3A_354, %ge3A_360 : vector<16xi1>
      %mul3A_362 = arith.constant 1.600000e-01 : f32
      %mul3A_363 = vector.broadcast %mul3A_362 : f32 to vector<16xf32>
      %mul3A_364 = arith.mulf %mul3A_363, %mul3A_356 : vector<16xf32>
      %ge3A_365 = arith.cmpf oge, %mul3A_355, %mul3A_364 : vector<16xf32>
      %and3A_366 = arith.andi %gt3A_354, %ge3A_365 : vector<16xi1>
      %convert_element_type3A_367 = arith.extui %and3A_366 : vector<16xi1> to vector<16xi32>
      %sub3A_368 = arith.constant 2 : i32
      %sub3A_369 = vector.broadcast %sub3A_368 : i32 to vector<16xi32>
      %sub3A_370 = arith.subi %sub3A_369, %convert_element_type3A_367 : vector<16xi32>
      %convert_element_type3A_371 = arith.extui %and3A_361 : vector<16xi1> to vector<16xi32>
      %sub3A_372 = arith.subi %sub3A_370, %convert_element_type3A_371 : vector<16xi32>
      %swap3A_373 = arith.constant 16 : index
      %swap3A_374 = tpu.vector_load %arg9[%swap3A_373] {strides = array<i32>} : memref<32xi32, #tpu.memory_space<vmem>>, vector<16xi32>,
      tpu.vector_store %arg9[%swap3A_373], %sub3A_372 {strides = array<i32>} : memref<32xi32, #tpu.memory_space<vmem>>, vector<16xi32>,
      "tpu.region"() ({
        %run_scoped3A = tpu.sem_alloc : memref<!tpu.dma_semaphore, #tpu.memory_space<semaphore_mem>>
        %dma_start3A_375 = tpu.memref_slice %arg5[%min3A_12] : memref<50000xi32, #tpu.memory_space<hbm>> -> memref<32xi32, #tpu.memory_space<hbm>>
        %dma_start3A_376 = tpu.memref_slice %arg5[%min3A_12] : memref<50000xi32, #tpu.memory_space<hbm>> -> memref<32xi32, #tpu.memory_space<hbm>>
        tpu.enqueue_dma source(%arg9 : memref<32xi32, #tpu.memory_space<vmem>>) target(%dma_start3A_376 : memref<32xi32, #tpu.memory_space<hbm>>) target_semaphore(%run_scoped3A : memref<!tpu.dma_semaphore, #tpu.memory_space<semaphore_mem>>)
        %dma_wait3A_377 = tpu.memref_slice %arg5[%min3A_12] : memref<50000xi32, #tpu.memory_space<hbm>> -> memref<32xi32, #tpu.memory_space<hbm>>
        %dma_wait3A_378 = tpu.memref_slice %arg5[%min3A_12] : memref<50000xi32, #tpu.memory_space<hbm>> -> memref<32xi32, #tpu.memory_space<hbm>>
        tpu.wait_dma2 semaphore(%run_scoped3A : memref<!tpu.dma_semaphore, #tpu.memory_space<semaphore_mem>>) src(%arg9 : memref<32xi32, #tpu.memory_space<vmem>>) dst(%dma_wait3A_378 : memref<32xi32, #tpu.memory_space<hbm>>)
        tpu.yield
      }) : () -> ()
    }
    %scan3A_5 = arith.constant 49 : i32
    return
  }
}

</mosaic_0001>

<sc_bundles>
// kernel: _run.3.cloned.1.call-start
scs
__scs_entry_jumppad:
0x0: {  	(pc) =	sbr.rel $0x88, $3  }
0x1: {  	(tag) =	ssettag $0x0;
	lr =	simm.s32 $0x1  }
0x2: {  	[smem:$0x3F9E] =	sst lr;
	_ =	strace $0xD0000000  }
0x3: {  	_ = 	snop  }
0x4: {  	_ = 	snop  }
0x5: {  	_ = 	snop  }
0x6: {  	_ = 	snop  }
0x7: {  	_ = 	snop  }
__scs_overlays_trampoline_lowered:
0x8: {  	[smem:$0x3FAD] =	sst s0  }
0x9: {  	[smem:$0x3FAE] =	sst s1  }
0xa: {  	[smem:$0x3FAF] =	sst s2  }
0xb: {  	[smem:$0x3FB0] =	sst s3  }
0xc: {  	[smem:$0x3FB1] =	sst s4  }
0xd: {  	[smem:$0x3FB2] =	sst s5  }
0xe: {  	[smem:$0x3FB3] =	sst s6  }
0xf: {  	[smem:$0x3FB4] =	sst s7  }
0x10: {  	[smem:$0x3FB5] =	sst s8  }
0x11: {  	[smem:$0x3FB6] =	sst s9;
	s0 =	simm.s32 @!p0 $0x0  }
0x12: {  	s1 =	sld [smem:$0x3F9C];
	s0 =	simm.s32 @p0 $0x1  }
0x13: {  	[smem:$0x3FB7] =	sst s0;
	s0 =	simm.s32 @!p1 $0x0  }
0x14: {  	s2 =	sld [smem:$0x3F9B];
	s0 =	simm.s32 @p1 $0x1  }
0x15: {  	[smem:$0x3FB8] =	sst s0;
	s0 =	simm.s32 @!p2 $0x0  }
0x16: {  	s3 =	sld [smem:$0x3FDB];
	s0 =	simm.s32 @p2 $0x1  }
0x17: {  	s4 =	simm.s32 $0x1BF5;
	[smem:$0x3FBA] =	sst s0  }
0x18: {  	s0 =	sld [smem:$0x3F9D];
	_ =	swait.ge [sflag:s4], $0x0  }
0x19: {  	s7 =	sld [smem:$0x3F9E]  }
0x1a: {  	s8 =	sadd.s32 $0xFFFFE003, lr  }
0x1b: {  	s9 =	sadd.s32 $0xFFFFFEF7, lr;
	s5 =	simm.s32 $0xFFFFFFFF;
	p2 =	slt.u32 s8, $0xFFFFF086  }
0x1c: {  	p1 =	slt.u32 s9, $0xF7A;
	s5 =	simm.s32 @!p2 $0x0  }
0x1d: {  	s5 =	simm.s32 @p1 $0x1;
	p0 =	seq.s32 s7, s2  }
0x1e: {  	s7 =	smul.u32 @!p0 $0xF7A, s2;
	p2 =	seq.s32 @!p0 s5, $0x0  }
0x1f: {  	s9 =	smul.u32 $0xF7A, s1;
	s8 =	simm.s32 @!p0 $0x1BF5;
	p2 =	por !p2, p0  }
0x20: {  	[sflag:s8] =	ssyncset.s32 @!p0 $0xFFFFF086;
	s6 =	sadd.s32 @!p0 s3, s7;
	s7 =	simm.s32 @!p0 $0x108  }
0x21: {  	s3 =	sadd.s32 s3, s9;
	s6 =	sadd.s32 @!p0 $0x88, s6;
	s7 =	simm.s32 @p2 $0x1082  }
0x22: {  	[simem:s7], [sflag:s8] =	dma.local @!p0 [hbm:s6], $0xF7A  }
0x23: {  	s9 =	sor.u32 $0xD0000000, s2;
	s6 =	simm.s32 $0x108;
	_ =	swait.ge @!p0 [sflag:s8], $0x0  }
0x24: {  	s3 =	sadd.s32 $0x88, s3;
	s6 =	simm.s32 @!p1 $0x1082;
	[sflag:s4] =	ssyncset.s32 $0xFFFFF086  }
0x25: {  	[simem:s6], [sflag:s4] =	dma.local [hbm:s3], $0xF7A  }
0x26: {  	[smem:$0x3F9E] =	sst s1;
	(tag) =	ssettag s2;
	_ =	strace s9  }
0x27: {  	s1 =	sld [smem:$0x3FAE]  }
0x28: {  	s2 =	sld [smem:$0x3FAF]  }
0x29: {  	s4 =	sld [smem:$0x3FB1]  }
0x2a: {  	p0 =	seq.s32 s5, $0x0;
	s5 =	sld [smem:$0x3FB2]  }
0x2b: {  	s6 =	sld [smem:$0x3FB3]  }
0x2c: {  	s7 =	sld [smem:$0x3FB4]  }
0x2d: {  	s3 =	simm.s32 $0x108;
	s8 =	sld [smem:$0x3FB5]  }
0x2e: {  	s3 =	simm.s32 @!p0 $0x1082;
	s9 =	sld [smem:$0x3FB6]  }
0x2f: {  	lr =	sadd.s32 s0, s3;
	s0 =	sld [smem:$0x3FAD]  }
0x30: {  	s3 =	sld [smem:$0x3FB0]  }
0x31: {  	[smem:$0x3FB9] =	sst s10  }
0x32: {  	s10 =	sld [smem:$0x3FB7];
	_ =	sdelay $0x3  }
0x33: {  	p0 =	seq.s32 s10, $0x1;
	s10 =	sld [smem:$0x3FB9];
	_ =	sdelay $0x3  }
0x34: {  	[smem:$0x3FB9] =	sst s10  }
0x35: {  	s10 =	sld [smem:$0x3FB8];
	_ =	sdelay $0x3  }
0x36: {  	p1 =	seq.s32 s10, $0x1;
	s10 =	sld [smem:$0x3FB9];
	_ =	sdelay $0x3  }
0x37: {  	[smem:$0x3FB9] =	sst s10  }
0x38: {  	s10 =	sld [smem:$0x3FBA]  }
0x39: {  	_ = 	snop;
	(pc) =	sbr.ind lr, $3  }
0x3a: {  	_ = 	snop  }
0x3b: {  	_ = 	snop  }
0x3c: {  	p2 =	seq.s32 s10, $0x1;
	s10 =	sld [smem:$0x3FB9]  }
0x3d: {  	_ =	shalt  }
0x3e: {  	_ =	shalt  }
0x3f: {  	_ =	shalt  }
0x40: {  	_ =	shalt  }
0x41: {  	_ =	shalt  }
0x42: {  	_ =	shalt  }
0x43: {  	_ =	shalt  }
0x44: {  	_ =	shalt  }
0x45: {  	_ =	shalt  }
0x46: {  	_ =	shalt  }
0x47: {  	_ =	shalt  }
0x48: {  	_ =	shalt  }
0x49: {  	_ =	shalt  }
0x4a: {  	_ =	shalt  }
0x4b: {  	_ =	shalt  }
0x4c: {  	_ =	shalt  }
0x4d: {  	_ =	shalt  }
0x4e: {  	_ =	shalt  }
0x4f: {  	_ =	shalt  }
0x50: {  	_ =	shalt  }
0x51: {  	_ =	shalt  }
0x52: {  	_ =	shalt  }
0x53: {  	_ =	shalt  }
0x54: {  	_ =	shalt  }
0x55: {  	_ =	shalt  }
0x56: {  	_ =	shalt  }
0x57: {  	_ =	shalt  }
0x58: {  	_ =	shalt  }
0x59: {  	_ =	shalt  }
0x5a: {  	_ =	shalt  }
0x5b: {  	_ =	shalt  }
0x5c: {  	_ =	shalt  }
0x5d: {  	_ =	shalt  }
0x5e: {  	_ =	shalt  }
0x5f: {  	_ =	shalt  }
0x60: {  	_ =	shalt  }
0x61: {  	_ =	shalt  }
0x62: {  	_ =	shalt  }
0x63: {  	_ =	shalt  }
0x64: {  	_ =	shalt  }
0x65: {  	_ =	shalt  }
0x66: {  	_ =	shalt  }
0x67: {  	_ =	shalt  }
0x68: {  	_ =	shalt  }
0x69: {  	_ =	shalt  }
0x6a: {  	_ =	shalt  }
0x6b: {  	_ =	shalt  }
0x6c: {  	_ =	shalt  }
0x6d: {  	_ =	shalt  }
0x6e: {  	_ =	shalt  }
0x6f: {  	_ =	shalt  }
0x70: {  	_ =	shalt  }
0x71: {  	_ =	shalt  }
0x72: {  	_ =	shalt  }
0x73: {  	_ =	shalt  }
0x74: {  	_ =	shalt  }
0x75: {  	_ =	shalt  }
0x76: {  	_ =	shalt  }
0x77: {  	_ =	shalt  }
0x78: {  	_ =	shalt  }
0x79: {  	_ =	shalt  }
0x7a: {  	_ =	shalt  }
0x7b: {  	_ =	shalt  }
0x7c: {  	_ =	shalt  }
0x7d: {  	_ =	shalt  }
0x7e: {  	_ =	shalt  }
0x7f: {  	_ =	shalt  }
0x80: {  	_ =	shalt  }
0x81: {  	_ =	shalt  }
0x82: {  	_ =	shalt  }
0x83: {  	_ =	shalt  }
0x84: {  	_ =	shalt  }
0x85: {  	_ =	shalt  }
0x86: {  	_ =	shalt  }
0x87: {  	_ =	shalt  }
.Lfunc_end0:
.L_simem_size_0:
called_computation_lowered:
.L_overlay_start_0:
0x88: {  	s2 =	sld [smem:$0x3FD9]  }
0x89: {  	s3 =	sld [smem:$0x3FFE];
	_ =	sdelay $0x1  }
0x8a: {  	s1 =	srdreg.scid  }
0x8b: {  	s0 =	sand.u32 $0x1, s1  }
0x8c: {  	s18 =	sshll.u32 s0, $0xA;
	s2 =	sadd.s32 s3, s2  }
0x8d: {  	s2 =	sadd.s32 s2, s18  }
0x8e: {  	[smem:$0x3FC5] =	sst s2  }
0x8f: {  	_ = 	snop  }
0x90: {  	s2 =	sld [smem:$0x3FC9]  }
0x91: {  	s19 =	sld [smem:$0x3FC8]  }
0x92: {  	s4 =	sld [smem:$0x3FC7]  }
0x93: {  	s5 =	sld [smem:$0x3FD0];
	(tm) =	ssettm $0x1  }
0x94: {  	s6 =	sld [smem:$0x3FFB];
	_ =	sdelay $0x3  }
0x95: {  	_ =	strace s6  }
0x96: {  	s6 =	sld [smem:$0x3FFC];
	_ =	sdelay $0x3  }
0x97: {  	_ =	strace s6  }
0x98: {  	s6 =	sld [smem:$0x3FFD];
	_ =	sdelay $0x3  }
0x99: {  	_ =	strace s6  }
0x9a: {  	_ =	strace $0x8FFFFFFF  }
0x9b: {  	s20 =	sld [smem:$0x3FDB];
	_ =	sdelay $0x1  }
0x9c: {  	s7 =	simm.s32 $_scs_section_size  }
0x9d: {  	s8 =	simm.s32 $_size__tile_overlayer_lowered;
	s9 =	simm.s32 $_tile_overlayer_lowered  }
0x9e: {  	s23 =	simm.s32 $0x1BFF;
	s22 =	sshll.u32 s9, $0x1;
	s6 =	sadd.s32 s7, s20  }
0x9f: {  	s10 =	simm.s32 $0x0;
	s21 =	sshll.u32 s8, $0x1;
	s8 =	sadd.s32 s22, s6  }
0xa0: {  	[timem:s10], [sflag:s23] =	dma.local [hbm:s8], s21  }
0xa1: {  	_ =	swait.ge [sflag:s23], s21  }
0xa2: {  	s7 =	ssub.s32 $0x0, s21;
	[sflag:s23] =	ssyncset.done $0x0  }
0xa3: {  	[sflag:s23] =	ssyncadd.s32 s7;
	_ =	sdelay $0x1  }
0xa4: {  	s24 =	simm.s32 $0x1B8B  }
0xa5: {  	_ =	swait.ge [sflag:s24], $0x1  }
0xa6: {  	[sflag:s24] =	ssyncset.done $0x0  }
0xa7: {  	s25 =	simm.s32 $0x1B8E;
	[sflag:s24] =	ssyncadd.s32 $0xFFFFFFFF  }
0xa8: {  	s26 =	simm.s32 $execute0_lowered;
	[smem:$0x3FD2] =	sst s25  }
0xa9: {  	s7 =	sshll.u32 s26, $0x1;
	_ =	strace $0x80000046;
	[dreg:$0x1] =	wrdreg $0xFFFFFFFF  }
0xaa: {  	s28 =	simm.s32 $_size_execute0_lowered;
	s6 =	sadd.s32 s6, s7;
	[dreg:$0x0] =	wrdreg $0x0  }
0xab: {  	s7 =	sshll.u32 s28, $0x1;
	[dreg:$0x2] =	wrdreg s6  }
0xac: {  	[dreg:$0x3] =	wrdreg s7  }
0xad: {  	[dreg:$0x4] =	wrdreg $0xC0  }
0xae: {  	_ =	task [dreg:s10], $0x5FFFF  }
0xaf: {  	[dreg:$0x1] =	wrdreg $0xFFFFFFFF  }
0xb0: {  	[dreg:$0x0] =	wrdreg $0x60  }
0xb1: {  	[dreg:$0x2] =	wrdreg s2  }
0xb2: {  	[dreg:$0x3] =	wrdreg s19  }
0xb3: {  	[dreg:$0x4] =	wrdreg s4  }
0xb4: {  	[dreg:$0x5] =	wrdreg s5  }
0xb5: {  	[dreg:$0x6] =	wrdreg $0x9  }
0xb6: {  	_ =	task.clear_ibuf [dreg:s10], $0x7FFFF;
	_ =	strace $0x90000046  }
0xb7: {  	s29 =	simm.s32 $0x9;
	_ =	strace $0x80000048  }
0xb8: {  	_ =	swait.ge [sflag:s29], $0x1  }
0xb9: {  	[sflag:s29] =	ssyncadd.s32 $0xFFFFFFFF  }
0xba: {  	_ =	strace $0x90000048  }
0xbb: {  	_ =	sfence  }
0xbc: {  	s30 =	sld [smem:$0x0];
	_ =	sdelay $0x2  }
0xbd: {  	s31 =	sshll.u32 s1, $0xD;
	s1 =	sshrl.u32 s1, $0x2  }
0xbe: {  	s3 =	sand.u32 $0x4000, s31;
	s1 =	sadd.s32 s1, s30  }
0xbf: {  	s0 =	sor.u32 s3, s0;
	s1 =	sshll.u32 s1, $0x11  }
0xc0: {  	s0 =	sor.u32 s1, s0  }
0xc1: {  	s0 =	sadd.s32 $0x8F2B, s0  }
0xc2: {  	[sflag:s0] =	ssyncadd.remote.s32 $0x1  }
0xc3: {  	_ =	sfence.sel $0xFFFF  }
0xc4: {  	[dreg:$0x0] =	wrdreg $0xFFFFFFFF;
	(pc) =	sbr.abs _section_cstart, $3  }
0xc5: {  	[dreg:$0x1] =	wrdreg $0xFFFFFFFF  }
0xc6: {  	_ =	task.clear_ibuf [dreg:s10], $0x2FFFF;
	_ =	strace $0x9FFFFFFF  }
0xc7: {  	(tm) =	ssettm $0x7FFFFFFF  }
tec
execute0_lowered:
.L_overlay_start_1:
0x0: {  	(tag) =	ssettag $0x1  }
0x1: {  	s2 =	rddreg [dreg:$0x1]  }
0x2: {  	s0 =	srdreg.scid;
	s1 =	simm.s32 $0x0;
	s3 =	stileid.u32  }
0x3: {  	s11 =	simm.s32 $0x2;
	s14 =	simm.s32 $0x7080;
	s15 =	simm.s32 $0x7880  }
0x4: {  	s16 =	simm.s32 $0x8080;
	s17 =	simm.s32 $0x8880;
	s18 =	simm.s32 $0x9080  }
0x5: {  	s19 =	simm.s32 $0x9880;
	s20 =	simm.s32 $0xA080;
	s21 =	simm.s32 $0xA880  }
0x6: {  	s22 =	simm.s32 $0xB080;
	s23 =	simm.s32 $0xB880;
	s24 =	simm.s32 $0x1  }
0x7: {  	s25 =	simm.s32 $0xC100;
	s26 =	simm.s32 $0xC280;
	s0 =	sand.u32 $0x1, s0  }
0x8: {  	s28 =	simm.s32 $0xC400;
	s29 =	simm.s32 $0xC080;
	s30 =	ssub.s32 $0x2, s0  }
0x9: {  	[smem:$0x7FF] =	sst s1;
	s3 =	sshll.u32 s3, $0x1;
	s4 =	sshrl.u32 s30, $0x1  }
0xa: {  	v0 =	vlaneseq.u32;
	vm0 =	vmmov $0xffff;
	v5 =	vimm.s32 $0x2;
	s8 =	sadd.s32 $0x100, s2;
	s9 =	sadd.s32 $0x200, s2;
	s1 =	ssub.s32 s30, s4  }
0xb: {  	v6 =	vimm.s32 $0x0;
	v1 =	vand.u32 $0x7, v0;
	v2 =	vshrl.u32 v0, $0x3;
	_ =	strace $0x80000047;
	s0 =	sor.u32 s0, s3;
	s31 =	smax.u32 s1, $0x1  }
0xc: {  	v3 =	vor.u32 $0x8, v0;
	v4 =	vmul.u32 $0x11, v0;
	v2 =	vmul.u32 $0x8, v2;
	s7 =	smul.u32 $0x620, s0;
	s1 =	simm.s32 $0x0;
	[dreg:$0x5] =	wrdreg s31  }
.LBB2_1:
0xd: {  	[dreg:$0x6] =	wrdreg s1;
	s31 =	simm.s32 $0x0  }
.LBB2_2:
0xe: {  	s0 =	sshll.u32 s31, $0x5  }
0xf: {  	s0 =	sadd.s32 s7, s0  }
0x10: {  	s0 =	smin.u32 s0, $0xC330  }
0x11: {  	s1 =	rddreg [dreg:$0x2];
	s0 =	sshrl.u32 s0, $0x3  }
0x12: {  	s4 =	simm.s32 $0x0;
	s1 =	sadd.s32 s1, s0  }
0x13: {  	[tilespmem:s4], [sflag:$0x2] =	stream.linear.gather [hbm4b:s1+s4], $0x20, $0x38;
	[tilespmem:$0xC580] =	vst v63  }
0x14: {  	_ =	swait.ge [sflag:s11], $0x20  }
0x15: {  	[sflag:s11] =	ssyncset.done $0x0  }
0x16: {  	[sflag:s11] =	ssyncadd.s32 $0xFFFFFFE0  }
0x17: {  	v7 =	vld [tilespmem:$0x0];
	_ =	sdelay $0x4  }
0x18: {  	v8 =	vshrl.u32 v7, $0x3  }
0x19: {  	v8 =	vmul.u32 $0x30, v8  }
0x1a: {  	v7 =	vand.u32 $0x7, v7  }
0x1b: {  	v7 =	vor.u32 v7, v8  }
0x1c: {  	v8 =	vperm.xlane v7, v1;
	_ =	sdelay $0x1  }
0x1d: {  	v8 =	vadd.s32 v2, v8;
	_ =	sdelay $0x3  }
0x1e: {  	s12 =	simm.s32 $0x6080;
	v7 =	vperm.xlane v7, v3  }
0x1f: {  	[tilespmem:s12], [sflag:$0x1] =	stream.indirect_vreg.gather [hbm4b:s2+s4], $0x80, v8, vm0, $0xb8;
	[tilespmem:$0xC580] =	vst v63  }
0x20: {  	s13 =	simm.s32 $0x6880;
	v7 =	vadd.s32 v2, v7  }
0x21: {  	[tilespmem:s13], [sflag:$0x1] =	stream.indirect_vreg.gather [hbm4b:s8+s4], $0x80, v8, vm0, $0xb8;
	[tilespmem:$0xC580] =	vst v63  }
0x22: {  	_ = 	snop  }
0x23: {  	[tilespmem:s14], [sflag:$0x1] =	stream.indirect_vreg.gather [hbm4b:s9+s4], $0x80, v8, vm0, $0xb8;
	[tilespmem:$0xC580] =	vst v63  }
0x24: {  	_ = 	snop  }
0x25: {  	[tilespmem:s15], [sflag:$0x1] =	stream.indirect_vreg.gather [hbm4b:s2+s4], $0x80, v7, vm0, $0xb8;
	[tilespmem:$0xC580] =	vst v63  }
0x26: {  	_ = 	snop  }
0x27: {  	[tilespmem:s16], [sflag:$0x1] =	stream.indirect_vreg.gather [hbm4b:s8+s4], $0x80, v7, vm0, $0xb8;
	[tilespmem:$0xC580] =	vst v63  }
0x28: {  	_ = 	snop  }
0x29: {  	[tilespmem:s17], [sflag:$0x1] =	stream.indirect_vreg.gather [hbm4b:s9+s4], $0x80, v7, vm0, $0xb8;
	[tilespmem:$0xC580] =	vst v63  }
0x2a: {  	v7 =	vld [tilespmem:$0x10];
	_ =	sdelay $0x4  }
0x2b: {  	v8 =	vshrl.u32 v7, $0x3  }
0x2c: {  	v8 =	vmul.u32 $0x30, v8  }
0x2d: {  	v7 =	vand.u32 $0x7, v7  }
0x2e: {  	v7 =	vor.u32 v7, v8  }
0x2f: {  	v8 =	vperm.xlane v7, v1;
	_ =	sdelay $0x1  }
0x30: {  	v8 =	vadd.s32 v2, v8;
	_ =	sdelay $0x3  }
0x31: {  	v7 =	vperm.xlane v7, v3  }
0x32: {  	[tilespmem:s18], [sflag:$0x1] =	stream.indirect_vreg.gather [hbm4b:s2+s4], $0x80, v8, vm0, $0xb8;
	[tilespmem:$0xC580] =	vst v63  }
0x33: {  	v7 =	vadd.s32 v2, v7  }
0x34: {  	[tilespmem:s19], [sflag:$0x1] =	stream.indirect_vreg.gather [hbm4b:s8+s4], $0x80, v8, vm0, $0xb8;
	[tilespmem:$0xC580] =	vst v63  }
0x35: {  	_ = 	snop  }
0x36: {  	[tilespmem:s20], [sflag:$0x1] =	stream.indirect_vreg.gather [hbm4b:s9+s4], $0x80, v8, vm0, $0xb8;
	[tilespmem:$0xC580] =	vst v63  }
0x37: {  	_ = 	snop  }
0x38: {  	[tilespmem:s21], [sflag:$0x1] =	stream.indirect_vreg.gather [hbm4b:s2+s4], $0x80, v7, vm0, $0xb8;
	[tilespmem:$0xC580] =	vst v63  }
0x39: {  	_ = 	snop  }
0x3a: {  	[tilespmem:s22], [sflag:$0x1] =	stream.indirect_vreg.gather [hbm4b:s8+s4], $0x80, v7, vm0, $0xb8;
	[tilespmem:$0xC580] =	vst v63  }
0x3b: {  	s30 =	smul.u32 $0x300, s0;
	s3 =	rddreg [dreg:$0x0]  }
0x3c: {  	[tilespmem:s23], [sflag:$0x1] =	stream.indirect_vreg.gather [hbm4b:s9+s4], $0x80, v7, vm0, $0xb8;
	[tilespmem:$0xC580] =	vst v63  }
0x3d: {  	s10 =	simm.s32 $0x80;
	s1 =	sadd.s32 s3, s30  }
0x3e: {  	[tilespmem:s10], [sflag:$0x1] =	stream.linear.gather [hbm4b:s1+s4], $0x6000, $0x38;
	[tilespmem:$0xC580] =	vst v63  }
0x3f: {  	_ =	swait.ge [sflag:s24], $0x6000  }
0x40: {  	[sflag:s24] =	ssyncset.done $0x0  }
0x41: {  	[sflag:s24] =	ssyncadd.s32 $0xFFFFA000  }
0x42: {  	_ =	swait.ge [sflag:s24], $0x6000  }
0x43: {  	[sflag:s24] =	ssyncset.done $0x0  }
0x44: {  	[sflag:s24] =	ssyncadd.s32 $0xFFFFA000  }
.LBB2_3:
0x45: {  	s1 =	sshrl.u32 s4, $0x3  }
0x46: {  	s3 =	sadd.s32 $0xFFFFFF80, s10;
	s1 =	smul.u32 $0x1800, s1  }
0x47: {  	s12 =	sand.u32 $0x300, s3  }
0x48: {  	s3 =	sor.u32 s12, s1  }
0x49: {  	v7 =	vld [tilespmem:s3+$0x80]  }
0x4a: {  	v8 =	vld [tilespmem:s3+$0x6080]  }
0x4b: {  	v9 =	vld [tilespmem:s3+$0x90]  }
0x4c: {  	v10 =	vld [tilespmem:s3+$0x6090]  }
0x4d: {  	v11 =	vld [tilespmem:s3+$0xA0]  }
0x4e: {  	v12 =	vld [tilespmem:s3+$0x60A0]  }
0x4f: {  	v14 =	vld [tilespmem:s3+$0xB0]  }
0x50: {  	v15 =	vld [tilespmem:s3+$0x60B0]  }
0x51: {  	v17 =	vld [tilespmem:s3+$0xC0]  }
0x52: {  	v18 =	vld [tilespmem:s3+$0x60C0];
	v13 =	vmul.f32 v8, v7  }
0x53: {  	v24 =	vld [tilespmem:s3+$0xD0];
	v7 =	vmul.f32 v7, v7  }
0x54: {  	v26 =	vld [tilespmem:s3+$0x60D0];
	v16 =	vmul.f32 v10, v9;
	v9 =	vmul.f32 v9, v9;
	v13 =	vadd.f32 $0.0e+00, v13  }
0x55: {  	v28 =	vld [tilespmem:s3+$0xE0];
	v8 =	vmul.f32 v8, v8;
	v10 =	vmul.f32 v10, v10  }
0x56: {  	v31 =	vld [tilespmem:s3+$0x60E0];
	v21 =	vmul.f32 v12, v11;
	v22 =	vmul.f32 v11, v11;
	v13 =	vadd.f32 v16, v13  }
0x57: {  	v33 =	vld [tilespmem:s3+$0xF0];
	v23 =	vmul.f32 v12, v12;
	v25 =	vmul.f32 v15, v14;
	v7 =	vadd.f32 v9, v7  }
0x58: {  	v35 =	vld [tilespmem:s3+$0x60F0];
	v27 =	vmul.f32 v14, v14;
	v8 =	vadd.f32 v10, v8;
	v9 =	vadd.f32 v21, v13  }
0x59: {  	v37 =	vld [tilespmem:s3+$0x480];
	v29 =	vmul.f32 v15, v15;
	v30 =	vmul.f32 v18, v17;
	v7 =	vadd.f32 v22, v7  }
0x5a: {  	v39 =	vld [tilespmem:s3+$0x6480];
	v32 =	vmul.f32 v17, v17;
	v8 =	vadd.f32 v23, v8;
	v9 =	vadd.f32 v25, v9  }
0x5b: {  	v42 =	vld [tilespmem:s3+$0x490];
	v34 =	vmul.f32 v18, v18;
	v36 =	vmul.f32 v26, v24;
	v7 =	vadd.f32 v27, v7  }
0x5c: {  	v44 =	vld [tilespmem:s3+$0x6490];
	v12 =	vmul.f32 v24, v24;
	v8 =	vadd.f32 v29, v8;
	v9 =	vadd.f32 v30, v9  }
0x5d: {  	v46 =	vld [tilespmem:s3+$0x4A0];
	v38 =	vmul.f32 v26, v26;
	v40 =	vmul.f32 v31, v28;
	v7 =	vadd.f32 v32, v7  }
0x5e: {  	v49 =	vld [tilespmem:s3+$0x64A0];
	v11 =	vmul.f32 v28, v28;
	v8 =	vadd.f32 v34, v8;
	v9 =	vadd.f32 v36, v9  }
0x5f: {  	v51 =	vld [tilespmem:s3+$0x4B0];
	v41 =	vmul.f32 v31, v31;
	v43 =	vmul.f32 v35, v33;
	v7 =	vadd.f32 v12, v7  }
0x60: {  	v53 =	vld [tilespmem:s3+$0x64B0];
	v45 =	vmul.f32 v33, v33;
	v8 =	vadd.f32 v38, v8;
	v9 =	vadd.f32 v40, v9  }
0x61: {  	v55 =	vld [tilespmem:s3+$0x4C0];
	v47 =	vmul.f32 v35, v35;
	v48 =	vmul.f32 v39, v37;
	v7 =	vadd.f32 v11, v7  }
0x62: {  	v57 =	vld [tilespmem:s3+$0x64C0];
	v50 =	vmul.f32 v37, v37;
	v8 =	vadd.f32 v41, v8;
	v9 =	vadd.f32 v43, v9  }
0x63: {  	s30 =	sadd.s32 $0x800, s1;
	v61 =	vld [tilespmem:s3+$0x4D0];
	v52 =	vmul.f32 v39, v39;
	v54 =	vmul.f32 v44, v42;
	v7 =	vadd.f32 v45, v7  }
0x64: {  	v63 =	vld [tilespmem:s3+$0x64D0];
	s5 =	sor.u32 s12, s30;
	v56 =	vmul.f32 v44, v44;
	v8 =	vadd.f32 v47, v8;
	v9 =	vadd.f32 v48, v9  }
0x65: {  	v58 =	vmul.f32 v49, v46;
	v37 =	vld [tilespmem:s5+$0x90];
	v13 =	vmul.f32 v42, v42;
	v7 =	vadd.f32 v50, v7  }
0x66: {  	v59 =	vmul.f32 v46, v46;
	v39 =	vld [tilespmem:s5+$0x6090];
	v8 =	vadd.f32 v52, v8;
	v9 =	vadd.f32 v54, v9  }
0x67: {  	v60 =	vmul.f32 v49, v49;
	v62 =	vmul.f32 v53, v51;
	v22 =	vld [tilespmem:s3+$0x4E0];
	v7 =	vadd.f32 v13, v7  }
0x68: {  	v24 =	vmul.f32 v57, v55;
	v27 =	vld [tilespmem:s3+$0x4F0];
	v8 =	vadd.f32 v56, v8;
	v9 =	vadd.f32 v58, v9  }
0x69: {  	v26 =	vmul.f32 v55, v55;
	v21 =	vmul.f32 v51, v51;
	v25 =	vld [tilespmem:s3+$0x64E0];
	v7 =	vadd.f32 v59, v7  }
0x6a: {  	v23 =	vmul.f32 v53, v53;
	v29 =	vld [tilespmem:s3+$0x64F0];
	v8 =	vadd.f32 v60, v8;
	v9 =	vadd.f32 v62, v9  }
0x6b: {  	v28 =	vmul.f32 v57, v57;
	v49 =	vmul.f32 v39, v37;
	v7 =	vadd.f32 v21, v7  }
0x6c: {  	v31 =	vld [tilespmem:s5+$0x80];
	v30 =	vmul.f32 v63, v61;
	v8 =	vadd.f32 v23, v8;
	v9 =	vadd.f32 v24, v9  }
0x6d: {  	v33 =	vld [tilespmem:s5+$0x6080];
	v32 =	vmul.f32 v63, v63;
	v13 =	vmul.f32 v61, v61;
	v7 =	vadd.f32 v26, v7  }
0x6e: {  	v44 =	vld [tilespmem:s5+$0x60A0];
	v34 =	vmul.f32 v25, v22;
	v8 =	vadd.f32 v28, v8;
	v9 =	vadd.f32 v30, v9  }
0x6f: {  	v46 =	vld [tilespmem:s5+$0xB0];
	v35 =	vmul.f32 v22, v22;
	v38 =	vmul.f32 v29, v27;
	v7 =	vadd.f32 v13, v7  }
0x70: {  	s3 =	sadd.s32 $0xC00, s1;
	v63 =	vld [tilespmem:s5+$0x60E0];
	v36 =	vmul.f32 v25, v25;
	v8 =	vadd.f32 v32, v8;
	v9 =	vadd.f32 v34, v9  }
0x71: {  	s6 =	sor.u32 s12, s3;
	v42 =	vmul.f32 v29, v29;
	v41 =	vld [tilespmem:s5+$0xA0];
	v40 =	vmul.f32 v27, v27;
	v7 =	vadd.f32 v35, v7  }
0x72: {  	v25 =	vld [tilespmem:s6+$0x80];
	v43 =	vmul.f32 v33, v31;
	v8 =	vadd.f32 v36, v8;
	v9 =	vadd.f32 v38, v9  }
0x73: {  	v55 =	vmul.f32 v44, v44;
	v45 =	vmul.f32 v31, v31;
	v48 =	vld [tilespmem:s5+$0x60B0];
	v7 =	vadd.f32 v40, v7  }
0x74: {  	v47 =	vmul.f32 v33, v33;
	v50 =	vld [tilespmem:s5+$0xC0];
	v8 =	vadd.f32 v42, v8;
	v9 =	vadd.f32 v43, v9  }
0x75: {  	v51 =	vmul.f32 v39, v39;
	v52 =	vld [tilespmem:s5+$0x60C0];
	v13 =	vmul.f32 v37, v37;
	v7 =	vadd.f32 v45, v7  }
0x76: {  	v53 =	vmul.f32 v44, v41;
	v56 =	vld [tilespmem:s5+$0xD0];
	v8 =	vadd.f32 v47, v8;
	v9 =	vadd.f32 v49, v9  }
0x77: {  	v39 =	vmul.f32 v25, v25;
	v54 =	vmul.f32 v41, v41;
	v58 =	vld [tilespmem:s5+$0x60D0];
	v7 =	vadd.f32 v13, v7  }
0x78: {  	v60 =	vld [tilespmem:s5+$0xE0];
	v57 =	vmul.f32 v48, v46;
	v8 =	vadd.f32 v51, v8;
	v9 =	vadd.f32 v53, v9  }
0x79: {  	v59 =	vmul.f32 v46, v46;
	v21 =	vld [tilespmem:s5+$0xF0];
	v61 =	vmul.f32 v48, v48;
	v7 =	vadd.f32 v54, v7  }
0x7a: {  	v23 =	vld [tilespmem:s5+$0x60F0];
	v62 =	vmul.f32 v52, v50;
	v8 =	vadd.f32 v55, v8;
	v9 =	vadd.f32 v57, v9  }
0x7b: {  	v27 =	vld [tilespmem:s6+$0x6080];
	v20 =	vmul.f32 v50, v50;
	v22 =	vmul.f32 v52, v52;
	v7 =	vadd.f32 v59, v7  }
0x7c: {  	v31 =	vld [tilespmem:s6+$0x90];
	v24 =	vmul.f32 v58, v56;
	v8 =	vadd.f32 v61, v8;
	v9 =	vadd.f32 v62, v9  }
0x7d: {  	v33 =	vld [tilespmem:s6+$0x6090];
	v28 =	vmul.f32 v63, v60;
	v13 =	vmul.f32 v56, v56;
	v7 =	vadd.f32 v20, v7  }
0x7e: {  	v44 =	vld [tilespmem:s6+$0xC0];
	v26 =	vmul.f32 v58, v58;
	v8 =	vadd.f32 v22, v8;
	v9 =	vadd.f32 v24, v9  }
0x7f: {  	v29 =	vmul.f32 v60, v60;
	v32 =	vmul.f32 v23, v21;
	v35 =	vld [tilespmem:s6+$0xA0];
	v7 =	vadd.f32 v13, v7  }
0x80: {  	v30 =	vmul.f32 v63, v63;
	v40 =	vld [tilespmem:s6+$0xB0];
	v8 =	vadd.f32 v26, v8;
	v9 =	vadd.f32 v28, v9  }
0x81: {  	v37 =	vmul.f32 v27, v25;
	v34 =	vmul.f32 v21, v21;
	v38 =	vld [tilespmem:s6+$0x60A0];
	v7 =	vadd.f32 v29, v7  }
0x82: {  	v36 =	vmul.f32 v23, v23;
	v42 =	vld [tilespmem:s6+$0x60B0];
	v8 =	vadd.f32 v30, v8;
	v9 =	vadd.f32 v32, v9  }
0x83: {  	v41 =	vmul.f32 v27, v27;
	v46 =	vld [tilespmem:s6+$0x60C0];
	v58 =	vmul.f32 v44, v44;
	v7 =	vadd.f32 v34, v7  }
0x84: {  	s5 =	sadd.s32 $0x1000, s1;
	v50 =	vld [tilespmem:s6+$0xD0];
	v43 =	vmul.f32 v33, v31;
	v8 =	vadd.f32 v36, v8;
	v9 =	vadd.f32 v37, v9  }
0x85: {  	s13 =	sor.u32 s12, s5;
	v52 =	vld [tilespmem:s6+$0x60D0];
	v45 =	vmul.f32 v33, v33;
	v13 =	vmul.f32 v31, v31;
	v7 =	vadd.f32 v39, v7  }
0x86: {  	v33 =	vld [tilespmem:s13+$0x60A0];
	v47 =	vmul.f32 v38, v35;
	v8 =	vadd.f32 v41, v8;
	v9 =	vadd.f32 v43, v9  }
0x87: {  	v48 =	vmul.f32 v35, v35;
	v51 =	vmul.f32 v42, v40;
	v54 =	vld [tilespmem:s6+$0xE0];
	v7 =	vadd.f32 v13, v7  }
0x88: {  	v49 =	vmul.f32 v38, v38;
	v59 =	vld [tilespmem:s6+$0xF0];
	v8 =	vadd.f32 v45, v8;
	v9 =	vadd.f32 v47, v9  }
0x89: {  	v56 =	vmul.f32 v46, v44;
	v53 =	vmul.f32 v40, v40;
	v57 =	vld [tilespmem:s6+$0x60E0];
	v7 =	vadd.f32 v48, v7  }
0x8a: {  	v55 =	vmul.f32 v42, v42;
	v61 =	vld [tilespmem:s6+$0x60F0];
	v8 =	vadd.f32 v49, v8;
	v9 =	vadd.f32 v51, v9  }
0x8b: {  	v60 =	vmul.f32 v46, v46;
	v63 =	vld [tilespmem:s13+$0x80];
	v21 =	vmul.f32 v52, v52;
	v7 =	vadd.f32 v53, v7  }
0x8c: {  	v35 =	vld [tilespmem:s13+$0xB0];
	v62 =	vmul.f32 v52, v50;
	v8 =	vadd.f32 v55, v8;
	v9 =	vadd.f32 v56, v9  }
0x8d: {  	v44 =	vmul.f32 v33, v33;
	v22 =	vld [tilespmem:s13+$0x6080];
	v13 =	vmul.f32 v50, v50;
	v7 =	vadd.f32 v58, v7  }
0x8e: {  	v26 =	vld [tilespmem:s13+$0x90];
	v23 =	vmul.f32 v57, v54;
	v8 =	vadd.f32 v60, v8;
	v9 =	vadd.f32 v62, v9  }
0x8f: {  	v27 =	vmul.f32 v61, v59;
	v24 =	vmul.f32 v54, v54;
	v28 =	vld [tilespmem:s13+$0x6090];
	v7 =	vadd.f32 v13, v7  }
0x90: {  	s6 =	sadd.s32 $0x1400, s1;
	v30 =	vld [tilespmem:s13+$0xA0];
	v25 =	vmul.f32 v57, v57;
	v8 =	vadd.f32 v21, v8;
	v9 =	vadd.f32 v23, v9  }
0x91: {  	s12 =	sor.u32 s12, s6;
	v52 =	vld [tilespmem:s13+$0x60E0];
	v31 =	vmul.f32 v61, v61;
	v29 =	vmul.f32 v59, v59;
	v7 =	vadd.f32 v24, v7  }
0x92: {  	v57 =	vld [tilespmem:s12+$0x80];
	v32 =	vmul.f32 v22, v63;
	v8 =	vadd.f32 v25, v8;
	v9 =	vadd.f32 v27, v9  }
0x93: {  	v34 =	vmul.f32 v63, v63;
	v36 =	vmul.f32 v22, v22;
	v37 =	vld [tilespmem:s13+$0x60B0];
	v7 =	vadd.f32 v29, v7  }
0x94: {  	v39 =	vld [tilespmem:s13+$0xC0];
	v38 =	vmul.f32 v28, v26;
	v8 =	vadd.f32 v31, v8;
	v9 =	vadd.f32 v32, v9  }
0x95: {  	v41 =	vld [tilespmem:s13+$0x60C0];
	v42 =	vmul.f32 v33, v30;
	v13 =	vmul.f32 v26, v26;
	v7 =	vadd.f32 v34, v7  }
0x96: {  	v45 =	vld [tilespmem:s13+$0xD0];
	v40 =	vmul.f32 v28, v28;
	v8 =	vadd.f32 v36, v8;
	v9 =	vadd.f32 v38, v9  }
0x97: {  	v28 =	vmul.f32 v57, v57;
	v43 =	vmul.f32 v30, v30;
	v47 =	vld [tilespmem:s13+$0x60D0];
	v7 =	vadd.f32 v13, v7  }
0x98: {  	v49 =	vld [tilespmem:s13+$0xE0];
	v46 =	vmul.f32 v37, v35;
	v8 =	vadd.f32 v40, v8;
	v9 =	vadd.f32 v42, v9  }
0x99: {  	v19 =	vld [tilespmem:s13+$0x60F0];
	v48 =	vmul.f32 v35, v35;
	v50 =	vmul.f32 v37, v37;
	v7 =	vadd.f32 v43, v7  }
0x9a: {  	v54 =	vld [tilespmem:s13+$0xF0];
	v51 =	vmul.f32 v41, v39;
	v8 =	vadd.f32 v44, v8;
	v9 =	vadd.f32 v46, v9  }
0x9b: {  	v59 =	vld [tilespmem:s12+$0x6080];
	v53 =	vmul.f32 v39, v39;
	v55 =	vmul.f32 v41, v41;
	v7 =	vadd.f32 v48, v7  }
0x9c: {  	v63 =	vld [tilespmem:s12+$0x90];
	v56 =	vmul.f32 v47, v45;
	v8 =	vadd.f32 v50, v8;
	v9 =	vadd.f32 v51, v9  }
0x9d: {  	v22 =	vld [tilespmem:s12+$0x6090];
	v60 =	vmul.f32 v52, v49;
	v13 =	vmul.f32 v45, v45;
	v7 =	vadd.f32 v53, v7  }
0x9e: {  	v33 =	vld [tilespmem:s12+$0xC0];
	v58 =	vmul.f32 v47, v47;
	v8 =	vadd.f32 v55, v8;
	v9 =	vadd.f32 v56, v9  }
0x9f: {  	v61 =	vmul.f32 v49, v49;
	v21 =	vmul.f32 v19, v54;
	v24 =	vld [tilespmem:s12+$0xA0];
	v7 =	vadd.f32 v13, v7  }
0xa0: {  	v62 =	vmul.f32 v52, v52;
	v29 =	vld [tilespmem:s12+$0xB0];
	v8 =	vadd.f32 v58, v8;
	v9 =	vadd.f32 v60, v9  }
0xa1: {  	v26 =	vmul.f32 v59, v57;
	v23 =	vmul.f32 v54, v54;
	v27 =	vld [tilespmem:s12+$0x60A0];
	v7 =	vadd.f32 v61, v7  }
0xa2: {  	v25 =	vmul.f32 v19, v19;
	v31 =	vld [tilespmem:s12+$0x60B0];
	v8 =	vadd.f32 v62, v8;
	v9 =	vadd.f32 v21, v9  }
0xa3: {  	v30 =	vmul.f32 v59, v59;
	v47 =	vmul.f32 v33, v33;
	v7 =	vadd.f32 v23, v7  }
0xa4: {  	v35 =	vld [tilespmem:s12+$0x60C0];
	v32 =	vmul.f32 v22, v63;
	v8 =	vadd.f32 v25, v8;
	v9 =	vadd.f32 v26, v9  }
0xa5: {  	v39 =	vld [tilespmem:s12+$0xD0];
	v34 =	vmul.f32 v22, v22;
	v13 =	vmul.f32 v63, v63;
	v7 =	vadd.f32 v28, v7  }
0xa6: {  	v41 =	vld [tilespmem:s12+$0x60D0];
	v36 =	vmul.f32 v27, v24;
	v8 =	vadd.f32 v30, v8;
	v9 =	vadd.f32 v32, v9  }
0xa7: {  	v37 =	vmul.f32 v24, v24;
	v40 =	vmul.f32 v31, v29;
	v43 =	vld [tilespmem:s12+$0xE0];
	v7 =	vadd.f32 v13, v7  }
0xa8: {  	v38 =	vmul.f32 v27, v27;
	v48 =	vld [tilespmem:s12+$0xF0];
	v8 =	vadd.f32 v34, v8;
	v9 =	vadd.f32 v36, v9  }
0xa9: {  	v45 =	vmul.f32 v35, v33;
	v42 =	vmul.f32 v29, v29;
	v46 =	vld [tilespmem:s12+$0x60E0];
	v7 =	vadd.f32 v37, v7  }
0xaa: {  	v44 =	vmul.f32 v31, v31;
	v50 =	vld [tilespmem:s12+$0x60F0];
	v8 =	vadd.f32 v38, v8;
	v9 =	vadd.f32 v40, v9  }
0xab: {  	v49 =	vmul.f32 v35, v35;
	v52 =	vmul.f32 v41, v41;
	v7 =	vadd.f32 v42, v7  }
0xac: {  	v51 =	vmul.f32 v41, v39;
	v8 =	vadd.f32 v44, v8;
	v9 =	vadd.f32 v45, v9  }
0xad: {  	v55 =	vadd.s32 s4, v4;
	v13 =	vmul.f32 v39, v39;
	v7 =	vadd.f32 v47, v7  }
0xae: {  	v53 =	vmul.f32 v46, v43;
	v8 =	vadd.f32 v49, v8;
	v9 =	vadd.f32 v51, v9  }
0xaf: {  	v54 =	vmul.f32 v43, v43;
	v57 =	vmul.f32 v50, v48;
	v7 =	vadd.f32 v13, v7  }
0xb0: {  	v56 =	vmul.f32 v46, v46;
	v8 =	vadd.f32 v52, v8;
	v9 =	vadd.f32 v53, v9  }
0xb1: {  	v58 =	vmul.f32 v48, v48;
	v7 =	vadd.f32 v54, v7  }
0xb2: {  	v59 =	vmul.f32 v50, v50;
	v8 =	vadd.f32 v56, v8;
	v9 =	vadd.f32 v57, v9  }
0xb3: {  	v7 =	vadd.f32 v58, v7  }
0xb4: {  	v8 =	vadd.f32 v59, v8;
	[tilespmem:v55+s25+$0x0] =	vst.idx.msk $0xffff, v9  }
0xb5: {  	s13 =	sand.u32 $0x380, s10;
	[tilespmem:v55+s26+$0x0] =	vst.idx.msk $0xffff, v7  }
0xb6: {  	s1 =	sor.u32 s1, s13;
	[tilespmem:v55+s28+$0x0] =	vst.idx.msk $0xffff, v8  }
0xb7: {  	v7 =	vld [tilespmem:s1+$0x80]  }
0xb8: {  	v8 =	vld [tilespmem:s1+$0x6080]  }
0xb9: {  	v9 =	vld [tilespmem:s1+$0x90]  }
0xba: {  	v60 =	vld [tilespmem:s1+$0x6090]  }
0xbb: {  	v61 =	vld [tilespmem:s1+$0xA0]  }
0xbc: {  	v12 =	vld [tilespmem:s1+$0x60A0]  }
0xbd: {  	v63 =	vld [tilespmem:s1+$0xB0]  }
0xbe: {  	v21 =	vld [tilespmem:s1+$0x60B0]  }
0xbf: {  	v23 =	vld [tilespmem:s1+$0xC0]  }
0xc0: {  	v24 =	vld [tilespmem:s1+$0x60C0];
	v62 =	vmul.f32 v8, v7  }
0xc1: {  	v28 =	vld [tilespmem:s1+$0xD0];
	v7 =	vmul.f32 v7, v7;
	v22 =	vmul.f32 v60, v9  }
0xc2: {  	v30 =	vld [tilespmem:s1+$0x60D0];
	v9 =	vmul.f32 v9, v9;
	v8 =	vmul.f32 v8, v8;
	v13 =	vadd.f32 $0.0e+00, v62  }
0xc3: {  	v32 =	vld [tilespmem:s1+$0xE0];
	v10 =	vmul.f32 v60, v60;
	v25 =	vmul.f32 v12, v61  }
0xc4: {  	v35 =	vld [tilespmem:s1+$0x60E0];
	v26 =	vmul.f32 v61, v61;
	v27 =	vmul.f32 v12, v12;
	v13 =	vadd.f32 v22, v13  }
0xc5: {  	v37 =	vld [tilespmem:s1+$0xF0];
	v29 =	vmul.f32 v21, v63;
	v31 =	vmul.f32 v63, v63;
	v7 =	vadd.f32 v9, v7  }
0xc6: {  	v39 =	vld [tilespmem:s1+$0x60F0];
	v33 =	vmul.f32 v21, v21;
	v8 =	vadd.f32 v10, v8;
	v9 =	vadd.f32 v25, v13  }
0xc7: {  	v41 =	vld [tilespmem:s1+$0x480];
	v34 =	vmul.f32 v24, v23;
	v36 =	vmul.f32 v23, v23;
	v7 =	vadd.f32 v26, v7  }
0xc8: {  	v43 =	vld [tilespmem:s1+$0x6480];
	v38 =	vmul.f32 v24, v24;
	v8 =	vadd.f32 v27, v8;
	v9 =	vadd.f32 v29, v9  }
0xc9: {  	v46 =	vld [tilespmem:s1+$0x490];
	v40 =	vmul.f32 v30, v28;
	v12 =	vmul.f32 v28, v28;
	v7 =	vadd.f32 v31, v7  }
0xca: {  	v48 =	vld [tilespmem:s1+$0x6490];
	v42 =	vmul.f32 v30, v30;
	v8 =	vadd.f32 v33, v8;
	v9 =	vadd.f32 v34, v9  }
0xcb: {  	v50 =	vld [tilespmem:s1+$0x4A0];
	v44 =	vmul.f32 v35, v32;
	v11 =	vmul.f32 v32, v32;
	v7 =	vadd.f32 v36, v7  }
0xcc: {  	v53 =	vld [tilespmem:s1+$0x64A0];
	v45 =	vmul.f32 v35, v35;
	v8 =	vadd.f32 v38, v8;
	v9 =	vadd.f32 v40, v9  }
0xcd: {  	v55 =	vld [tilespmem:s1+$0x4B0];
	v47 =	vmul.f32 v39, v37;
	v49 =	vmul.f32 v37, v37;
	v7 =	vadd.f32 v12, v7  }
0xce: {  	v57 =	vld [tilespmem:s1+$0x64B0];
	v51 =	vmul.f32 v39, v39;
	v8 =	vadd.f32 v42, v8;
	v9 =	vadd.f32 v44, v9  }
0xcf: {  	v59 =	vld [tilespmem:s1+$0x4C0];
	v52 =	vmul.f32 v43, v41;
	v54 =	vmul.f32 v41, v41;
	v7 =	vadd.f32 v11, v7  }
0xd0: {  	v56 =	vmul.f32 v43, v43;
	v61 =	vld [tilespmem:s1+$0x64C0];
	v8 =	vadd.f32 v45, v8;
	v9 =	vadd.f32 v47, v9  }
0xd1: {  	v58 =	vmul.f32 v48, v46;
	v60 =	vmul.f32 v48, v48;
	v21 =	vld [tilespmem:s1+$0x4D0];
	v7 =	vadd.f32 v49, v7  }
0xd2: {  	v63 =	vmul.f32 v50, v50;
	v23 =	vld [tilespmem:s1+$0x64D0];
	v8 =	vadd.f32 v51, v8;
	v9 =	vadd.f32 v52, v9  }
0xd3: {  	v20 =	vmul.f32 v53, v53;
	v28 =	vld [tilespmem:s1+$0x64E0];
	v13 =	vmul.f32 v46, v46;
	v7 =	vadd.f32 v54, v7  }
0xd4: {  	v30 =	vld [tilespmem:s1+$0x4F0];
	v62 =	vmul.f32 v53, v50;
	v8 =	vadd.f32 v56, v8;
	v9 =	vadd.f32 v58, v9  }
0xd5: {  	v24 =	vmul.f32 v55, v55;
	v32 =	vld [tilespmem:s1+$0x64F0];
	v22 =	vmul.f32 v57, v55;
	v7 =	vadd.f32 v13, v7  }
0xd6: {  	s30 =	sor.u32 s13, s30;
	v26 =	vmul.f32 v57, v57;
	v25 =	vld [tilespmem:s1+$0x4E0];
	v8 =	vadd.f32 v60, v8;
	v9 =	vadd.f32 v62, v9  }
0xd7: {  	v27 =	vmul.f32 v61, v59;
	v31 =	vmul.f32 v61, v61;
	v61 =	vld [tilespmem:s30+$0x60D0];
	v7 =	vadd.f32 v63, v7  }
0xd8: {  	v35 =	vmul.f32 v23, v23;
	v36 =	vld [tilespmem:s30+$0x6080];
	v8 =	vadd.f32 v20, v8;
	v9 =	vadd.f32 v22, v9  }
0xd9: {  	v39 =	vmul.f32 v28, v28;
	v29 =	vmul.f32 v59, v59;
	v59 =	vld [tilespmem:s30+$0xD0];
	v7 =	vadd.f32 v24, v7  }
0xda: {  	v33 =	vmul.f32 v23, v21;
	v34 =	vld [tilespmem:s30+$0x80];
	v8 =	vadd.f32 v26, v8;
	v9 =	vadd.f32 v27, v9  }
0xdb: {  	v41 =	vmul.f32 v32, v30;
	v42 =	vld [tilespmem:s30+$0x6090];
	v13 =	vmul.f32 v21, v21;
	v7 =	vadd.f32 v29, v7  }
0xdc: {  	v37 =	vmul.f32 v28, v25;
	v40 =	vld [tilespmem:s30+$0x90];
	v8 =	vadd.f32 v31, v8;
	v9 =	vadd.f32 v33, v9  }
0xdd: {  	v43 =	vmul.f32 v30, v30;
	v38 =	vmul.f32 v25, v25;
	v44 =	vld [tilespmem:s30+$0xA0];
	v7 =	vadd.f32 v13, v7  }
0xde: {  	v30 =	vmul.f32 v61, v61;
	v49 =	vld [tilespmem:s30+$0xB0];
	v8 =	vadd.f32 v35, v8;
	v9 =	vadd.f32 v37, v9  }
0xdf: {  	v45 =	vmul.f32 v32, v32;
	v50 =	vmul.f32 v36, v36;
	v47 =	vld [tilespmem:s30+$0x60A0];
	v7 =	vadd.f32 v38, v7  }
0xe0: {  	v51 =	vld [tilespmem:s30+$0x60B0];
	v46 =	vmul.f32 v36, v34;
	v8 =	vadd.f32 v39, v8;
	v9 =	vadd.f32 v41, v9  }
0xe1: {  	v28 =	vmul.f32 v61, v59;
	v48 =	vmul.f32 v34, v34;
	v7 =	vadd.f32 v43, v7  }
0xe2: {  	v53 =	vld [tilespmem:s30+$0xC0];
	v52 =	vmul.f32 v42, v40;
	v8 =	vadd.f32 v45, v8;
	v9 =	vadd.f32 v46, v9  }
0xe3: {  	v55 =	vld [tilespmem:s30+$0x60C0];
	v54 =	vmul.f32 v42, v42;
	v13 =	vmul.f32 v40, v40;
	v7 =	vadd.f32 v48, v7  }
0xe4: {  	v23 =	vld [tilespmem:s30+$0x60E0];
	v56 =	vmul.f32 v47, v44;
	v8 =	vadd.f32 v50, v8;
	v9 =	vadd.f32 v52, v9  }
0xe5: {  	s3 =	sor.u32 s13, s3;
	v25 =	vld [tilespmem:s30+$0xF0];
	v57 =	vmul.f32 v44, v44;
	v60 =	vmul.f32 v51, v49;
	v7 =	vadd.f32 v13, v7  }
0xe6: {  	v61 =	vld [tilespmem:s3+$0x60E0];
	v58 =	vmul.f32 v47, v47;
	v8 =	vadd.f32 v54, v8;
	v9 =	vadd.f32 v56, v9  }
0xe7: {  	v21 =	vmul.f32 v51, v51;
	v63 =	vld [tilespmem:s30+$0xE0];
	v62 =	vmul.f32 v49, v49;
	v7 =	vadd.f32 v57, v7  }
0xe8: {  	v42 =	vld [tilespmem:s3+$0x60A0];
	v22 =	vmul.f32 v55, v53;
	v8 =	vadd.f32 v58, v8;
	v9 =	vadd.f32 v60, v9  }
0xe9: {  	v24 =	vmul.f32 v53, v53;
	v27 =	vld [tilespmem:s30+$0x60F0];
	v7 =	vadd.f32 v62, v7  }
0xea: {  	v26 =	vmul.f32 v55, v55;
	v29 =	vld [tilespmem:s3+$0x80];
	v8 =	vadd.f32 v21, v8;
	v9 =	vadd.f32 v22, v9  }
0xeb: {  	v34 =	vmul.f32 v23, v23;
	v31 =	vld [tilespmem:s3+$0x6080];
	v13 =	vmul.f32 v59, v59;
	v7 =	vadd.f32 v24, v7  }
0xec: {  	v32 =	vmul.f32 v23, v63;
	v35 =	vld [tilespmem:s3+$0x90];
	v8 =	vadd.f32 v26, v8;
	v9 =	vadd.f32 v28, v9  }
0xed: {  	v53 =	vmul.f32 v42, v42;
	v33 =	vmul.f32 v63, v63;
	v37 =	vld [tilespmem:s3+$0x6090];
	v7 =	vadd.f32 v13, v7  }
0xee: {  	v39 =	vld [tilespmem:s3+$0xA0];
	v36 =	vmul.f32 v27, v25;
	v8 =	vadd.f32 v30, v8;
	v9 =	vadd.f32 v32, v9  }
0xef: {  	s5 =	sor.u32 s13, s5;
	v44 =	vld [tilespmem:s3+$0xB0];
	v38 =	vmul.f32 v25, v25;
	v40 =	vmul.f32 v27, v27;
	v7 =	vadd.f32 v33, v7  }
0xf0: {  	v23 =	vld [tilespmem:s5+$0x80];
	v41 =	vmul.f32 v31, v29;
	v8 =	vadd.f32 v34, v8;
	v9 =	vadd.f32 v36, v9  }
0xf1: {  	v43 =	vmul.f32 v29, v29;
	v45 =	vmul.f32 v31, v31;
	v46 =	vld [tilespmem:s3+$0x60B0];
	v7 =	vadd.f32 v38, v7  }
0xf2: {  	v48 =	vld [tilespmem:s3+$0xC0];
	v47 =	vmul.f32 v37, v35;
	v8 =	vadd.f32 v40, v8;
	v9 =	vadd.f32 v41, v9  }
0xf3: {  	v50 =	vld [tilespmem:s3+$0x60C0];
	v51 =	vmul.f32 v42, v39;
	v13 =	vmul.f32 v35, v35;
	v7 =	vadd.f32 v43, v7  }
0xf4: {  	v54 =	vld [tilespmem:s3+$0xD0];
	v49 =	vmul.f32 v37, v37;
	v8 =	vadd.f32 v45, v8;
	v9 =	vadd.f32 v47, v9  }
0xf5: {  	v37 =	vmul.f32 v23, v23;
	v52 =	vmul.f32 v39, v39;
	v56 =	vld [tilespmem:s3+$0x60D0];
	v7 =	vadd.f32 v13, v7  }
0xf6: {  	v58 =	vld [tilespmem:s3+$0xE0];
	v55 =	vmul.f32 v46, v44;
	v8 =	vadd.f32 v49, v8;
	v9 =	vadd.f32 v51, v9  }
0xf7: {  	v63 =	vld [tilespmem:s3+$0xF0];
	v57 =	vmul.f32 v44, v44;
	v59 =	vmul.f32 v46, v46;
	v7 =	vadd.f32 v52, v7  }
0xf8: {  	v21 =	vld [tilespmem:s3+$0x60F0];
	v60 =	vmul.f32 v50, v48;
	v8 =	vadd.f32 v53, v8;
	v9 =	vadd.f32 v55, v9  }
0xf9: {  	v25 =	vld [tilespmem:s5+$0x6080];
	v20 =	vmul.f32 v50, v50;
	v62 =	vmul.f32 v48, v48;
	v7 =	vadd.f32 v57, v7  }
0xfa: {  	v29 =	vld [tilespmem:s5+$0x90];
	v22 =	vmul.f32 v56, v54;
	v8 =	vadd.f32 v59, v8;
	v9 =	vadd.f32 v60, v9  }
0xfb: {  	v31 =	vld [tilespmem:s5+$0x6090];
	v26 =	vmul.f32 v61, v58;
	v13 =	vmul.f32 v54, v54;
	v7 =	vadd.f32 v62, v7  }
0xfc: {  	v42 =	vld [tilespmem:s5+$0xC0];
	v24 =	vmul.f32 v56, v56;
	v8 =	vadd.f32 v20, v8;
	v9 =	vadd.f32 v22, v9  }
0xfd: {  	v27 =	vmul.f32 v58, v58;
	v30 =	vmul.f32 v21, v63;
	v33 =	vld [tilespmem:s5+$0xA0];
	v7 =	vadd.f32 v13, v7  }
0xfe: {  	v28 =	vmul.f32 v61, v61;
	v38 =	vld [tilespmem:s5+$0xB0];
	v8 =	vadd.f32 v24, v8;
	v9 =	vadd.f32 v26, v9  }
0xff: {  	v35 =	vmul.f32 v25, v23;
	v32 =	vmul.f32 v63, v63;
	v36 =	vld [tilespmem:s5+$0x60A0];
	v7 =	vadd.f32 v27, v7  }
0x100: {  	v34 =	vmul.f32 v21, v21;
	v40 =	vld [tilespmem:s5+$0x60B0];
	v8 =	vadd.f32 v28, v8;
	v9 =	vadd.f32 v30, v9  }
0x101: {  	v39 =	vmul.f32 v25, v25;
	v44 =	vld [tilespmem:s5+$0x60C0];
	v56 =	vmul.f32 v42, v42;
	v7 =	vadd.f32 v32, v7  }
0x102: {  	v48 =	vld [tilespmem:s5+$0xD0];
	v41 =	vmul.f32 v31, v29;
	v8 =	vadd.f32 v34, v8;
	v9 =	vadd.f32 v35, v9  }
0x103: {  	s13 =	sor.u32 s13, s6;
	v50 =	vld [tilespmem:s5+$0x60D0];
	v43 =	vmul.f32 v31, v31;
	v13 =	vmul.f32 v29, v29;
	v7 =	vadd.f32 v37, v7  }
0x104: {  	v31 =	vld [tilespmem:s13+$0x60A0];
	v45 =	vmul.f32 v36, v33;
	v8 =	vadd.f32 v39, v8;
	v9 =	vadd.f32 v41, v9  }
0x105: {  	v46 =	vmul.f32 v33, v33;
	v49 =	vmul.f32 v40, v38;
	v52 =	vld [tilespmem:s5+$0xE0];
	v7 =	vadd.f32 v13, v7  }
0x106: {  	v47 =	vmul.f32 v36, v36;
	v57 =	vld [tilespmem:s5+$0xF0];
	v8 =	vadd.f32 v43, v8;
	v9 =	vadd.f32 v45, v9  }
0x107: {  	v54 =	vmul.f32 v44, v42;
	v51 =	vmul.f32 v38, v38;
	v55 =	vld [tilespmem:s5+$0x60E0];
	v7 =	vadd.f32 v46, v7  }
0x108: {  	v53 =	vmul.f32 v40, v40;
	v59 =	vld [tilespmem:s5+$0x60F0];
	v8 =	vadd.f32 v47, v8;
	v9 =	vadd.f32 v49, v9  }
0x109: {  	v58 =	vmul.f32 v44, v44;
	v42 =	vmul.f32 v31, v31;
	v7 =	vadd.f32 v51, v7  }
0x10a: {  	v61 =	vld [tilespmem:s13+$0x80];
	v60 =	vmul.f32 v50, v48;
	v8 =	vadd.f32 v53, v8;
	v9 =	vadd.f32 v54, v9  }
0x10b: {  	v63 =	vld [tilespmem:s13+$0x6080];
	v62 =	vmul.f32 v50, v50;
	v13 =	vmul.f32 v48, v48;
	v7 =	vadd.f32 v56, v7  }
0x10c: {  	v24 =	vld [tilespmem:s13+$0x90];
	v21 =	vmul.f32 v55, v52;
	v8 =	vadd.f32 v58, v8;
	v9 =	vadd.f32 v60, v9  }
0x10d: {  	v25 =	vmul.f32 v59, v57;
	v22 =	vmul.f32 v52, v52;
	v26 =	vld [tilespmem:s13+$0x6090];
	v7 =	vadd.f32 v13, v7  }
0x10e: {  	v28 =	vld [tilespmem:s13+$0xA0];
	v23 =	vmul.f32 v55, v55;
	v8 =	vadd.f32 v62, v8;
	v9 =	vadd.f32 v21, v9  }
0x10f: {  	v33 =	vld [tilespmem:s13+$0xB0];
	v29 =	vmul.f32 v59, v59;
	v27 =	vmul.f32 v57, v57;
	v7 =	vadd.f32 v22, v7  }
0x110: {  	v50 =	vld [tilespmem:s13+$0x60E0];
	v30 =	vmul.f32 v63, v61;
	v8 =	vadd.f32 v23, v8;
	v9 =	vadd.f32 v25, v9  }
0x111: {  	v32 =	vmul.f32 v61, v61;
	v34 =	vmul.f32 v63, v63;
	v35 =	vld [tilespmem:s13+$0x60B0];
	v7 =	vadd.f32 v27, v7  }
0x112: {  	v37 =	vld [tilespmem:s13+$0xC0];
	v36 =	vmul.f32 v26, v24;
	v8 =	vadd.f32 v29, v8;
	v9 =	vadd.f32 v30, v9  }
0x113: {  	v39 =	vld [tilespmem:s13+$0x60C0];
	v40 =	vmul.f32 v31, v28;
	v13 =	vmul.f32 v24, v24;
	v7 =	vadd.f32 v32, v7  }
0x114: {  	s30 =	sadd.s32 $0x1, s4;
	v43 =	vld [tilespmem:s13+$0xD0];
	v38 =	vmul.f32 v26, v26;
	v8 =	vadd.f32 v34, v8;
	v9 =	vadd.f32 v36, v9  }
0x115: {  	v59 =	vadd.s32 s30, v4;
	v41 =	vmul.f32 v28, v28;
	v45 =	vld [tilespmem:s13+$0x60D0];
	v7 =	vadd.f32 v13, v7  }
0x116: {  	v47 =	vld [tilespmem:s13+$0xE0];
	v44 =	vmul.f32 v35, v33;
	v8 =	vadd.f32 v38, v8;
	v9 =	vadd.f32 v40, v9  }
0x117: {  	v46 =	vmul.f32 v33, v33;
	v48 =	vmul.f32 v35, v35;
	v7 =	vadd.f32 v41, v7  }
0x118: {  	v52 =	vld [tilespmem:s13+$0xF0];
	v49 =	vmul.f32 v39, v37;
	v8 =	vadd.f32 v42, v8;
	v9 =	vadd.f32 v44, v9  }
0x119: {  	v51 =	vmul.f32 v37, v37;
	v53 =	vmul.f32 v39, v39;
	v54 =	vld [tilespmem:s13+$0x60F0];
	v7 =	vadd.f32 v46, v7  }
0x11a: {  	v55 =	vmul.f32 v45, v43;
	v8 =	vadd.f32 v48, v8;
	v9 =	vadd.f32 v49, v9  }
0x11b: {  	v57 =	vmul.f32 v50, v47;
	v13 =	vmul.f32 v43, v43;
	v7 =	vadd.f32 v51, v7  }
0x11c: {  	v56 =	vmul.f32 v45, v45;
	v8 =	vadd.f32 v53, v8;
	v9 =	vadd.f32 v55, v9  }
0x11d: {  	v58 =	vmul.f32 v47, v47;
	v60 =	vmul.f32 v50, v50;
	v7 =	vadd.f32 v13, v7  }
0x11e: {  	v61 =	vmul.f32 v54, v52;
	v8 =	vadd.f32 v56, v8;
	v9 =	vadd.f32 v57, v9  }
0x11f: {  	p0 =	slt.u32 s4, $0xE;
	v62 =	vmul.f32 v52, v52;
	v7 =	vadd.f32 v58, v7  }
.Ltmp0:
0x120: {  	v63 =	vmul.f32 v54, v54;
	v8 =	vadd.f32 v60, v8;
	v9 =	vadd.f32 v61, v9;
	(pc) =	sbr.rel @p0 .LBB2_3-.Ltmp0, $4  }
0x121: {  	v7 =	vadd.f32 v62, v7  }
0x122: {  	v8 =	vadd.f32 v63, v8;
	[tilespmem:v59+s25+$0x0] =	vst.idx.msk $0xffff, v9  }
0x123: {  	[tilespmem:v59+s26+$0x0] =	vst.idx.msk $0xffff, v7  }
0x124: {  	s10 =	sadd.s32 $0x100, s10;
	s4 =	sadd.s32 $0x2, s4;
	[tilespmem:v59+s28+$0x0] =	vst.idx.msk $0xffff, v8  }
0x125: {  	_ =	sdelay $0x1  }
0x126: {  	v11 =	vadd.s32 $0x11, v0;
	_ =	sdelay $0x1  }
0x127: {  	v7 =	vld.idx.msk [tilespmem:v0+s25+$0x0], $0xffff  }
0x128: {  	v9 =	vld.idx.msk [tilespmem:v0+s26+$0x0], $0xffff;
	v12 =	vadd.s32 $0x22, v0  }
0x129: {  	v10 =	vld.idx.msk [tilespmem:v0+s28+$0x0], $0xffff  }
0x12a: {  	v14 =	vld.idx.msk [tilespmem:v11+s25+$0x0], $0xffff  }
0x12b: {  	v16 =	vadd.s32 $0x33, v0;
	v15 =	vld.idx.msk [tilespmem:v11+s26+$0x0], $0xffff  }
0x12c: {  	v18 =	vld.idx.msk [tilespmem:v11+s28+$0x0], $0xffff  }
0x12d: {  	v19 =	vld.idx.msk [tilespmem:v12+s25+$0x0], $0xffff  }
0x12e: {  	v17 =	vadd.s32 $0x44, v0;
	v22 =	vld.idx.msk [tilespmem:v12+s26+$0x0], $0xffff  }
0x12f: {  	v23 =	vld.idx.msk [tilespmem:v12+s28+$0x0], $0xffff  }
0x130: {  	v24 =	vld.idx.msk [tilespmem:v16+s25+$0x0], $0xffff  }
0x131: {  	v20 =	vadd.s32 $0x55, v0;
	v25 =	vld.idx.msk [tilespmem:v16+s26+$0x0], $0xffff  }
0x132: {  	v26 =	vld.idx.msk [tilespmem:v16+s28+$0x0], $0xffff  }
0x133: {  	v27 =	vld.idx.msk [tilespmem:v17+s25+$0x0], $0xffff  }
0x134: {  	v21 =	vadd.s32 $0x66, v0;
	v28 =	vld.idx.msk [tilespmem:v17+s26+$0x0], $0xffff  }
0x135: {  	v29 =	vld.idx.msk [tilespmem:v17+s28+$0x0], $0xffff  }
0x136: {  	v30 =	vld.idx.msk [tilespmem:v20+s25+$0x0], $0xffff  }
0x137: {  	v13 =	vadd.s32 $0x77, v0;
	v31 =	vld.idx.msk [tilespmem:v20+s26+$0x0], $0xffff  }
0x138: {  	v32 =	vld.idx.msk [tilespmem:v20+s28+$0x0], $0xffff  }
0x139: {  	v8 =	vadd.s32 $0x88, v0;
	v33 =	vld.idx.msk [tilespmem:v21+s25+$0x0], $0xffff  }
0x13a: {  	v34 =	vld.idx.msk [tilespmem:v21+s26+$0x0], $0xffff  }
0x13b: {  	v35 =	vld.idx.msk [tilespmem:v21+s28+$0x0], $0xffff;
	v37 =	vadd.f32 $0.0e+00, v7;
	v7 =	vadd.s32 $0x99, v0  }
0x13c: {  	v9 =	vadd.f32 $0.0e+00, v9;
	v10 =	vadd.f32 $0.0e+00, v10;
	v36 =	vld.idx.msk [tilespmem:v13+s25+$0x0], $0xffff  }
0x13d: {  	v38 =	vld.idx.msk [tilespmem:v13+s26+$0x0], $0xffff  }
0x13e: {  	v40 =	vld.idx.msk [tilespmem:v8+s25+$0x0], $0xffff;
	v9 =	vadd.f32 v15, v9;
	v10 =	vadd.f32 v18, v10  }
0x13f: {  	v18 =	vld.idx.msk [tilespmem:v13+s28+$0x0], $0xffff;
	v14 =	vadd.f32 v14, v37  }
0x140: {  	v41 =	vld.idx.msk [tilespmem:v7+s25+$0x0], $0xffff;
	v15 =	vadd.f32 v22, v9;
	v10 =	vadd.f32 v23, v10;
	v9 =	vadd.s32 $0xAA, v0  }
0x141: {  	v42 =	vld.idx.msk [tilespmem:v7+s26+$0x0], $0xffff;
	v14 =	vadd.f32 v19, v14  }
0x142: {  	v43 =	vld.idx.msk [tilespmem:v7+s28+$0x0], $0xffff;
	v15 =	vadd.f32 v25, v15;
	v23 =	vadd.f32 v26, v10  }
0x143: {  	v22 =	vld.idx.msk [tilespmem:v8+s26+$0x0], $0xffff;
	v14 =	vadd.f32 v24, v14;
	v10 =	vadd.s32 $0xBB, v0  }
0x144: {  	v19 =	vld.idx.msk [tilespmem:v8+s28+$0x0], $0xffff;
	v15 =	vadd.f32 v28, v15;
	v23 =	vadd.f32 v29, v23  }
0x145: {  	v27 =	vadd.f32 v27, v14;
	v14 =	vadd.s32 $0xCC, v0;
	v44 =	vld.idx.msk [tilespmem:v9+s25+$0x0], $0xffff  }
0x146: {  	v45 =	vld.idx.msk [tilespmem:v9+s26+$0x0], $0xffff;
	v15 =	vadd.f32 v31, v15;
	v23 =	vadd.f32 v32, v23  }
0x147: {  	v46 =	vld.idx.msk [tilespmem:v9+s28+$0x0], $0xffff;
	v27 =	vadd.f32 v30, v27  }
0x148: {  	v47 =	vld.idx.msk [tilespmem:v10+s25+$0x0], $0xffff;
	v31 =	vadd.f32 v34, v15;
	v23 =	vadd.f32 v35, v23  }
0x149: {  	v48 =	vld.idx.msk [tilespmem:v10+s26+$0x0], $0xffff;
	v27 =	vadd.f32 v33, v27;
	v15 =	vadd.s32 $0xDD, v0  }
0x14a: {  	v49 =	vld.idx.msk [tilespmem:v14+s25+$0x0], $0xffff;
	v31 =	vadd.f32 v38, v31;
	v18 =	vadd.f32 v18, v23  }
0x14b: {  	v50 =	vld.idx.msk [tilespmem:v14+s26+$0x0], $0xffff;
	v27 =	vadd.f32 v36, v27  }
0x14c: {  	v51 =	vld.idx.msk [tilespmem:v14+s28+$0x0], $0xffff;
	v22 =	vadd.f32 v22, v31;
	v19 =	vadd.f32 v19, v18;
	v18 =	vadd.s32 $0xEE, v0  }
0x14d: {  	v23 =	vld.idx.msk [tilespmem:v10+s28+$0x0], $0xffff;
	v27 =	vadd.f32 v40, v27  }
0x14e: {  	v53 =	vld.idx.msk [tilespmem:v15+s25+$0x0], $0xffff;
	v22 =	vadd.f32 v42, v22;
	v52 =	vadd.f32 v43, v19  }
0x14f: {  	v54 =	vld.idx.msk [tilespmem:v15+s26+$0x0], $0xffff;
	v25 =	vadd.f32 v41, v27;
	v19 =	vadd.s32 $0xFF, v0  }
0x150: {  	v55 =	vld.idx.msk [tilespmem:v15+s28+$0x0], $0xffff;
	v22 =	vadd.f32 v45, v22;
	v24 =	vadd.f32 v46, v52  }
0x151: {  	v25 =	vadd.f32 v44, v25;
	v56 =	vld.idx.msk [tilespmem:v18+s25+$0x0], $0xffff  }
0x152: {  	v57 =	vld.idx.msk [tilespmem:v18+s26+$0x0], $0xffff;
	v22 =	vadd.f32 v48, v22;
	v23 =	vadd.f32 v23, v24  }
0x153: {  	v58 =	vld.idx.msk [tilespmem:v18+s28+$0x0], $0xffff;
	v25 =	vadd.f32 v47, v25  }
0x154: {  	v59 =	vld.idx.msk [tilespmem:v19+s26+$0x0], $0xffff;
	v22 =	vadd.f32 v50, v22;
	v23 =	vadd.f32 v51, v23  }
0x155: {  	v60 =	vld.idx.msk [tilespmem:v19+s28+$0x0], $0xffff;
	v25 =	vadd.f32 v49, v25  }
0x156: {  	v61 =	vld.idx.msk [tilespmem:v19+s25+$0x0], $0xffff;
	v22 =	vadd.f32 v54, v22;
	v23 =	vadd.f32 v55, v23  }
0x157: {  	v25 =	vadd.f32 v53, v25  }
0x158: {  	v22 =	vadd.f32 v57, v22;
	v23 =	vadd.f32 v58, v23  }
0x159: {  	v62 =	vadd.f32 v56, v25  }
0x15a: {  	v22 =	vadd.f32 v59, v22;
	v23 =	vadd.f32 v60, v23  }
0x15b: {  	v24 =	vadd.f32 v61, v62  }
0x15c: {  	v22 =	vmul.f32 v23, v22  }
0x15d: {  	v23 =	vmul.f32 v24, v24  }
0x15e: {  	v63 =	vmul.f32 $3.600000140e-01, v22;
	v22 =	vmul.f32 $1.599999960e-01, v22;
	_ =	sdelay $0x1  }
0x15f: {  	vm1 =	vgt.f32 v24, $0.0e+00;
	vm2 =	vge.f32 v23, v63;
	vm3 =	vge.f32 v23, v22  }
0x160: {  	vm2 =	vmand vm1, vm2;
	vm1 =	vmand vm1, vm3  }
0x161: {  	v22 =	vsel vm1, $0x1, v5;
	v23 =	vsel vm2, $0xFFFFFFFF, v6  }
0x162: {  	v22 =	vadd.s32 v23, v22  }
0x163: {  	s4 =	simm.s32 $0x0;
	s10 =	simm.s32 $0x0;
	[tilespmem:$0xC080] =	vst v22  }
.LBB2_5:
0x164: {  	s1 =	sshrl.u32 s10, $0x3  }
0x165: {  	s3 =	smul.u32 $0x1800, s1  }
0x166: {  	s5 =	sand.u32 $0x300, s4  }
0x167: {  	s1 =	sor.u32 s5, s3  }
0x168: {  	v22 =	vld [tilespmem:s1+$0x3080]  }
0x169: {  	v23 =	vld [tilespmem:s1+$0x9080]  }
0x16a: {  	v24 =	vld [tilespmem:s1+$0x3090]  }
0x16b: {  	v25 =	vld [tilespmem:s1+$0x9090]  }
0x16c: {  	v26 =	vld [tilespmem:s1+$0x30A0]  }
0x16d: {  	v27 =	vld [tilespmem:s1+$0x90A0]  }
0x16e: {  	v29 =	vld [tilespmem:s1+$0x30B0]  }
0x16f: {  	v30 =	vld [tilespmem:s1+$0x90B0]  }
0x170: {  	v32 =	vld [tilespmem:s1+$0x30C0];
	v28 =	vmul.f32 v23, v22  }
0x171: {  	v33 =	vld [tilespmem:s1+$0x90C0];
	v22 =	vmul.f32 v22, v22;
	v31 =	vmul.f32 v25, v24  }
0x172: {  	v61 =	vld [tilespmem:s1+$0x30D0];
	v24 =	vmul.f32 v24, v24;
	v23 =	vmul.f32 v23, v23;
	v28 =	vadd.f32 $0.0e+00, v28  }
0x173: {  	v63 =	vld [tilespmem:s1+$0x90D0];
	v25 =	vmul.f32 v25, v25;
	v58 =	vmul.f32 v27, v26  }
0x174: {  	v36 =	vld [tilespmem:s1+$0x30E0];
	v59 =	vmul.f32 v26, v26;
	v60 =	vmul.f32 v27, v27;
	v28 =	vadd.f32 v31, v28  }
0x175: {  	v39 =	vld [tilespmem:s1+$0x90E0];
	v62 =	vmul.f32 v30, v29;
	v35 =	vmul.f32 v29, v29;
	v22 =	vadd.f32 v24, v22  }
0x176: {  	v41 =	vld [tilespmem:s1+$0x30F0];
	v37 =	vmul.f32 v30, v30;
	v23 =	vadd.f32 v25, v23;
	v24 =	vadd.f32 v58, v28  }
0x177: {  	v43 =	vld [tilespmem:s1+$0x90F0];
	v38 =	vmul.f32 v33, v32;
	v40 =	vmul.f32 v32, v32;
	v22 =	vadd.f32 v59, v22  }
0x178: {  	v45 =	vld [tilespmem:s1+$0x3480];
	v42 =	vmul.f32 v33, v33;
	v23 =	vadd.f32 v60, v23;
	v24 =	vadd.f32 v62, v24  }
0x179: {  	v47 =	vld [tilespmem:s1+$0x9480];
	v44 =	vmul.f32 v63, v61;
	v27 =	vmul.f32 v61, v61;
	v22 =	vadd.f32 v35, v22  }
0x17a: {  	v57 =	vld [tilespmem:s1+$0x94A0];
	v46 =	vmul.f32 v63, v63;
	v23 =	vadd.f32 v37, v23;
	v24 =	vadd.f32 v38, v24  }
0x17b: {  	v50 =	vld [tilespmem:s1+$0x3490];
	v48 =	vmul.f32 v39, v36;
	v26 =	vmul.f32 v36, v36;
	v22 =	vadd.f32 v40, v22  }
0x17c: {  	v52 =	vld [tilespmem:s1+$0x9490];
	v49 =	vmul.f32 v39, v39;
	v23 =	vadd.f32 v42, v23;
	v24 =	vadd.f32 v44, v24  }
0x17d: {  	v54 =	vld [tilespmem:s1+$0x34A0];
	v51 =	vmul.f32 v43, v41;
	v53 =	vmul.f32 v41, v41;
	v22 =	vadd.f32 v27, v22  }
0x17e: {  	v55 =	vmul.f32 v43, v43;
	v61 =	vld [tilespmem:s1+$0x94B0];
	v23 =	vadd.f32 v46, v23;
	v24 =	vadd.f32 v48, v24  }
0x17f: {  	v56 =	vmul.f32 v47, v45;
	v36 =	vld [tilespmem:s1+$0x94C0];
	v39 =	vmul.f32 v57, v57;
	v22 =	vadd.f32 v26, v22  }
0x180: {  	v63 =	vld [tilespmem:s1+$0x34C0];
	v60 =	vmul.f32 v47, v47;
	v23 =	vadd.f32 v49, v23;
	v24 =	vadd.f32 v51, v24  }
0x181: {  	v59 =	vld [tilespmem:s1+$0x34B0];
	v58 =	vmul.f32 v45, v45;
	v28 =	vmul.f32 v50, v50;
	v22 =	vadd.f32 v53, v22  }
0x182: {  	v47 =	vld [tilespmem:s1+$0x94E0];
	v62 =	vmul.f32 v52, v50;
	v23 =	vadd.f32 v55, v23;
	v24 =	vadd.f32 v56, v24  }
0x183: {  	v35 =	vmul.f32 v52, v52;
	v37 =	vmul.f32 v57, v54;
	v40 =	vld [tilespmem:s1+$0x34D0];
	v22 =	vadd.f32 v58, v22  }
0x184: {  	v42 =	vld [tilespmem:s1+$0x94D0];
	v50 =	vmul.f32 v36, v36;
	v23 =	vadd.f32 v60, v23;
	v24 =	vadd.f32 v62, v24  }
0x185: {  	v38 =	vmul.f32 v54, v54;
	v46 =	vmul.f32 v36, v63;
	v36 =	vld [tilespmem:s1+$0x98A0];
	v22 =	vadd.f32 v28, v22  }
0x186: {  	v41 =	vmul.f32 v61, v59;
	v44 =	vld [tilespmem:s1+$0x34E0];
	v23 =	vadd.f32 v35, v23;
	v24 =	vadd.f32 v37, v24  }
0x187: {  	v43 =	vmul.f32 v59, v59;
	v49 =	vld [tilespmem:s1+$0x34F0];
	v22 =	vadd.f32 v38, v22  }
0x188: {  	v45 =	vmul.f32 v61, v61;
	v53 =	vld [tilespmem:s1+$0x3880];
	v23 =	vadd.f32 v39, v23;
	v24 =	vadd.f32 v41, v24  }
0x189: {  	v52 =	vmul.f32 v42, v40;
	v48 =	vmul.f32 v63, v63;
	v51 =	vld [tilespmem:s1+$0x94F0];
	v22 =	vadd.f32 v43, v22  }
0x18a: {  	v54 =	vmul.f32 v42, v42;
	v55 =	vld [tilespmem:s1+$0x9880];
	v23 =	vadd.f32 v45, v23;
	v24 =	vadd.f32 v46, v24  }
0x18b: {  	v58 =	vmul.f32 v47, v47;
	v28 =	vmul.f32 v40, v40;
	v22 =	vadd.f32 v48, v22  }
0x18c: {  	v59 =	vld [tilespmem:s1+$0x3890];
	v56 =	vmul.f32 v47, v44;
	v23 =	vadd.f32 v50, v23;
	v24 =	vadd.f32 v52, v24  }
0x18d: {  	v61 =	vld [tilespmem:s1+$0x9890];
	v57 =	vmul.f32 v44, v44;
	v47 =	vmul.f32 v36, v36;
	v22 =	vadd.f32 v28, v22  }
0x18e: {  	v42 =	vld [tilespmem:s1+$0x38C0];
	v60 =	vmul.f32 v51, v49;
	v23 =	vadd.f32 v54, v23;
	v24 =	vadd.f32 v56, v24  }
0x18f: {  	v63 =	vld [tilespmem:s1+$0x38A0];
	v35 =	vmul.f32 v55, v53;
	v62 =	vmul.f32 v49, v49;
	v22 =	vadd.f32 v57, v22  }
0x190: {  	v40 =	vld [tilespmem:s1+$0x98B0];
	v34 =	vmul.f32 v51, v51;
	v23 =	vadd.f32 v58, v23;
	v24 =	vadd.f32 v60, v24  }
0x191: {  	v38 =	vld [tilespmem:s1+$0x38B0];
	v39 =	vmul.f32 v55, v55;
	v37 =	vmul.f32 v53, v53;
	v22 =	vadd.f32 v62, v22  }
0x192: {  	v55 =	vld [tilespmem:s1+$0x98E0];
	v41 =	vmul.f32 v61, v59;
	v23 =	vadd.f32 v34, v23;
	v24 =	vadd.f32 v35, v24  }
0x193: {  	v44 =	vld [tilespmem:s1+$0x98C0];
	v43 =	vmul.f32 v61, v61;
	v28 =	vmul.f32 v59, v59;
	v22 =	vadd.f32 v37, v22  }
0x194: {  	v45 =	vmul.f32 v36, v63;
	v48 =	vld [tilespmem:s1+$0x38D0];
	v23 =	vadd.f32 v39, v23;
	v24 =	vadd.f32 v41, v24  }
0x195: {  	v53 =	vmul.f32 v40, v40;
	v50 =	vld [tilespmem:s1+$0x98D0];
	v46 =	vmul.f32 v63, v63;
	v22 =	vadd.f32 v28, v22  }
0x196: {  	v61 =	vld [tilespmem:s1+$0x3C80];
	v49 =	vmul.f32 v40, v38;
	v23 =	vadd.f32 v43, v23;
	v24 =	vadd.f32 v45, v24  }
0x197: {  	v51 =	vmul.f32 v38, v38;
	v38 =	vmul.f32 v55, v55;
	v52 =	vld [tilespmem:s1+$0x38E0];
	v22 =	vadd.f32 v46, v22  }
0x198: {  	v54 =	vmul.f32 v44, v42;
	v59 =	vld [tilespmem:s1+$0x98F0];
	v23 =	vadd.f32 v47, v23;
	v24 =	vadd.f32 v49, v24  }
0x199: {  	v57 =	vld [tilespmem:s1+$0x38F0];
	v58 =	vmul.f32 v44, v44;
	v56 =	vmul.f32 v42, v42;
	v22 =	vadd.f32 v51, v22  }
0x19a: {  	v63 =	vld [tilespmem:s1+$0x9C80];
	v60 =	vmul.f32 v50, v48;
	v23 =	vadd.f32 v53, v23;
	v24 =	vadd.f32 v54, v24  }
0x19b: {  	v62 =	vmul.f32 v50, v50;
	v39 =	vld [tilespmem:s1+$0x3C90];
	v28 =	vmul.f32 v48, v48;
	v22 =	vadd.f32 v56, v22  }
0x19c: {  	v50 =	vld [tilespmem:s1+$0x9CB0];
	v36 =	vmul.f32 v55, v52;
	v23 =	vadd.f32 v58, v23;
	v24 =	vadd.f32 v60, v24  }
0x19d: {  	v34 =	vadd.s32 s10, v4;
	v37 =	vmul.f32 v52, v52;
	v41 =	vld [tilespmem:s1+$0x9C90];
	v22 =	vadd.f32 v28, v22  }
0x19e: {  	v40 =	vmul.f32 v59, v57;
	v43 =	vld [tilespmem:s1+$0x3CA0];
	v23 =	vadd.f32 v62, v23;
	v24 =	vadd.f32 v36, v24  }
0x19f: {  	v44 =	vmul.f32 v59, v59;
	v42 =	vmul.f32 v57, v57;
	v46 =	vld [tilespmem:s1+$0x9CA0];
	v22 =	vadd.f32 v37, v22  }
0x1a0: {  	v48 =	vld [tilespmem:s1+$0x3CB0];
	v45 =	vmul.f32 v63, v61;
	v23 =	vadd.f32 v38, v23;
	v24 =	vadd.f32 v40, v24  }
0x1a1: {  	v52 =	vld [tilespmem:s1+$0x3CC0];
	v47 =	vmul.f32 v61, v61;
	v49 =	vmul.f32 v63, v63;
	v22 =	vadd.f32 v42, v22  }
0x1a2: {  	v58 =	vld [tilespmem:s1+$0x3CD0];
	v51 =	vmul.f32 v41, v39;
	v23 =	vadd.f32 v44, v23;
	v24 =	vadd.f32 v45, v24  }
0x1a3: {  	v53 =	vmul.f32 v41, v41;
	v28 =	vmul.f32 v39, v39;
	v54 =	vld [tilespmem:s1+$0x9CC0];
	v22 =	vadd.f32 v47, v22  }
0x1a4: {  	v55 =	vmul.f32 v46, v43;
	v41 =	vld [tilespmem:s1+$0x9CF0];
	v23 =	vadd.f32 v49, v23;
	v24 =	vadd.f32 v51, v24  }
0x1a5: {  	v59 =	vmul.f32 v50, v48;
	v56 =	vmul.f32 v43, v43;
	v60 =	vld [tilespmem:s1+$0x9CD0];
	v22 =	vadd.f32 v28, v22  }
0x1a6: {  	v57 =	vmul.f32 v46, v46;
	v62 =	vld [tilespmem:s1+$0x3CE0];
	v23 =	vadd.f32 v53, v23;
	v24 =	vadd.f32 v55, v24  }
0x1a7: {  	v61 =	vmul.f32 v48, v48;
	v63 =	vmul.f32 v50, v50;
	v37 =	vld [tilespmem:s1+$0x9CE0];
	v22 =	vadd.f32 v56, v22  }
0x1a8: {  	s5 =	sor.u32 $0x4080, s1;
	v39 =	vld [tilespmem:s1+$0x3CF0];
	v36 =	vmul.f32 v54, v52;
	v23 =	vadd.f32 v57, v23;
	v24 =	vadd.f32 v59, v24  }
0x1a9: {  	s6 =	sor.u32 $0x4090, s1;
	v43 =	vld [tilespmem:s5+$0x0];
	v38 =	vmul.f32 v52, v52;
	v40 =	vmul.f32 v54, v54;
	v22 =	vadd.f32 v61, v22  }
0x1aa: {  	v49 =	vld [tilespmem:s6+$0x0];
	v42 =	vmul.f32 v60, v58;
	v23 =	vadd.f32 v63, v23;
	v24 =	vadd.f32 v36, v24  }
0x1ab: {  	v44 =	vmul.f32 v60, v60;
	v28 =	vmul.f32 v58, v58;
	v45 =	vld [tilespmem:s1+$0xA080];
	v22 =	vadd.f32 v38, v22  }
0x1ac: {  	v46 =	vmul.f32 v37, v62;
	v60 =	vld [tilespmem:s1+$0xA0B0];
	v23 =	vadd.f32 v40, v23;
	v24 =	vadd.f32 v42, v24  }
0x1ad: {  	s12 =	sor.u32 $0x40A0, s1;
	v50 =	vmul.f32 v41, v39;
	v47 =	vmul.f32 v62, v62;
	v51 =	vld [tilespmem:s1+$0xA090];
	v22 =	vadd.f32 v28, v22  }
0x1ae: {  	v48 =	vmul.f32 v37, v37;
	v53 =	vld [tilespmem:s12+$0x0];
	v23 =	vadd.f32 v44, v23;
	v24 =	vadd.f32 v46, v24  }
0x1af: {  	s13 =	sor.u32 $0x40B0, s1;
	v52 =	vmul.f32 v39, v39;
	v54 =	vmul.f32 v41, v41;
	v56 =	vld [tilespmem:s1+$0xA0A0];
	v22 =	vadd.f32 v47, v22  }
0x1b0: {  	s30 =	sor.u32 $0x40C0, s1;
	v58 =	vld [tilespmem:s13+$0x0];
	v55 =	vmul.f32 v45, v43;
	v23 =	vadd.f32 v48, v23;
	v24 =	vadd.f32 v50, v24  }
0x1b1: {  	s6 =	sor.u32 $0x40D0, s1;
	v62 =	vld [tilespmem:s30+$0x0];
	v57 =	vmul.f32 v43, v43;
	v59 =	vmul.f32 v45, v45;
	v22 =	vadd.f32 v52, v22  }
0x1b2: {  	v40 =	vld [tilespmem:s6+$0x0];
	v61 =	vmul.f32 v51, v49;
	v23 =	vadd.f32 v54, v23;
	v24 =	vadd.f32 v55, v24  }
0x1b3: {  	v63 =	vmul.f32 v51, v51;
	v28 =	vmul.f32 v49, v49;
	v36 =	vld [tilespmem:s1+$0xA0C0];
	v22 =	vadd.f32 v57, v22  }
0x1b4: {  	v37 =	vmul.f32 v56, v53;
	v51 =	vld [tilespmem:s1+$0xA0F0];
	v23 =	vadd.f32 v59, v23;
	v24 =	vadd.f32 v61, v24  }
0x1b5: {  	s12 =	sor.u32 $0x40E0, s1;
	v41 =	vmul.f32 v60, v58;
	v38 =	vmul.f32 v53, v53;
	v42 =	vld [tilespmem:s1+$0xA0D0];
	v22 =	vadd.f32 v28, v22  }
0x1b6: {  	v39 =	vmul.f32 v56, v56;
	v44 =	vld [tilespmem:s12+$0x0];
	v23 =	vadd.f32 v63, v23;
	v24 =	vadd.f32 v37, v24  }
0x1b7: {  	s3 =	sadd.s32 s3, s4;
	s13 =	sor.u32 $0x40F0, s1;
	v43 =	vmul.f32 v58, v58;
	v45 =	vmul.f32 v60, v60;
	v47 =	vld [tilespmem:s1+$0xA0E0];
	v22 =	vadd.f32 v38, v22  }
0x1b8: {  	s30 =	sor.u32 $0x4400, s3;
	v49 =	vld [tilespmem:s13+$0x0];
	v46 =	vmul.f32 v36, v62;
	v23 =	vadd.f32 v39, v23;
	v24 =	vadd.f32 v41, v24  }
0x1b9: {  	s5 =	sor.u32 $0x4410, s3;
	v53 =	vld [tilespmem:s30+$0x80];
	v48 =	vmul.f32 v62, v62;
	v50 =	vmul.f32 v36, v36;
	v22 =	vadd.f32 v43, v22  }
0x1ba: {  	v59 =	vld [tilespmem:s5+$0x80];
	v52 =	vmul.f32 v42, v40;
	v23 =	vadd.f32 v45, v23;
	v24 =	vadd.f32 v46, v24  }
0x1bb: {  	s12 =	sor.u32 $0x4430, s3;
	v54 =	vmul.f32 v42, v42;
	v28 =	vmul.f32 v40, v40;
	v55 =	vld [tilespmem:s30+$0x6080];
	v22 =	vadd.f32 v48, v22  }
0x1bc: {  	v56 =	vmul.f32 v47, v44;
	v42 =	vld [tilespmem:s12+$0x6080];
	v23 =	vadd.f32 v50, v23;
	v24 =	vadd.f32 v52, v24  }
0x1bd: {  	s6 =	sor.u32 $0x4420, s3;
	v60 =	vmul.f32 v51, v49;
	v57 =	vmul.f32 v44, v44;
	v61 =	vld [tilespmem:s5+$0x6080];
	v22 =	vadd.f32 v28, v22  }
0x1be: {  	v58 =	vmul.f32 v47, v47;
	v63 =	vld [tilespmem:s6+$0x80];
	v23 =	vadd.f32 v54, v23;
	v24 =	vadd.f32 v56, v24  }
0x1bf: {  	v62 =	vmul.f32 v49, v49;
	v36 =	vmul.f32 v51, v51;
	v38 =	vld [tilespmem:s6+$0x6080];
	v22 =	vadd.f32 v57, v22  }
0x1c0: {  	s13 =	sor.u32 $0x4440, s3;
	v40 =	vld [tilespmem:s12+$0x80];
	v37 =	vmul.f32 v55, v53;
	v23 =	vadd.f32 v58, v23;
	v24 =	vadd.f32 v60, v24  }
0x1c1: {  	v44 =	vld [tilespmem:s13+$0x80];
	s30 =	sor.u32 $0x4450, s3;
	v39 =	vmul.f32 v53, v53;
	v41 =	vmul.f32 v55, v55;
	v22 =	vadd.f32 v62, v22  }
0x1c2: {  	v50 =	vld [tilespmem:s30+$0x80];
	v43 =	vmul.f32 v61, v59;
	v23 =	vadd.f32 v36, v23;
	v24 =	vadd.f32 v37, v24  }
0x1c3: {  	s6 =	sor.u32 $0x4470, s3;
	v45 =	vmul.f32 v61, v61;
	v28 =	vmul.f32 v59, v59;
	v46 =	vld [tilespmem:s13+$0x6080];
	v22 =	vadd.f32 v39, v22  }
0x1c4: {  	v47 =	vmul.f32 v38, v63;
	v61 =	vld [tilespmem:s6+$0x6080];
	v23 =	vadd.f32 v41, v23;
	v24 =	vadd.f32 v43, v24  }
0x1c5: {  	s5 =	sor.u32 $0x4460, s3;
	v51 =	vmul.f32 v42, v40;
	v48 =	vmul.f32 v63, v63;
	v52 =	vld [tilespmem:s30+$0x6080];
	v22 =	vadd.f32 v28, v22  }
0x1c6: {  	v49 =	vmul.f32 v38, v38;
	v54 =	vld [tilespmem:s5+$0x80];
	v23 =	vadd.f32 v45, v23;
	v24 =	vadd.f32 v47, v24  }
0x1c7: {  	v53 =	vmul.f32 v40, v40;
	v55 =	vmul.f32 v42, v42;
	v57 =	vld [tilespmem:s5+$0x6080];
	v22 =	vadd.f32 v48, v22  }
0x1c8: {  	v59 =	vld [tilespmem:s6+$0x80];
	v56 =	vmul.f32 v46, v44;
	v23 =	vadd.f32 v49, v23;
	v24 =	vadd.f32 v51, v24  }
0x1c9: {  	v58 =	vmul.f32 v44, v44;
	v60 =	vmul.f32 v46, v46;
	v22 =	vadd.f32 v53, v22  }
0x1ca: {  	v62 =	vmul.f32 v52, v50;
	v23 =	vadd.f32 v55, v23;
	v24 =	vadd.f32 v56, v24  }
0x1cb: {  	v63 =	vmul.f32 v52, v52;
	v28 =	vmul.f32 v50, v50;
	v22 =	vadd.f32 v58, v22  }
0x1cc: {  	v30 =	vmul.f32 v57, v54;
	v23 =	vadd.f32 v60, v23;
	v24 =	vadd.f32 v62, v24  }
0x1cd: {  	v32 =	vmul.f32 v54, v54;
	v36 =	vmul.f32 v61, v59;
	v22 =	vadd.f32 v28, v22  }
0x1ce: {  	v35 =	vmul.f32 v57, v57;
	v23 =	vadd.f32 v63, v23;
	v24 =	vadd.f32 v30, v24  }
0x1cf: {  	v37 =	vmul.f32 v59, v59;
	v22 =	vadd.f32 v32, v22  }
0x1d0: {  	s12 =	sadd.s32 $0x11, s10;
	v38 =	vmul.f32 v61, v61;
	v23 =	vadd.f32 v35, v23;
	v24 =	vadd.f32 v36, v24  }
0x1d1: {  	s1 =	sshrl.u32 s12, $0x3;
	v22 =	vadd.f32 v37, v22  }
0x1d2: {  	s1 =	smul.u32 $0x1800, s1;
	s13 =	sadd.s32 $0x880, s4;
	v23 =	vadd.f32 v38, v23;
	[tilespmem:v34+s25+$0x0] =	vst.idx.msk $0xffff, v24  }
0x1d3: {  	s3 =	sand.u32 $0x380, s13;
	[tilespmem:v34+s26+$0x0] =	vst.idx.msk $0xffff, v22  }
0x1d4: {  	s1 =	sor.u32 s3, s1;
	[tilespmem:v34+s28+$0x0] =	vst.idx.msk $0xffff, v23  }
0x1d5: {  	v22 =	vld [tilespmem:s1+$0x80]  }
0x1d6: {  	v23 =	vld [tilespmem:s1+$0x6080]  }
0x1d7: {  	v24 =	vld [tilespmem:s1+$0x90]  }
0x1d8: {  	v39 =	vld [tilespmem:s1+$0x6090]  }
0x1d9: {  	v40 =	vld [tilespmem:s1+$0xA0]  }
0x1da: {  	v27 =	vld [tilespmem:s1+$0x60A0]  }
0x1db: {  	v42 =	vld [tilespmem:s1+$0xB0]  }
0x1dc: {  	v43 =	vld [tilespmem:s1+$0x60B0]  }
0x1dd: {  	v45 =	vld [tilespmem:s1+$0xC0];
	v41 =	vmul.f32 v23, v22  }
0x1de: {  	v46 =	vld [tilespmem:s1+$0x60C0];
	v22 =	vmul.f32 v22, v22  }
0x1df: {  	v50 =	vld [tilespmem:s1+$0xD0];
	v44 =	vmul.f32 v39, v24;
	v24 =	vmul.f32 v24, v24;
	v28 =	vadd.f32 $0.0e+00, v41  }
0x1e0: {  	v52 =	vld [tilespmem:s1+$0x60D0];
	v23 =	vmul.f32 v23, v23;
	v25 =	vmul.f32 v39, v39  }
0x1e1: {  	v54 =	vld [tilespmem:s1+$0xE0];
	v47 =	vmul.f32 v27, v40;
	v48 =	vmul.f32 v40, v40;
	v28 =	vadd.f32 v44, v28  }
0x1e2: {  	v57 =	vld [tilespmem:s1+$0x60E0];
	v49 =	vmul.f32 v27, v27;
	v51 =	vmul.f32 v43, v42;
	v22 =	vadd.f32 v24, v22  }
0x1e3: {  	v59 =	vld [tilespmem:s1+$0xF0];
	v53 =	vmul.f32 v42, v42;
	v23 =	vadd.f32 v25, v23;
	v24 =	vadd.f32 v47, v28  }
0x1e4: {  	v61 =	vld [tilespmem:s1+$0x60F0];
	v55 =	vmul.f32 v43, v43;
	v56 =	vmul.f32 v46, v45;
	v22 =	vadd.f32 v48, v22  }
0x1e5: {  	v63 =	vld [tilespmem:s1+$0x480];
	v58 =	vmul.f32 v45, v45;
	v23 =	vadd.f32 v49, v23;
	v24 =	vadd.f32 v51, v24  }
0x1e6: {  	v37 =	vld [tilespmem:s1+$0x6480];
	v60 =	vmul.f32 v46, v46;
	v62 =	vmul.f32 v52, v50;
	v22 =	vadd.f32 v53, v22  }
0x1e7: {  	v27 =	vmul.f32 v50, v50;
	v40 =	vld [tilespmem:s1+$0x490];
	v23 =	vadd.f32 v55, v23;
	v24 =	vadd.f32 v56, v24  }
0x1e8: {  	v36 =	vmul.f32 v52, v52;
	v38 =	vmul.f32 v57, v54;
	v42 =	vld [tilespmem:s1+$0x6490];
	v22 =	vadd.f32 v58, v22  }
0x1e9: {  	v26 =	vmul.f32 v54, v54;
	v44 =	vld [tilespmem:s1+$0x4A0];
	v23 =	vadd.f32 v60, v23;
	v24 =	vadd.f32 v62, v24  }
0x1ea: {  	v39 =	vmul.f32 v57, v57;
	v43 =	vmul.f32 v59, v59;
	v49 =	vld [tilespmem:s1+$0x4B0];
	v22 =	vadd.f32 v27, v22  }
0x1eb: {  	v41 =	vmul.f32 v61, v59;
	v47 =	vld [tilespmem:s1+$0x64A0];
	v23 =	vadd.f32 v36, v23;
	v24 =	vadd.f32 v38, v24  }
0x1ec: {  	v45 =	vmul.f32 v61, v61;
	v46 =	vmul.f32 v37, v63;
	v53 =	vld [tilespmem:s1+$0x4C0];
	v22 =	vadd.f32 v26, v22  }
0x1ed: {  	v50 =	vmul.f32 v37, v37;
	v55 =	vld [tilespmem:s1+$0x64C0];
	v23 =	vadd.f32 v39, v23;
	v24 =	vadd.f32 v41, v24  }
0x1ee: {  	v48 =	vmul.f32 v63, v63;
	v52 =	vmul.f32 v42, v40;
	v51 =	vld [tilespmem:s1+$0x64B0];
	v22 =	vadd.f32 v43, v22  }
0x1ef: {  	v59 =	vld [tilespmem:s1+$0x4D0];
	v54 =	vmul.f32 v42, v42;
	v23 =	vadd.f32 v45, v23;
	v24 =	vadd.f32 v46, v24  }
0x1f0: {  	v61 =	vld [tilespmem:s1+$0x64D0];
	v28 =	vmul.f32 v40, v40;
	v57 =	vmul.f32 v44, v44;
	v22 =	vadd.f32 v48, v22  }
0x1f1: {  	v63 =	vld [tilespmem:s1+$0x4E0];
	v56 =	vmul.f32 v47, v44;
	v23 =	vadd.f32 v50, v23;
	v24 =	vadd.f32 v52, v24  }
0x1f2: {  	v42 =	vld [tilespmem:s1+$0x64F0];
	v58 =	vmul.f32 v47, v47;
	v37 =	vmul.f32 v55, v53;
	v22 =	vadd.f32 v28, v22  }
0x1f3: {  	v40 =	vld [tilespmem:s1+$0x4F0];
	v60 =	vmul.f32 v51, v49;
	v23 =	vadd.f32 v54, v23;
	v24 =	vadd.f32 v56, v24  }
0x1f4: {  	v62 =	vmul.f32 v49, v49;
	v39 =	vmul.f32 v53, v53;
	v38 =	vld [tilespmem:s1+$0x64E0];
	v22 =	vadd.f32 v57, v22  }
0x1f5: {  	v44 =	vld [tilespmem:s1+$0x880];
	v36 =	vmul.f32 v51, v51;
	v23 =	vadd.f32 v58, v23;
	v24 =	vadd.f32 v60, v24  }
0x1f6: {  	v43 =	vmul.f32 v61, v59;
	v45 =	vmul.f32 v61, v61;
	v61 =	vld [tilespmem:s1+$0x68B0];
	v22 =	vadd.f32 v62, v22  }
0x1f7: {  	v41 =	vmul.f32 v55, v55;
	v50 =	vld [tilespmem:s1+$0x890];
	v23 =	vadd.f32 v36, v23;
	v24 =	vadd.f32 v37, v24  }
0x1f8: {  	v53 =	vmul.f32 v40, v40;
	v28 =	vmul.f32 v59, v59;
	v46 =	vld [tilespmem:s1+$0x6880];
	v22 =	vadd.f32 v39, v22  }
0x1f9: {  	v47 =	vmul.f32 v38, v63;
	v52 =	vld [tilespmem:s1+$0x6890];
	v23 =	vadd.f32 v41, v23;
	v24 =	vadd.f32 v43, v24  }
0x1fa: {  	v51 =	vmul.f32 v42, v40;
	v48 =	vmul.f32 v63, v63;
	v54 =	vld [tilespmem:s1+$0x8A0];
	v22 =	vadd.f32 v28, v22  }
0x1fb: {  	v59 =	vld [tilespmem:s1+$0x8B0];
	v49 =	vmul.f32 v38, v38;
	v23 =	vadd.f32 v45, v23;
	v24 =	vadd.f32 v47, v24  }
0x1fc: {  	v55 =	vmul.f32 v42, v42;
	v57 =	vld [tilespmem:s1+$0x68A0];
	v58 =	vmul.f32 v44, v44;
	v22 =	vadd.f32 v48, v22  }
0x1fd: {  	v63 =	vld [tilespmem:s1+$0x8C0];
	v56 =	vmul.f32 v46, v44;
	v23 =	vadd.f32 v49, v23;
	v24 =	vadd.f32 v51, v24  }
0x1fe: {  	v60 =	vmul.f32 v46, v46;
	v41 =	vld [tilespmem:s1+$0x8D0];
	v62 =	vmul.f32 v52, v50;
	v22 =	vadd.f32 v53, v22  }
0x1ff: {  	v36 =	vmul.f32 v52, v52;
	v52 =	vld [tilespmem:s1+$0x68F0];
	v23 =	vadd.f32 v55, v23;
	v24 =	vadd.f32 v56, v24  }
0x200: {  	v42 =	vmul.f32 v61, v59;
	v28 =	vmul.f32 v50, v50;
	v37 =	vld [tilespmem:s1+$0x68C0];
	v22 =	vadd.f32 v58, v22  }
0x201: {  	v38 =	vmul.f32 v57, v54;
	v43 =	vld [tilespmem:s1+$0x68D0];
	v23 =	vadd.f32 v60, v23;
	v24 =	vadd.f32 v62, v24  }
0x202: {  	v44 =	vmul.f32 v59, v59;
	v39 =	vmul.f32 v54, v54;
	v45 =	vld [tilespmem:s1+$0x8E0];
	v22 =	vadd.f32 v28, v22  }
0x203: {  	v40 =	vmul.f32 v57, v57;
	v50 =	vld [tilespmem:s1+$0x8F0];
	v23 =	vadd.f32 v36, v23;
	v24 =	vadd.f32 v38, v24  }
0x204: {  	v46 =	vmul.f32 v61, v61;
	v48 =	vld [tilespmem:s1+$0x68E0];
	v49 =	vmul.f32 v63, v63;
	v22 =	vadd.f32 v39, v22  }
0x205: {  	v54 =	vld [tilespmem:s1+$0xC80];
	v47 =	vmul.f32 v37, v63;
	v23 =	vadd.f32 v40, v23;
	v24 =	vadd.f32 v42, v24  }
0x206: {  	v51 =	vmul.f32 v37, v37;
	v60 =	vld [tilespmem:s1+$0xC90];
	v53 =	vmul.f32 v43, v41;
	v22 =	vadd.f32 v44, v22  }
0x207: {  	v55 =	vmul.f32 v43, v43;
	v43 =	vld [tilespmem:s1+$0x6CB0];
	v23 =	vadd.f32 v46, v23;
	v24 =	vadd.f32 v47, v24  }
0x208: {  	v61 =	vmul.f32 v52, v50;
	v28 =	vmul.f32 v41, v41;
	v56 =	vld [tilespmem:s1+$0x6C80];
	v22 =	vadd.f32 v49, v22  }
0x209: {  	v57 =	vmul.f32 v48, v45;
	v62 =	vld [tilespmem:s1+$0x6C90];
	v23 =	vadd.f32 v51, v23;
	v24 =	vadd.f32 v53, v24  }
0x20a: {  	v63 =	vmul.f32 v50, v50;
	v58 =	vmul.f32 v45, v45;
	v36 =	vld [tilespmem:s1+$0xCA0];
	v22 =	vadd.f32 v28, v22  }
0x20b: {  	v59 =	vmul.f32 v48, v48;
	v41 =	vld [tilespmem:s1+$0xCB0];
	v23 =	vadd.f32 v55, v23;
	v24 =	vadd.f32 v57, v24  }
0x20c: {  	v37 =	vmul.f32 v52, v52;
	v39 =	vld [tilespmem:s1+$0x6CA0];
	v40 =	vmul.f32 v54, v54;
	v22 =	vadd.f32 v58, v22  }
0x20d: {  	v45 =	vld [tilespmem:s1+$0xCC0];
	v38 =	vmul.f32 v56, v54;
	v23 =	vadd.f32 v59, v23;
	v24 =	vadd.f32 v61, v24  }
0x20e: {  	v42 =	vmul.f32 v56, v56;
	v51 =	vld [tilespmem:s1+$0xCD0];
	v44 =	vmul.f32 v62, v60;
	v22 =	vadd.f32 v63, v22  }
0x20f: {  	v46 =	vmul.f32 v62, v62;
	v62 =	vld [tilespmem:s1+$0x6CF0];
	v23 =	vadd.f32 v37, v23;
	v24 =	vadd.f32 v38, v24  }
0x210: {  	v52 =	vmul.f32 v43, v41;
	v28 =	vmul.f32 v60, v60;
	v47 =	vld [tilespmem:s1+$0x6CC0];
	v22 =	vadd.f32 v40, v22  }
0x211: {  	v48 =	vmul.f32 v39, v36;
	v53 =	vld [tilespmem:s1+$0x6CD0];
	v23 =	vadd.f32 v42, v23;
	v24 =	vadd.f32 v44, v24  }
0x212: {  	v54 =	vmul.f32 v41, v41;
	v49 =	vmul.f32 v36, v36;
	v55 =	vld [tilespmem:s1+$0xCE0];
	v22 =	vadd.f32 v28, v22  }
0x213: {  	v50 =	vmul.f32 v39, v39;
	v60 =	vld [tilespmem:s1+$0xCF0];
	v23 =	vadd.f32 v46, v23;
	v24 =	vadd.f32 v48, v24  }
0x214: {  	v56 =	vmul.f32 v43, v43;
	v58 =	vld [tilespmem:s1+$0x6CE0];
	v59 =	vmul.f32 v45, v45;
	v22 =	vadd.f32 v49, v22  }
0x215: {  	v36 =	vld [tilespmem:s1+$0x1080];
	v57 =	vmul.f32 v47, v45;
	v23 =	vadd.f32 v50, v23;
	v24 =	vadd.f32 v52, v24  }
0x216: {  	v61 =	vmul.f32 v47, v47;
	v42 =	vld [tilespmem:s1+$0x1090];
	v63 =	vmul.f32 v53, v51;
	v22 =	vadd.f32 v54, v22  }
0x217: {  	v37 =	vmul.f32 v53, v53;
	v53 =	vld [tilespmem:s1+$0x70B0];
	v23 =	vadd.f32 v56, v23;
	v24 =	vadd.f32 v57, v24  }
0x218: {  	v43 =	vmul.f32 v62, v60;
	v28 =	vmul.f32 v51, v51;
	v38 =	vld [tilespmem:s1+$0x7080];
	v22 =	vadd.f32 v59, v22  }
0x219: {  	v39 =	vmul.f32 v58, v55;
	v44 =	vld [tilespmem:s1+$0x7090];
	v23 =	vadd.f32 v61, v23;
	v24 =	vadd.f32 v63, v24  }
0x21a: {  	v45 =	vmul.f32 v60, v60;
	v40 =	vmul.f32 v55, v55;
	v46 =	vld [tilespmem:s1+$0x10A0];
	v22 =	vadd.f32 v28, v22  }
0x21b: {  	v41 =	vmul.f32 v58, v58;
	v51 =	vld [tilespmem:s1+$0x10B0];
	v23 =	vadd.f32 v37, v23;
	v24 =	vadd.f32 v39, v24  }
0x21c: {  	v47 =	vmul.f32 v62, v62;
	v49 =	vld [tilespmem:s1+$0x70A0];
	v50 =	vmul.f32 v36, v36;
	v22 =	vadd.f32 v40, v22  }
0x21d: {  	v55 =	vld [tilespmem:s1+$0x10C0];
	v48 =	vmul.f32 v38, v36;
	v23 =	vadd.f32 v41, v23;
	v24 =	vadd.f32 v43, v24  }
0x21e: {  	v52 =	vmul.f32 v38, v38;
	v61 =	vld [tilespmem:s1+$0x10D0];
	v54 =	vmul.f32 v44, v42;
	v22 =	vadd.f32 v45, v22  }
0x21f: {  	v56 =	vmul.f32 v44, v44;
	v44 =	vld [tilespmem:s1+$0x70F0];
	v23 =	vadd.f32 v47, v23;
	v24 =	vadd.f32 v48, v24  }
0x220: {  	v62 =	vmul.f32 v53, v51;
	v28 =	vmul.f32 v42, v42;
	v57 =	vld [tilespmem:s1+$0x70C0];
	v22 =	vadd.f32 v50, v22  }
0x221: {  	v58 =	vmul.f32 v49, v46;
	v63 =	vld [tilespmem:s1+$0x70D0];
	v23 =	vadd.f32 v52, v23;
	v24 =	vadd.f32 v54, v24  }
0x222: {  	v36 =	vmul.f32 v51, v51;
	v59 =	vmul.f32 v46, v46;
	v37 =	vld [tilespmem:s1+$0x10E0];
	v22 =	vadd.f32 v28, v22  }
0x223: {  	v60 =	vmul.f32 v49, v49;
	v42 =	vld [tilespmem:s1+$0x10F0];
	v23 =	vadd.f32 v56, v23;
	v24 =	vadd.f32 v58, v24  }
0x224: {  	v38 =	vmul.f32 v53, v53;
	v40 =	vld [tilespmem:s1+$0x70E0];
	v41 =	vmul.f32 v55, v55;
	v22 =	vadd.f32 v59, v22  }
0x225: {  	v46 =	vld [tilespmem:s1+$0x1480];
	v39 =	vmul.f32 v57, v55;
	v23 =	vadd.f32 v60, v23;
	v24 =	vadd.f32 v62, v24  }
0x226: {  	v43 =	vmul.f32 v57, v57;
	v52 =	vld [tilespmem:s1+$0x1490];
	v45 =	vmul.f32 v63, v61;
	v22 =	vadd.f32 v36, v22  }
0x227: {  	v47 =	vmul.f32 v63, v63;
	v63 =	vld [tilespmem:s1+$0x74B0];
	v23 =	vadd.f32 v38, v23;
	v24 =	vadd.f32 v39, v24  }
0x228: {  	v53 =	vmul.f32 v44, v42;
	v28 =	vmul.f32 v61, v61;
	v48 =	vld [tilespmem:s1+$0x7480];
	v22 =	vadd.f32 v41, v22  }
0x229: {  	v49 =	vmul.f32 v40, v37;
	v61 =	vld [tilespmem:s1+$0x14B0];
	v23 =	vadd.f32 v43, v23;
	v24 =	vadd.f32 v45, v24  }
0x22a: {  	v55 =	vmul.f32 v42, v42;
	v50 =	vmul.f32 v37, v37;
	v54 =	vld [tilespmem:s1+$0x7490];
	v22 =	vadd.f32 v28, v22  }
0x22b: {  	v51 =	vmul.f32 v40, v40;
	v56 =	vld [tilespmem:s1+$0x14A0];
	v23 =	vadd.f32 v47, v23;
	v24 =	vadd.f32 v49, v24  }
0x22c: {  	v57 =	vmul.f32 v44, v44;
	v59 =	vld [tilespmem:s1+$0x74A0];
	v60 =	vmul.f32 v46, v46;
	v22 =	vadd.f32 v50, v22  }
0x22d: {  	v58 =	vmul.f32 v48, v46;
	v23 =	vadd.f32 v51, v23;
	v24 =	vadd.f32 v53, v24  }
0x22e: {  	v37 =	vld [tilespmem:s1+$0x14C0];
	v44 =	vmul.f32 v63, v61;
	v62 =	vmul.f32 v48, v48;
	v22 =	vadd.f32 v55, v22  }
0x22f: {  	v43 =	vld [tilespmem:s1+$0x14D0];
	v36 =	vmul.f32 v54, v52;
	v23 =	vadd.f32 v57, v23;
	v24 =	vadd.f32 v58, v24  }
0x230: {  	v38 =	vmul.f32 v54, v54;
	v28 =	vmul.f32 v52, v52;
	v39 =	vld [tilespmem:s1+$0x74C0];
	v22 =	vadd.f32 v60, v22  }
0x231: {  	v40 =	vmul.f32 v59, v56;
	v54 =	vld [tilespmem:s1+$0x74F0];
	v23 =	vadd.f32 v62, v23;
	v24 =	vadd.f32 v36, v24  }
0x232: {  	v46 =	vmul.f32 v61, v61;
	v41 =	vmul.f32 v56, v56;
	v45 =	vld [tilespmem:s1+$0x74D0];
	v22 =	vadd.f32 v28, v22  }
0x233: {  	s30 =	sadd.s32 $0x1, s10;
	v42 =	vmul.f32 v59, v59;
	v47 =	vld [tilespmem:s1+$0x14E0];
	v23 =	vadd.f32 v38, v23;
	v24 =	vadd.f32 v40, v24  }
0x234: {  	v48 =	vmul.f32 v63, v63;
	v59 =	vadd.s32 s30, v4;
	v50 =	vld [tilespmem:s1+$0x74E0];
	v22 =	vadd.f32 v41, v22  }
0x235: {  	v52 =	vld [tilespmem:s1+$0x14F0];
	v49 =	vmul.f32 v39, v37;
	v23 =	vadd.f32 v42, v23;
	v24 =	vadd.f32 v44, v24  }
0x236: {  	v51 =	vmul.f32 v37, v37;
	v53 =	vmul.f32 v39, v39;
	v22 =	vadd.f32 v46, v22  }
0x237: {  	v55 =	vmul.f32 v45, v43;
	v23 =	vadd.f32 v48, v23;
	v24 =	vadd.f32 v49, v24  }
0x238: {  	v56 =	vmul.f32 v45, v45;
	v28 =	vmul.f32 v43, v43;
	v22 =	vadd.f32 v51, v22  }
0x239: {  	v57 =	vmul.f32 v50, v47;
	v23 =	vadd.f32 v53, v23;
	v24 =	vadd.f32 v55, v24  }
0x23a: {  	v61 =	vmul.f32 v54, v52;
	v58 =	vmul.f32 v47, v47;
	v22 =	vadd.f32 v28, v22  }
0x23b: {  	v60 =	vmul.f32 v50, v50;
	v23 =	vadd.f32 v56, v23;
	v24 =	vadd.f32 v57, v24  }
0x23c: {  	p0 =	slt.u32 s10, $0xE;
	v62 =	vmul.f32 v52, v52;
	v22 =	vadd.f32 v58, v22  }
.Ltmp1:
0x23d: {  	v63 =	vmul.f32 v54, v54;
	v23 =	vadd.f32 v60, v23;
	v24 =	vadd.f32 v61, v24;
	(pc) =	sbr.rel @p0 .LBB2_5-.Ltmp1, $4  }
0x23e: {  	v22 =	vadd.f32 v62, v22  }
0x23f: {  	v23 =	vadd.f32 v63, v23;
	[tilespmem:v59+s25+$0x0] =	vst.idx.msk $0xffff, v24  }
0x240: {  	[tilespmem:v59+s26+$0x0] =	vst.idx.msk $0xffff, v22  }
0x241: {  	s4 =	sadd.s32 $0x100, s4;
	s10 =	sadd.s32 $0x2, s10;
	[tilespmem:v59+s28+$0x0] =	vst.idx.msk $0xffff, v23  }
0x242: {  	_ =	sdelay $0x3  }
0x243: {  	v22 =	vld.idx.msk [tilespmem:v0+s25+$0x0], $0xffff  }
0x244: {  	v23 =	vld.idx.msk [tilespmem:v0+s26+$0x0], $0xffff  }
0x245: {  	v24 =	vld.idx.msk [tilespmem:v0+s28+$0x0], $0xffff  }
0x246: {  	v25 =	vld.idx.msk [tilespmem:v11+s25+$0x0], $0xffff  }
0x247: {  	v26 =	vld.idx.msk [tilespmem:v11+s26+$0x0], $0xffff  }
0x248: {  	v58 =	vld.idx.msk [tilespmem:v11+s28+$0x0], $0xffff  }
0x249: {  	v27 =	vld.idx.msk [tilespmem:v12+s25+$0x0], $0xffff  }
0x24a: {  	v28 =	vld.idx.msk [tilespmem:v12+s26+$0x0], $0xffff  }
0x24b: {  	v59 =	vld.idx.msk [tilespmem:v12+s28+$0x0], $0xffff  }
0x24c: {  	v29 =	vld.idx.msk [tilespmem:v16+s25+$0x0], $0xffff  }
0x24d: {  	v30 =	vld.idx.msk [tilespmem:v16+s26+$0x0], $0xffff  }
0x24e: {  	v60 =	vld.idx.msk [tilespmem:v16+s28+$0x0], $0xffff  }
0x24f: {  	v31 =	vld.idx.msk [tilespmem:v17+s25+$0x0], $0xffff  }
0x250: {  	v32 =	vld.idx.msk [tilespmem:v17+s26+$0x0], $0xffff  }
0x251: {  	v61 =	vld.idx.msk [tilespmem:v17+s28+$0x0], $0xffff  }
0x252: {  	v33 =	vld.idx.msk [tilespmem:v20+s25+$0x0], $0xffff  }
0x253: {  	v34 =	vld.idx.msk [tilespmem:v20+s26+$0x0], $0xffff  }
0x254: {  	v62 =	vld.idx.msk [tilespmem:v20+s28+$0x0], $0xffff  }
0x255: {  	v35 =	vld.idx.msk [tilespmem:v21+s25+$0x0], $0xffff  }
0x256: {  	v36 =	vld.idx.msk [tilespmem:v21+s26+$0x0], $0xffff  }
0x257: {  	v63 =	vld.idx.msk [tilespmem:v21+s28+$0x0], $0xffff  }
0x258: {  	v37 =	vld.idx.msk [tilespmem:v13+s25+$0x0], $0xffff;
	v23 =	vadd.f32 $0.0e+00, v23;
	v24 =	vadd.f32 $0.0e+00, v24  }
0x259: {  	v38 =	vld.idx.msk [tilespmem:v13+s26+$0x0], $0xffff;
	v22 =	vadd.f32 $0.0e+00, v22  }
0x25a: {  	v40 =	vld.idx.msk [tilespmem:v13+s28+$0x0], $0xffff;
	v23 =	vadd.f32 v26, v23;
	v11 =	vadd.f32 v58, v24  }
0x25b: {  	v41 =	vld.idx.msk [tilespmem:v8+s25+$0x0], $0xffff;
	v22 =	vadd.f32 v25, v22  }
0x25c: {  	v42 =	vld.idx.msk [tilespmem:v8+s26+$0x0], $0xffff;
	v23 =	vadd.f32 v28, v23;
	v11 =	vadd.f32 v59, v11  }
0x25d: {  	v8 =	vld.idx.msk [tilespmem:v8+s28+$0x0], $0xffff;
	v22 =	vadd.f32 v27, v22  }
0x25e: {  	v43 =	vld.idx.msk [tilespmem:v7+s25+$0x0], $0xffff;
	v23 =	vadd.f32 v30, v23;
	v11 =	vadd.f32 v60, v11  }
0x25f: {  	v44 =	vld.idx.msk [tilespmem:v7+s26+$0x0], $0xffff;
	v22 =	vadd.f32 v29, v22  }
0x260: {  	v7 =	vld.idx.msk [tilespmem:v7+s28+$0x0], $0xffff;
	v23 =	vadd.f32 v32, v23;
	v11 =	vadd.f32 v61, v11  }
0x261: {  	v46 =	vld.idx.msk [tilespmem:v9+s25+$0x0], $0xffff;
	v45 =	vadd.f32 v31, v22  }
0x262: {  	v47 =	vld.idx.msk [tilespmem:v9+s26+$0x0], $0xffff;
	v23 =	vadd.f32 v34, v23;
	v11 =	vadd.f32 v62, v11  }
0x263: {  	v48 =	vld.idx.msk [tilespmem:v9+s28+$0x0], $0xffff;
	v17 =	vadd.f32 v33, v45  }
0x264: {  	v49 =	vld.idx.msk [tilespmem:v10+s25+$0x0], $0xffff;
	v23 =	vadd.f32 v36, v23;
	v11 =	vadd.f32 v63, v11  }
0x265: {  	v50 =	vld.idx.msk [tilespmem:v10+s26+$0x0], $0xffff;
	v17 =	vadd.f32 v35, v17  }
0x266: {  	v51 =	vld.idx.msk [tilespmem:v10+s28+$0x0], $0xffff;
	v23 =	vadd.f32 v38, v23;
	v11 =	vadd.f32 v40, v11  }
0x267: {  	v53 =	vld.idx.msk [tilespmem:v14+s25+$0x0], $0xffff;
	v52 =	vadd.f32 v37, v17  }
0x268: {  	v54 =	vld.idx.msk [tilespmem:v14+s26+$0x0], $0xffff;
	v12 =	vadd.f32 v42, v23;
	v8 =	vadd.f32 v8, v11  }
0x269: {  	v55 =	vld.idx.msk [tilespmem:v14+s28+$0x0], $0xffff;
	v13 =	vadd.f32 v41, v52  }
0x26a: {  	v56 =	vld.idx.msk [tilespmem:v15+s26+$0x0], $0xffff;
	v12 =	vadd.f32 v44, v12;
	v7 =	vadd.f32 v7, v8  }
0x26b: {  	v57 =	vld.idx.msk [tilespmem:v15+s28+$0x0], $0xffff;
	v13 =	vadd.f32 v43, v13  }
0x26c: {  	v58 =	vld.idx.msk [tilespmem:v18+s25+$0x0], $0xffff;
	v12 =	vadd.f32 v47, v12;
	v7 =	vadd.f32 v48, v7  }
0x26d: {  	v59 =	vld.idx.msk [tilespmem:v18+s26+$0x0], $0xffff;
	v13 =	vadd.f32 v46, v13  }
0x26e: {  	v8 =	vld.idx.msk [tilespmem:v15+s25+$0x0], $0xffff;
	v12 =	vadd.f32 v50, v12;
	v7 =	vadd.f32 v51, v7  }
0x26f: {  	v60 =	vld.idx.msk [tilespmem:v18+s28+$0x0], $0xffff;
	v13 =	vadd.f32 v49, v13  }
0x270: {  	v61 =	vld.idx.msk [tilespmem:v19+s26+$0x0], $0xffff;
	v11 =	vadd.f32 v54, v12;
	v7 =	vadd.f32 v55, v7  }
0x271: {  	v62 =	vld.idx.msk [tilespmem:v19+s28+$0x0], $0xffff;
	v13 =	vadd.f32 v53, v13  }
0x272: {  	v63 =	vld.idx.msk [tilespmem:v19+s25+$0x0], $0xffff;
	v11 =	vadd.f32 v56, v11;
	v7 =	vadd.f32 v57, v7  }
0x273: {  	v8 =	vadd.f32 v8, v13  }
0x274: {  	v10 =	vadd.f32 v59, v11;
	v7 =	vadd.f32 v60, v7  }
0x275: {  	v8 =	vadd.f32 v58, v8  }
0x276: {  	v10 =	vadd.f32 v61, v10;
	v7 =	vadd.f32 v62, v7  }
0x277: {  	v8 =	vadd.f32 v63, v8  }
0x278: {  	v7 =	vmul.f32 v7, v10  }
0x279: {  	v9 =	vmul.f32 v8, v8  }
0x27a: {  	v10 =	vmul.f32 $3.600000140e-01, v7;
	v7 =	vmul.f32 $1.599999960e-01, v7;
	_ =	sdelay $0x1  }
0x27b: {  	vm1 =	vgt.f32 v8, $0.0e+00;
	vm2 =	vge.f32 v9, v10;
	vm3 =	vge.f32 v9, v7  }
0x27c: {  	vm2 =	vmand vm1, vm2;
	vm1 =	vmand vm1, vm3  }
0x27d: {  	s31 =	sadd.s32 $0x1, s31;
	v7 =	vsel vm1, $0x1, v5;
	v8 =	vsel vm2, $0xFFFFFFFF, v6  }
0x27e: {  	s1 =	rddreg [dreg:$0x3];
	p0 =	sne.s32 s31, $0x31;
	v7 =	vadd.s32 v8, v7  }
.Ltmp2:
0x27f: {  	s30 =	simm.s32 $0x0;
	s0 =	sadd.s32 s1, s0;
	[tilespmem:$0xC090] =	vst v7;
	(pc) =	sbr.rel @p0 .LBB2_2-.Ltmp2, $4  }
0x280: {  	[hbm4b:s0+s30] =	stream.linear.scatter [tilespmem:s29], [sflag:$0x2], $0x20, $0x38;
	[tilespmem:$0xC580] =	vst v63  }
0x281: {  	_ =	swait.ge [sflag:s11], $0x20  }
0x282: {  	[sflag:s11] =	ssyncset.done $0x0  }
0x283: {  	[sflag:s11] =	ssyncadd.s32 $0xFFFFFFE0  }
0x284: {  	s1 =	rddreg [dreg:$0x6]  }
0x285: {  	s0 =	rddreg [dreg:$0x5];
	s1 =	sadd.s32 $0x1, s1  }
0x286: {  	p0 =	sne.s32 s1, s0  }
.Ltmp3:
0x287: {  	_ = 	snop;
	(pc) =	sbr.rel @p0 .LBB2_1-.Ltmp3, $1  }
0x288: {  	_ =	sdelay $0x3  }
0x289: {  	_ =	sfence.sel $0x180000  }
0x28a: {  	[bflag:$0x0] =	sbarrier.arrive $0xFFFF  }
0x28b: {  	_ =	strace $0x90000047  }
0x28c: {  	s0 =	stileid.u32;
	[bflag:$0x2] =	sbarrier.arrive $0xFFFF  }
0x28d: {  	p0 =	sne.s32 s0, $0x0;
	s0 =	rddreg [dreg:$0x4]  }
0x28e: {  	s0 =	sadd.s32 @!p0 $0x100000, s0  }
0x28f: {  	[sflag:s0] =	ssyncadd.tile.s32 @!p0 $0x1;
	_ =	shalt  }
.Lfunc_end2:
_tile_overlayer_lowered:
.L_overlay_start_2:
0x290: {  	(tag) =	ssettag $0x2  }
0x291: {  	s0 =	rddreg [dreg:$0x0];
	s2 =	stileid.u32  }
0x292: {  	s1 =	rddreg [dreg:$0x1];
	p0 =	sne.s32 s2, $0x0  }
0x293: {  	s3 =	rddreg [dreg:$0x2];
	[bflag:$0x3] =	sbarrier.arrive $0xFFFF;
	s2 =	simm.s32 @!p0 $0x1C02  }
0x294: {  	[timem:s3], [sflag:s2] =	dma.local @!p0 [hbm:s0], s1  }
0x295: {  	s0 =	simm.s32 @!p0 $0x2  }
0x296: {  	_ =	swait.ge @!p0 [sflag:s0], s1  }
0x297: {  	s1 =	ssub.s32 @!p0 $0x0, s1;
	[sflag:s0] =	ssyncset.done @!p0 $0x0  }
0x298: {  	[sflag:s0] =	ssyncadd.s32 @!p0 s1  }
0x299: {  	[bflag:$0x3] =	sbarrier.arrive $0xFFFF  }
0x29a: {  	_ =	shalt  }

</sc_bundles>
